<compile_context>
chip_gen: v7x
topology: tpu7x:2x2x1
jax: 0.10.2.dev20260603
libtpu: 0.0.44.dev20260713+nightly
codegen_flags: <defaults>
</compile_context>

<pallas_src>
import functools

import jax
import jax.numpy as jnp
from jax import lax
from jax.experimental import pallas as pl
from jax.experimental.pallas import tpu as pltpu
from jax.experimental.pallas import tpu_sc as plsc

N = 10000
E = 320000
D = 128
H = 8
DH = 16

NC = 2
NS = 16
HC = H // NC
HW = HC * DH
EPS = E // NS
K = 80
NCHUNK = EPS // K
ACCW = HW + 16
ZCH = 200
NZCH = N // ZCH



def _prep_body(f_ref, ws_ref, bs_ref, wd_ref, bd_ref, wv_ref, bv_ref,
               h_ref, fsv_ref, fd_ref):
    x = f_ref[...]
    mu = jnp.mean(x, axis=-1, keepdims=True)
    xc = x - mu
    var = jnp.mean(xc * xc, axis=-1, keepdims=True)
    h = xc * lax.rsqrt(var + 1e-5)
    dn = (((1,), (1,)), ((), ()))
    fs = lax.dot_general(h, ws_ref[...], dn,
                         preferred_element_type=jnp.float32) + bs_ref[...]
    fd = lax.dot_general(h, wd_ref[...], dn,
                         preferred_element_type=jnp.float32) + bd_ref[...]
    fv = lax.dot_general(h, wv_ref[...], dn,
                         preferred_element_type=jnp.float32) + bv_ref[...]
    h_ref[...] = h
    fsv_ref[0] = jnp.concatenate([fs[:, 0:HW], fv[:, 0:HW]], axis=1)
    fsv_ref[1] = jnp.concatenate([fs[:, HW:D], fv[:, HW:D]], axis=1)
    fd_ref[0] = fd[:, 0:HW]
    fd_ref[1] = fd[:, HW:D]


def _prep(feat, W_src, b_src, W_dst, b_dst, W_val, b_val):
    blk = 2000
    grid = (N // blk,)
    wspec = pl.BlockSpec((D, D), lambda i: (0, 0))
    bspec = pl.BlockSpec((1, D), lambda i: (0, 0))
    return pl.pallas_call(
        _prep_body,
        grid=grid,
        in_specs=[
            pl.BlockSpec((blk, D), lambda i: (i, 0)),
            wspec, bspec, wspec, bspec, wspec, bspec,
        ],
        out_specs=[
            pl.BlockSpec((blk, D), lambda i: (i, 0)),
            pl.BlockSpec((NC, blk, 2 * HW), lambda i: (0, i, 0)),
            pl.BlockSpec((NC, blk, HW), lambda i: (0, i, 0)),
        ],
        out_shape=[
            jax.ShapeDtypeStruct((N, D), jnp.float32),
            jax.ShapeDtypeStruct((NC, N, 2 * HW), jnp.float32),
            jax.ShapeDtypeStruct((NC, N, HW), jnp.float32),
        ],
    )(feat, W_src, b_src.reshape(1, D), W_dst, b_dst.reshape(1, D),
      W_val, b_val.reshape(1, D))



def _edge_body(fsv_hbm, fd_hbm, src_hbm, dst_hbm, attn_hbm, acc_hbm,
               attn_v, didx_b, sidx_b, didx2_b, fsv_b, fd_b, mrow_b,
               zbuf_v, acc_sh, sem_d):
    c = lax.axis_index("c")
    s = lax.axis_index("s")
    zero16 = jnp.zeros((16,), jnp.float32)

    def zb(k, _):
        for j in range(ACCW // 16):
            zbuf_v[k, pl.ds(16 * j, 16)] = zero16
        return 0
    lax.fori_loop(0, ZCH, zb, 0)

    for jj in range((NZCH + NS - 1) // NS):
        idx = s + jj * NS

        @pl.when(idx < NZCH)
        def _():
            pltpu.sync_copy(zbuf_v, acc_sh.at[pl.ds(idx * ZCH, ZCH)])
    pltpu.sync_copy(attn_hbm.at[pl.ds(c * HW, HW)], attn_v)

    plsc.subcore_barrier()

    gd = lax.GatherDimensionNumbers(offset_dims=(), collapsed_slice_dims=(0,),
                                    start_index_map=(0,))
    lane = lax.iota(jnp.int32, 16)
    hidx = [(lane * 0 + h).reshape(16, 1) for h in range(HC)]
    pm8 = (lane ^ 8).reshape(16, 1)
    pm4 = (lane ^ 4).reshape(16, 1)
    pm2 = (lane ^ 2).reshape(16, 1)
    pm1 = (lane ^ 1).reshape(16, 1)
    psel = ((lane & 1) * 8).reshape(16, 1)
    lt8 = lane < 8
    lt2 = lane < 2

    def g(v, p):
        return lax.gather(v, p, gd, slice_sizes=(1,),
                          mode=lax.GatherScatterMode.PROMISE_IN_BOUNDS)

    def issue_gathers(ci):
        p = lax.rem(ci, 2)
        lb = ci * K
        sv, dv = sidx_b.at[p], didx2_b.at[p]
        pltpu.sync_copy(src_hbm.at[pl.ds(s * EPS + lb, K)], sv)
        pltpu.sync_copy(dst_hbm.at[pl.ds(s * EPS + lb, K)], dv)

        def fill(i, _):
            sl16 = pl.ds(16 * i, 16)
            sv[sl16] = sv[sl16] + c * N
            dv[sl16] = dv[sl16] + c * N
            return 0
        lax.fori_loop(0, K // 16, fill, 0)
        pltpu.async_copy(fsv_hbm.at[sv], fsv_b.at[p], sem_d.at[p])
        pltpu.async_copy(fd_hbm.at[dv], fd_b.at[p], sem_d.at[p])

    def wait_gathers(p):
        pltpu.make_async_copy(fsv_hbm.at[sidx_b.at[p]],
                              fsv_b.at[p], sem_d.at[p]).wait()
        pltpu.make_async_copy(fd_hbm.at[didx2_b.at[p]],
                              fd_b.at[p], sem_d.at[p]).wait()

    def wait_scatter(p):
        pltpu.make_async_copy(mrow_b.at[p], acc_sh.at[didx_b.at[p]],
                              sem_d.at[p]).wait()

    issue_gathers(0)

    def step(ci, _):
        p = lax.rem(ci, 2)

        @pl.when(ci + 1 < NCHUNK)
        def _():
            issue_gathers(ci + 1)
        wait_gathers(p)

        @pl.when(ci >= 2)
        def _():
            wait_scatter(p)
        fsv_v, fd_v, mrow_v, didx_v = (
            fsv_b.at[p], fd_b.at[p], mrow_b.at[p], didx_b.at[p])

        def unshift(i, _):
            didx_v[pl.ds(16 * i, 16)] = (
                didx2_b.at[p][pl.ds(16 * i, 16)] - c * N)
            return 0
        lax.fori_loop(0, K // 16, unshift, 0)

        a_h = [attn_v[pl.ds(h * DH, DH)] for h in range(HC)]

        def one_edge(k):
            ts = []
            for h in range(HC):
                x = fsv_v[k, pl.ds(h * DH, DH)] + fd_v[k, pl.ds(h * DH, DH)]
                sl = x / (1.0 + jnp.exp(-x))
                ts.append(sl * a_h[h])
            f = [t + g(t, pm8) for t in ts]
            mA = jnp.where(lt8, f[0], f[1])
            mB = jnp.where(lt8, f[2], f[3])
            for pm in (pm4, pm2, pm1):
                mA = mA + g(mA, pm)
                mB = mB + g(mB, pm)
            evec = jnp.where(lt2, g(mA, psel), g(mB, psel))
            pv = jnp.exp(evec)
            mrow_v[k, pl.ds(HW, 16)] = pv
            for h in range(HC):
                mrow_v[k, pl.ds(h * DH, DH)] = (
                    fsv_v[k, pl.ds(HW + h * DH, DH)] * g(pv, hidx[h]))

        @plsc.parallel_loop(0, K, step=1, unroll=8)
        def _(k):
            one_edge(k)

        pltpu.async_copy(mrow_v, acc_sh.at[didx_v], sem_d.at[p], add=True)
        return 0
    lax.fori_loop(0, NCHUNK, step, 0)
    wait_scatter(0)
    wait_scatter(1)

    plsc.subcore_barrier()
    for jj in range((NZCH + NS - 1) // NS):
        idx = s + jj * NS

        @pl.when(idx < NZCH)
        def _():
            pltpu.sync_copy(acc_sh.at[pl.ds(idx * ZCH, ZCH)],
                            acc_hbm.at[c, pl.ds(idx * ZCH, ZCH)])


@functools.partial(
    pl.kernel,
    out_type=jax.ShapeDtypeStruct((NC, N, ACCW), jnp.float32),
    mesh=plsc.VectorSubcoreMesh(core_axis_name="c", subcore_axis_name="s",
                                num_cores=NC, num_subcores=NS),
    compiler_params=pltpu.CompilerParams(use_tc_tiling_on_sc=False),
    scratch_types=[
        pltpu.VMEM((HW,), jnp.float32),
        pltpu.VMEM((2, K), jnp.int32),
        pltpu.VMEM((2, K), jnp.int32),
        pltpu.VMEM((2, K), jnp.int32),
        pltpu.VMEM((2, K, 2 * HW), jnp.float32),
        pltpu.VMEM((2, K, HW), jnp.float32),
        pltpu.VMEM((2, K, ACCW), jnp.float32),
        pltpu.VMEM((ZCH, ACCW), jnp.float32),
        pltpu.VMEM_SHARED((N, ACCW), jnp.float32),
        pltpu.SemaphoreType.DMA((2,)),
    ],
)
def _edge(fsv_hbm, fd_hbm, src_hbm, dst_hbm, attn_hbm, acc_hbm,
          attn_v, didx_b, sidx_b, didx2_b, fsv_b, fd_b, mrow_b,
          zbuf_v, acc_sh, sem_d):
    _edge_body(fsv_hbm, fd_hbm, src_hbm, dst_hbm, attn_hbm, acc_hbm,
               attn_v, didx_b, sidx_b, didx2_b, fsv_b, fd_b, mrow_b,
               zbuf_v, acc_sh, sem_d)



def _fin_body(acc_ref, h_ref, o_ref):
    a = acc_ref[...]
    numer = jnp.concatenate([a[0, :, 0:HW], a[1, :, 0:HW]], axis=1)
    col = lax.broadcasted_iota(jnp.int32, (HC, D), 1)
    row = lax.broadcasted_iota(jnp.int32, (HC, D), 0)
    sel_a = (col // DH == row).astype(jnp.float32)
    sel_b = (col // DH == row + HC).astype(jnp.float32)
    dexp = (
        lax.dot_general(a[0, :, HW:HW + HC], sel_a, (((1,), (0,)), ((), ())),
                        preferred_element_type=jnp.float32)
        + lax.dot_general(a[1, :, HW:HW + HC], sel_b, (((1,), (0,)), ((), ())),
                          preferred_element_type=jnp.float32))
    dsafe = jnp.where(dexp > 0.0, dexp, 1.0)
    hu = numer / dsafe + h_ref[...]
    o_ref[...] = hu / (1.0 + jnp.exp(-hu))


def _finish(acc, h):
    blk = 2000
    grid = (N // blk,)
    return pl.pallas_call(
        _fin_body,
        grid=grid,
        in_specs=[
            pl.BlockSpec((NC, blk, ACCW), lambda i: (0, i, 0)),
            pl.BlockSpec((blk, D), lambda i: (i, 0)),
        ],
        out_specs=pl.BlockSpec((blk, D), lambda i: (i, 0)),
        out_shape=jax.ShapeDtypeStruct((N, D), jnp.float32),
    )(acc, h)


def kernel(feat, edge_index, W_src, b_src, W_dst, b_dst, W_val, b_val, attn):
    h, fsv, fd = _prep(feat, W_src, b_src, W_dst, b_dst, W_val, b_val)
    acc = _edge(fsv.reshape(NC * N, 2 * HW), fd.reshape(NC * N, HW),
                edge_index[0], edge_index[1], attn.reshape(D))
    return _finish(acc, h)

# --- scband reference (transcript-rebuilt; emitter-appended) ---
"""Pipeline reference for scband-gatv3-conv-83013127897110 (READ-ONLY COPY).

The authoritative reference and input builder live on the scoring server;
editing this copy changes nothing except your own understanding.
"""

import jax, jax.numpy as jnp
import numpy as np

N = 10000
E = 320000
D = 128
H = 8
DH = D // H

def setup_inputs(seed: int = 0) -> dict:
    key = jax.random.key(seed)
    ks = jax.random.split(key, 10)
    x = jax.random.normal(ks[0], (N, D), dtype=jnp.float32)
    edge_index = jax.random.randint(ks[1], (2, E), 0, N, dtype=jnp.int32)
    std = float(np.sqrt(2.0 / (D + D)))
    W_src = jax.random.normal(ks[2], (D, D), dtype=jnp.float32) * std
    b_src = jnp.zeros((D,), dtype=jnp.float32)
    W_dst = jax.random.normal(ks[3], (D, D), dtype=jnp.float32) * std
    b_dst = jnp.zeros((D,), dtype=jnp.float32)
    W_val = jax.random.normal(ks[4], (D, D), dtype=jnp.float32) * std
    b_val = jnp.zeros((D,), dtype=jnp.float32)
    attn_std = float(np.sqrt(2.0 / (H * DH + DH)))
    attn = jax.random.normal(ks[5], (1, H, DH), dtype=jnp.float32) * attn_std
    return {"feat": x, "edge_index": edge_index, "W_src": W_src, "b_src": b_src,
            "W_dst": W_dst, "b_dst": b_dst, "W_val": W_val, "b_val": b_val, "attn": attn}

def reference(feat, edge_index, W_src, b_src, W_dst, b_dst, W_val, b_val, attn):
    src = edge_index[0]
    dst = edge_index[1]
    # LayerNorm without elementwise affine
    mu = jnp.mean(feat, axis=-1, keepdims=True)
    var = jnp.mean((feat - mu) ** 2, axis=-1, keepdims=True)
    h = (feat - mu) / jnp.sqrt(var + 1e-5)
    # feat_drop is identity in eval mode
    fs = (h @ W_src.T + b_src).reshape(-1, H, DH)
    fd = (h @ W_dst.T + b_dst).reshape(-1, H, DH)
    fv = (h @ W_val.T + b_val).reshape(-1, H, DH)
    # edge attention logits: u_add_v then SiLU then dot with attn vector
    e = jax.nn.silu(fs[src] + fd[dst])              # [E, H, DH]
    e = jnp.sum(e * attn, axis=-1)                   # [E, H]
    # edge softmax over incoming edges per destination node
    emax = jax.ops.segment_max(e, dst, num_segments=N)
    emax = jnp.where(jnp.isfinite(emax), emax, 0.0)
    ex = jnp.exp(e - emax[dst])
    denom = jax.ops.segment_sum(ex, dst, num_segments=N)
    a = ex / denom[dst]                              # [E, H]
    # message passing: u_mul_e then sum reduce to dst
    msg = fv[src] * a[:, :, None]                    # [E, H, DH]
    hu = jax.ops.segment_sum(msg, dst, num_segments=N).reshape(N, D)
    # residual (in_feats == out_feats -> Identity) applied on post-norm features
    hu = hu + h
    out = jax.nn.silu(hu)
    return out

if __name__ == "__main__":
    import jax
    _d = setup_inputs()
    print(jax.jit(kernel)(*tuple(_d.values())))

</pallas_src>

<mosaic_0001>
#map = affine_map<(d0, d1) -> (0, 0)>
#map1 = affine_map<(d0, d1) -> (0)>
#map2 = affine_map<(d0, d1) -> (0, 0, 0)>
module attributes {stable_mosaic.version = 14 : i64} {
  func.func @_edge(%arg0: i32, %arg1: i32, %arg2: memref<20000x128xf32, #tpu.memory_space<hbm>>, %arg3: memref<20000x64xf32, #tpu.memory_space<hbm>>, %arg4: memref<320000xi32, #tpu.memory_space<hbm>>, %arg5: memref<320000xi32, #tpu.memory_space<hbm>>, %arg6: memref<128xf32, #tpu.memory_space<hbm>>, %arg7: memref<2x10000x80xf32, #tpu.memory_space<hbm>>, %arg8: memref<64xf32, #tpu.memory_space<vmem>>, %arg9: memref<2x80xi32, #tpu.memory_space<vmem>>, %arg10: memref<2x80xi32, #tpu.memory_space<vmem>>, %arg11: memref<2x80xi32, #tpu.memory_space<vmem>>, %arg12: memref<2x80x128xf32, #tpu.memory_space<vmem>>, %arg13: memref<2x80x64xf32, #tpu.memory_space<vmem>>, %arg14: memref<2x80x80xf32, #tpu.memory_space<vmem>>, %arg15: memref<200x80xf32, #tpu.memory_space<vmem>>, %arg16: memref<10000x80xf32, #tpu.memory_space<vmem_shared>>, %arg17: memref<2x!tpu.dma_semaphore, #tpu.memory_space<semaphore_mem>>) attributes {dimension_semantics = [#tpu.dimension_semantics<core_parallel>, #tpu.dimension_semantics<subcore_parallel>], iteration_bounds = array<i64: 2, 16>, scalar_prefetch = 0 : i64, scratch_operands = 10 : i64, tpu.core_type = #tpu.core_type<sc_vector_subcore>, window_params = [{transform_indices = #map}, {transform_indices = #map}, {transform_indices = #map1}, {transform_indices = #map1}, {transform_indices = #map1}, {transform_indices = #map2}]} {
    %broadcast_in_dim3A = arith.constant 0.000000e+00 : f32
    %broadcast_in_dim3A_0 = vector.broadcast %broadcast_in_dim3A : f32 to vector<16xf32>
    %scan3A = arith.constant 0 : i32
    %scan3A_1 = arith.constant 0 : i32
    %scan3A_2 = arith.constant 200 : i32
    %scan3A_3 = arith.addi %scan3A_1, %scan3A_2 : i32
    %scan3A_4 = arith.constant 1 : i32
    %scan3A_5 = scf.for %scan3A_191 = %scan3A_1 to %scan3A_3 step %scan3A_4 iter_args(%scan3A_192 = %scan3A) -> (i32)  : i32 {
      %swap3A = arith.index_cast %scan3A_191 : i32 to index
      %swap3A_193 = arith.constant 0 : index
      %swap3A_194 = tpu.vector_load %arg15[%swap3A, %swap3A_193] {strides = array<i32>} : memref<200x80xf32, #tpu.memory_space<vmem>>, vector<1x16xf32>,
      %swap3A_195 = vector.shape_cast %swap3A_194 : vector<1x16xf32> to vector<16xf32>
      %swap3A_196 = vector.shape_cast %broadcast_in_dim3A_0 : vector<16xf32> to vector<1x16xf32>
      tpu.vector_store %arg15[%swap3A, %swap3A_193], %swap3A_196 {strides = array<i32>} : memref<200x80xf32, #tpu.memory_space<vmem>>, vector<1x16xf32>,
      %swap3A_197 = arith.index_cast %scan3A_191 : i32 to index
      %swap3A_198 = arith.constant 16 : index
      %swap3A_199 = tpu.vector_load %arg15[%swap3A_197, %swap3A_198] {strides = array<i32>} : memref<200x80xf32, #tpu.memory_space<vmem>>, vector<1x16xf32>,
      %swap3A_200 = vector.shape_cast %swap3A_199 : vector<1x16xf32> to vector<16xf32>
      %swap3A_201 = vector.shape_cast %broadcast_in_dim3A_0 : vector<16xf32> to vector<1x16xf32>
      tpu.vector_store %arg15[%swap3A_197, %swap3A_198], %swap3A_201 {strides = array<i32>} : memref<200x80xf32, #tpu.memory_space<vmem>>, vector<1x16xf32>,
      %swap3A_202 = arith.index_cast %scan3A_191 : i32 to index
      %swap3A_203 = arith.constant 32 : index
      %swap3A_204 = tpu.vector_load %arg15[%swap3A_202, %swap3A_203] {strides = array<i32>} : memref<200x80xf32, #tpu.memory_space<vmem>>, vector<1x16xf32>,
      %swap3A_205 = vector.shape_cast %swap3A_204 : vector<1x16xf32> to vector<16xf32>
      %swap3A_206 = vector.shape_cast %broadcast_in_dim3A_0 : vector<16xf32> to vector<1x16xf32>
      tpu.vector_store %arg15[%swap3A_202, %swap3A_203], %swap3A_206 {strides = array<i32>} : memref<200x80xf32, #tpu.memory_space<vmem>>, vector<1x16xf32>,
      %swap3A_207 = arith.index_cast %scan3A_191 : i32 to index
      %swap3A_208 = arith.constant 48 : index
      %swap3A_209 = tpu.vector_load %arg15[%swap3A_207, %swap3A_208] {strides = array<i32>} : memref<200x80xf32, #tpu.memory_space<vmem>>, vector<1x16xf32>,
      %swap3A_210 = vector.shape_cast %swap3A_209 : vector<1x16xf32> to vector<16xf32>
      %swap3A_211 = vector.shape_cast %broadcast_in_dim3A_0 : vector<16xf32> to vector<1x16xf32>
      tpu.vector_store %arg15[%swap3A_207, %swap3A_208], %swap3A_211 {strides = array<i32>} : memref<200x80xf32, #tpu.memory_space<vmem>>, vector<1x16xf32>,
      %swap3A_212 = arith.index_cast %scan3A_191 : i32 to index
      %swap3A_213 = arith.constant 64 : index
      %swap3A_214 = tpu.vector_load %arg15[%swap3A_212, %swap3A_213] {strides = array<i32>} : memref<200x80xf32, #tpu.memory_space<vmem>>, vector<1x16xf32>,
      %swap3A_215 = vector.shape_cast %swap3A_214 : vector<1x16xf32> to vector<16xf32>
      %swap3A_216 = vector.shape_cast %broadcast_in_dim3A_0 : vector<16xf32> to vector<1x16xf32>
      tpu.vector_store %arg15[%swap3A_212, %swap3A_213], %swap3A_216 {strides = array<i32>} : memref<200x80xf32, #tpu.memory_space<vmem>>, vector<1x16xf32>,
      %scan3A_217 = arith.constant 0 : i32
      scf.yield %scan3A_217 : i32
    }
    %scan3A_6 = arith.constant 200 : i32
    %add3A = arith.constant 0 : i32
    %add3A_7 = arith.addi %arg1, %add3A : i32
    %lt3A = arith.constant 50 : i32
    %lt3A_8 = arith.cmpi slt, %add3A_7, %lt3A : i32
    %convert_element_type3A = arith.extui %lt3A_8 : i1 to i32
    %cond3A = arith.constant 0 : i32
    %cond3A_9 = arith.cmpi ne, %convert_element_type3A, %cond3A : i32
    scf.if %cond3A_9 {
      %mul3A_191 = arith.constant 200 : i32
      %mul3A_192 = arith.muli %add3A_7, %mul3A_191 : i32
      "tpu.region"() ({
        %run_scoped3A = tpu.sem_alloc : memref<!tpu.dma_semaphore, #tpu.memory_space<semaphore_mem>>
        %dma_start3A_193 = arith.constant 0 : i32
        %dma_start3A_194 = tpu.memref_slice %arg16[%mul3A_192, %dma_start3A_193] : memref<10000x80xf32, #tpu.memory_space<vmem_shared>> -> memref<200x80xf32, #tpu.memory_space<vmem_shared>>
        %dma_start3A_195 = arith.constant 0 : i32
        %dma_start3A_196 = tpu.memref_slice %arg16[%mul3A_192, %dma_start3A_195] : memref<10000x80xf32, #tpu.memory_space<vmem_shared>> -> memref<200x80xf32, #tpu.memory_space<vmem_shared>>
        tpu.enqueue_dma source(%arg15 : memref<200x80xf32, #tpu.memory_space<vmem>>) target(%dma_start3A_196 : memref<200x80xf32, #tpu.memory_space<vmem_shared>>) target_semaphore(%run_scoped3A : memref<!tpu.dma_semaphore, #tpu.memory_space<semaphore_mem>>)
        %dma_wait3A_197 = arith.constant 0 : i32
        %dma_wait3A_198 = tpu.memref_slice %arg16[%mul3A_192, %dma_wait3A_197] : memref<10000x80xf32, #tpu.memory_space<vmem_shared>> -> memref<200x80xf32, #tpu.memory_space<vmem_shared>>
        %dma_wait3A_199 = arith.constant 0 : i32
        %dma_wait3A_200 = tpu.memref_slice %arg16[%mul3A_192, %dma_wait3A_199] : memref<10000x80xf32, #tpu.memory_space<vmem_shared>> -> memref<200x80xf32, #tpu.memory_space<vmem_shared>>
        tpu.wait_dma2 semaphore(%run_scoped3A : memref<!tpu.dma_semaphore, #tpu.memory_space<semaphore_mem>>) src(%arg15 : memref<200x80xf32, #tpu.memory_space<vmem>>) dst(%dma_wait3A_200 : memref<200x80xf32, #tpu.memory_space<vmem_shared>>)
        tpu.yield
      }) : () -> ()
    } else {
    }
    %add3A_10 = arith.constant 16 : i32
    %add3A_11 = arith.addi %arg1, %add3A_10 : i32
    %lt3A_12 = arith.constant 50 : i32
    %lt3A_13 = arith.cmpi slt, %add3A_11, %lt3A_12 : i32
    %convert_element_type3A_14 = arith.extui %lt3A_13 : i1 to i32
    %cond3A_15 = arith.constant 0 : i32
    %cond3A_16 = arith.cmpi ne, %convert_element_type3A_14, %cond3A_15 : i32
    scf.if %cond3A_16 {
      %mul3A_191 = arith.constant 200 : i32
      %mul3A_192 = arith.muli %add3A_11, %mul3A_191 : i32
      "tpu.region"() ({
        %run_scoped3A = tpu.sem_alloc : memref<!tpu.dma_semaphore, #tpu.memory_space<semaphore_mem>>
        %dma_start3A_193 = arith.constant 0 : i32
        %dma_start3A_194 = tpu.memref_slice %arg16[%mul3A_192, %dma_start3A_193] : memref<10000x80xf32, #tpu.memory_space<vmem_shared>> -> memref<200x80xf32, #tpu.memory_space<vmem_shared>>
        %dma_start3A_195 = arith.constant 0 : i32
        %dma_start3A_196 = tpu.memref_slice %arg16[%mul3A_192, %dma_start3A_195] : memref<10000x80xf32, #tpu.memory_space<vmem_shared>> -> memref<200x80xf32, #tpu.memory_space<vmem_shared>>
        tpu.enqueue_dma source(%arg15 : memref<200x80xf32, #tpu.memory_space<vmem>>) target(%dma_start3A_196 : memref<200x80xf32, #tpu.memory_space<vmem_shared>>) target_semaphore(%run_scoped3A : memref<!tpu.dma_semaphore, #tpu.memory_space<semaphore_mem>>)
        %dma_wait3A_197 = arith.constant 0 : i32
        %dma_wait3A_198 = tpu.memref_slice %arg16[%mul3A_192, %dma_wait3A_197] : memref<10000x80xf32, #tpu.memory_space<vmem_shared>> -> memref<200x80xf32, #tpu.memory_space<vmem_shared>>
        %dma_wait3A_199 = arith.constant 0 : i32
        %dma_wait3A_200 = tpu.memref_slice %arg16[%mul3A_192, %dma_wait3A_199] : memref<10000x80xf32, #tpu.memory_space<vmem_shared>> -> memref<200x80xf32, #tpu.memory_space<vmem_shared>>
        tpu.wait_dma2 semaphore(%run_scoped3A : memref<!tpu.dma_semaphore, #tpu.memory_space<semaphore_mem>>) src(%arg15 : memref<200x80xf32, #tpu.memory_space<vmem>>) dst(%dma_wait3A_200 : memref<200x80xf32, #tpu.memory_space<vmem_shared>>)
        tpu.yield
      }) : () -> ()
    } else {
    }
    %add3A_17 = arith.constant 32 : i32
    %add3A_18 = arith.addi %arg1, %add3A_17 : i32
    %lt3A_19 = arith.constant 50 : i32
    %lt3A_20 = arith.cmpi slt, %add3A_18, %lt3A_19 : i32
    %convert_element_type3A_21 = arith.extui %lt3A_20 : i1 to i32
    %cond3A_22 = arith.constant 0 : i32
    %cond3A_23 = arith.cmpi ne, %convert_element_type3A_21, %cond3A_22 : i32
    scf.if %cond3A_23 {
      %mul3A_191 = arith.constant 200 : i32
      %mul3A_192 = arith.muli %add3A_18, %mul3A_191 : i32
      "tpu.region"() ({
        %run_scoped3A = tpu.sem_alloc : memref<!tpu.dma_semaphore, #tpu.memory_space<semaphore_mem>>
        %dma_start3A_193 = arith.constant 0 : i32
        %dma_start3A_194 = tpu.memref_slice %arg16[%mul3A_192, %dma_start3A_193] : memref<10000x80xf32, #tpu.memory_space<vmem_shared>> -> memref<200x80xf32, #tpu.memory_space<vmem_shared>>
        %dma_start3A_195 = arith.constant 0 : i32
        %dma_start3A_196 = tpu.memref_slice %arg16[%mul3A_192, %dma_start3A_195] : memref<10000x80xf32, #tpu.memory_space<vmem_shared>> -> memref<200x80xf32, #tpu.memory_space<vmem_shared>>
        tpu.enqueue_dma source(%arg15 : memref<200x80xf32, #tpu.memory_space<vmem>>) target(%dma_start3A_196 : memref<200x80xf32, #tpu.memory_space<vmem_shared>>) target_semaphore(%run_scoped3A : memref<!tpu.dma_semaphore, #tpu.memory_space<semaphore_mem>>)
        %dma_wait3A_197 = arith.constant 0 : i32
        %dma_wait3A_198 = tpu.memref_slice %arg16[%mul3A_192, %dma_wait3A_197] : memref<10000x80xf32, #tpu.memory_space<vmem_shared>> -> memref<200x80xf32, #tpu.memory_space<vmem_shared>>
        %dma_wait3A_199 = arith.constant 0 : i32
        %dma_wait3A_200 = tpu.memref_slice %arg16[%mul3A_192, %dma_wait3A_199] : memref<10000x80xf32, #tpu.memory_space<vmem_shared>> -> memref<200x80xf32, #tpu.memory_space<vmem_shared>>
        tpu.wait_dma2 semaphore(%run_scoped3A : memref<!tpu.dma_semaphore, #tpu.memory_space<semaphore_mem>>) src(%arg15 : memref<200x80xf32, #tpu.memory_space<vmem>>) dst(%dma_wait3A_200 : memref<200x80xf32, #tpu.memory_space<vmem_shared>>)
        tpu.yield
      }) : () -> ()
    } else {
    }
    %add3A_24 = arith.constant 48 : i32
    %add3A_25 = arith.addi %arg1, %add3A_24 : i32
    %lt3A_26 = arith.constant 50 : i32
    %lt3A_27 = arith.cmpi slt, %add3A_25, %lt3A_26 : i32
    %convert_element_type3A_28 = arith.extui %lt3A_27 : i1 to i32
    %cond3A_29 = arith.constant 0 : i32
    %cond3A_30 = arith.cmpi ne, %convert_element_type3A_28, %cond3A_29 : i32
    scf.if %cond3A_30 {
      %mul3A_191 = arith.constant 200 : i32
      %mul3A_192 = arith.muli %add3A_25, %mul3A_191 : i32
      "tpu.region"() ({
        %run_scoped3A = tpu.sem_alloc : memref<!tpu.dma_semaphore, #tpu.memory_space<semaphore_mem>>
        %dma_start3A_193 = arith.constant 0 : i32
        %dma_start3A_194 = tpu.memref_slice %arg16[%mul3A_192, %dma_start3A_193] : memref<10000x80xf32, #tpu.memory_space<vmem_shared>> -> memref<200x80xf32, #tpu.memory_space<vmem_shared>>
        %dma_start3A_195 = arith.constant 0 : i32
        %dma_start3A_196 = tpu.memref_slice %arg16[%mul3A_192, %dma_start3A_195] : memref<10000x80xf32, #tpu.memory_space<vmem_shared>> -> memref<200x80xf32, #tpu.memory_space<vmem_shared>>
        tpu.enqueue_dma source(%arg15 : memref<200x80xf32, #tpu.memory_space<vmem>>) target(%dma_start3A_196 : memref<200x80xf32, #tpu.memory_space<vmem_shared>>) target_semaphore(%run_scoped3A : memref<!tpu.dma_semaphore, #tpu.memory_space<semaphore_mem>>)
        %dma_wait3A_197 = arith.constant 0 : i32
        %dma_wait3A_198 = tpu.memref_slice %arg16[%mul3A_192, %dma_wait3A_197] : memref<10000x80xf32, #tpu.memory_space<vmem_shared>> -> memref<200x80xf32, #tpu.memory_space<vmem_shared>>
        %dma_wait3A_199 = arith.constant 0 : i32
        %dma_wait3A_200 = tpu.memref_slice %arg16[%mul3A_192, %dma_wait3A_199] : memref<10000x80xf32, #tpu.memory_space<vmem_shared>> -> memref<200x80xf32, #tpu.memory_space<vmem_shared>>
        tpu.wait_dma2 semaphore(%run_scoped3A : memref<!tpu.dma_semaphore, #tpu.memory_space<semaphore_mem>>) src(%arg15 : memref<200x80xf32, #tpu.memory_space<vmem>>) dst(%dma_wait3A_200 : memref<200x80xf32, #tpu.memory_space<vmem_shared>>)
        tpu.yield
      }) : () -> ()
    } else {
    }
    %mul3A = arith.constant 64 : i32
    %mul3A_31 = arith.muli %arg0, %mul3A : i32
    "tpu.region"() ({
      %run_scoped3A = tpu.sem_alloc : memref<!tpu.dma_semaphore, #tpu.memory_space<semaphore_mem>>
      %dma_start3A_191 = tpu.memref_slice %arg6[%mul3A_31] : memref<128xf32, #tpu.memory_space<hbm>> -> memref<64xf32, #tpu.memory_space<hbm>>
      %dma_start3A_192 = tpu.memref_slice %arg6[%mul3A_31] : memref<128xf32, #tpu.memory_space<hbm>> -> memref<64xf32, #tpu.memory_space<hbm>>
      tpu.enqueue_dma source(%dma_start3A_192 : memref<64xf32, #tpu.memory_space<hbm>>) target(%arg8 : memref<64xf32, #tpu.memory_space<vmem>>) target_semaphore(%run_scoped3A : memref<!tpu.dma_semaphore, #tpu.memory_space<semaphore_mem>>)
      %dma_wait3A_193 = tpu.memref_slice %arg6[%mul3A_31] : memref<128xf32, #tpu.memory_space<hbm>> -> memref<64xf32, #tpu.memory_space<hbm>>
      %dma_wait3A_194 = tpu.memref_slice %arg6[%mul3A_31] : memref<128xf32, #tpu.memory_space<hbm>> -> memref<64xf32, #tpu.memory_space<hbm>>
      tpu.wait_dma2 semaphore(%run_scoped3A : memref<!tpu.dma_semaphore, #tpu.memory_space<semaphore_mem>>) src(%dma_wait3A_194 : memref<64xf32, #tpu.memory_space<hbm>>) dst(%arg8 : memref<64xf32, #tpu.memory_space<vmem>>)
      tpu.yield
    }) : () -> ()
    %barrier3A = arith.constant 0 : index
    tpu.barrier barrier_id(%barrier3A)
    %iota3A = tpu.iota {dimensions = array<i32: 0>} : vector<16xi32>
    %mul3A_32 = arith.constant 0 : i32
    %mul3A_33 = vector.broadcast %mul3A_32 : i32 to vector<16xi32>
    %mul3A_34 = arith.muli %iota3A, %mul3A_33 : vector<16xi32>
    %add3A_35 = arith.constant 0 : i32
    %add3A_36 = vector.broadcast %add3A_35 : i32 to vector<16xi32>
    %add3A_37 = arith.addi %mul3A_34, %add3A_36 : vector<16xi32>
    %reshape3A = vector.shape_cast %add3A_37 : vector<16xi32> to vector<16x1xi32>
    %mul3A_38 = arith.constant 0 : i32
    %mul3A_39 = vector.broadcast %mul3A_38 : i32 to vector<16xi32>
    %mul3A_40 = arith.muli %iota3A, %mul3A_39 : vector<16xi32>
    %add3A_41 = arith.constant 1 : i32
    %add3A_42 = vector.broadcast %add3A_41 : i32 to vector<16xi32>
    %add3A_43 = arith.addi %mul3A_40, %add3A_42 : vector<16xi32>
    %reshape3A_44 = vector.shape_cast %add3A_43 : vector<16xi32> to vector<16x1xi32>
    %mul3A_45 = arith.constant 0 : i32
    %mul3A_46 = vector.broadcast %mul3A_45 : i32 to vector<16xi32>
    %mul3A_47 = arith.muli %iota3A, %mul3A_46 : vector<16xi32>
    %add3A_48 = arith.constant 2 : i32
    %add3A_49 = vector.broadcast %add3A_48 : i32 to vector<16xi32>
    %add3A_50 = arith.addi %mul3A_47, %add3A_49 : vector<16xi32>
    %reshape3A_51 = vector.shape_cast %add3A_50 : vector<16xi32> to vector<16x1xi32>
    %mul3A_52 = arith.constant 0 : i32
    %mul3A_53 = vector.broadcast %mul3A_52 : i32 to vector<16xi32>
    %mul3A_54 = arith.muli %iota3A, %mul3A_53 : vector<16xi32>
    %add3A_55 = arith.constant 3 : i32
    %add3A_56 = vector.broadcast %add3A_55 : i32 to vector<16xi32>
    %add3A_57 = arith.addi %mul3A_54, %add3A_56 : vector<16xi32>
    %reshape3A_58 = vector.shape_cast %add3A_57 : vector<16xi32> to vector<16x1xi32>
    %xor3A = arith.constant 8 : i32
    %xor3A_59 = vector.broadcast %xor3A : i32 to vector<16xi32>
    %xor3A_60 = arith.xori %iota3A, %xor3A_59 : vector<16xi32>
    %reshape3A_61 = vector.shape_cast %xor3A_60 : vector<16xi32> to vector<16x1xi32>
    %xor3A_62 = arith.constant 4 : i32
    %xor3A_63 = vector.broadcast %xor3A_62 : i32 to vector<16xi32>
    %xor3A_64 = arith.xori %iota3A, %xor3A_63 : vector<16xi32>
    %reshape3A_65 = vector.shape_cast %xor3A_64 : vector<16xi32> to vector<16x1xi32>
    %xor3A_66 = arith.constant 2 : i32
    %xor3A_67 = vector.broadcast %xor3A_66 : i32 to vector<16xi32>
    %xor3A_68 = arith.xori %iota3A, %xor3A_67 : vector<16xi32>
    %reshape3A_69 = vector.shape_cast %xor3A_68 : vector<16xi32> to vector<16x1xi32>
    %xor3A_70 = arith.constant 1 : i32
    %xor3A_71 = vector.broadcast %xor3A_70 : i32 to vector<16xi32>
    %xor3A_72 = arith.xori %iota3A, %xor3A_71 : vector<16xi32>
    %reshape3A_73 = vector.shape_cast %xor3A_72 : vector<16xi32> to vector<16x1xi32>
    %and3A = arith.constant 1 : i32
    %and3A_74 = vector.broadcast %and3A : i32 to vector<16xi32>
    %and3A_75 = arith.andi %iota3A, %and3A_74 : vector<16xi32>
    %mul3A_76 = arith.constant 8 : i32
    %mul3A_77 = vector.broadcast %mul3A_76 : i32 to vector<16xi32>
    %mul3A_78 = arith.muli %and3A_75, %mul3A_77 : vector<16xi32>
    %reshape3A_79 = vector.shape_cast %mul3A_78 : vector<16xi32> to vector<16x1xi32>
    %lt3A_80 = arith.constant 8 : i32
    %lt3A_81 = vector.broadcast %lt3A_80 : i32 to vector<16xi32>
    %lt3A_82 = arith.cmpi slt, %iota3A, %lt3A_81 : vector<16xi32>
    %lt3A_83 = arith.constant 2 : i32
    %lt3A_84 = vector.broadcast %lt3A_83 : i32 to vector<16xi32>
    %lt3A_85 = arith.cmpi slt, %iota3A, %lt3A_84 : vector<16xi32>
    %rem3A = arith.constant 0 : i32
    %rem3A_86 = arith.constant 2 : i32
    %rem3A_87 = arith.remsi %rem3A, %rem3A_86 : i32
    %mul3A_88 = arith.constant 20000 : i32
    %mul3A_89 = arith.muli %arg1, %mul3A_88 : i32
    %add3A_90 = arith.constant 0 : i32
    %add3A_91 = arith.addi %mul3A_89, %add3A_90 : i32
    "tpu.region"() ({
      %run_scoped3A = tpu.sem_alloc : memref<!tpu.dma_semaphore, #tpu.memory_space<semaphore_mem>>
      %dma_start3A_191 = arith.constant 0 : i32
      %dma_start3A_192 = tpu.memref_slice %arg10[%rem3A_87, %dma_start3A_191] : memref<2x80xi32, #tpu.memory_space<vmem>> -> memref<1x80xi32, #tpu.memory_space<vmem>>
      %dma_start3A_193 = tpu.memref_squeeze %dma_start3A_192 : memref<1x80xi32, #tpu.memory_space<vmem>> -> memref<80xi32, #tpu.memory_space<vmem>>
      %dma_start3A_194 = tpu.memref_slice %arg4[%add3A_91] : memref<320000xi32, #tpu.memory_space<hbm>> -> memref<80xi32, #tpu.memory_space<hbm>>
      %dma_start3A_195 = arith.constant 0 : i32
      %dma_start3A_196 = tpu.memref_slice %arg10[%rem3A_87, %dma_start3A_195] : memref<2x80xi32, #tpu.memory_space<vmem>> -> memref<1x80xi32, #tpu.memory_space<vmem>>
      %dma_start3A_197 = tpu.memref_squeeze %dma_start3A_196 : memref<1x80xi32, #tpu.memory_space<vmem>> -> memref<80xi32, #tpu.memory_space<vmem>>
      %dma_start3A_198 = tpu.memref_slice %arg4[%add3A_91] : memref<320000xi32, #tpu.memory_space<hbm>> -> memref<80xi32, #tpu.memory_space<hbm>>
      tpu.enqueue_dma source(%dma_start3A_198 : memref<80xi32, #tpu.memory_space<hbm>>) target(%dma_start3A_197 : memref<80xi32, #tpu.memory_space<vmem>>) target_semaphore(%run_scoped3A : memref<!tpu.dma_semaphore, #tpu.memory_space<semaphore_mem>>)
      %dma_wait3A_199 = arith.constant 0 : i32
      %dma_wait3A_200 = tpu.memref_slice %arg10[%rem3A_87, %dma_wait3A_199] : memref<2x80xi32, #tpu.memory_space<vmem>> -> memref<1x80xi32, #tpu.memory_space<vmem>>
      %dma_wait3A_201 = tpu.memref_squeeze %dma_wait3A_200 : memref<1x80xi32, #tpu.memory_space<vmem>> -> memref<80xi32, #tpu.memory_space<vmem>>
      %dma_wait3A_202 = tpu.memref_slice %arg4[%add3A_91] : memref<320000xi32, #tpu.memory_space<hbm>> -> memref<80xi32, #tpu.memory_space<hbm>>
      %dma_wait3A_203 = arith.constant 0 : i32
      %dma_wait3A_204 = tpu.memref_slice %arg10[%rem3A_87, %dma_wait3A_203] : memref<2x80xi32, #tpu.memory_space<vmem>> -> memref<1x80xi32, #tpu.memory_space<vmem>>
      %dma_wait3A_205 = tpu.memref_squeeze %dma_wait3A_204 : memref<1x80xi32, #tpu.memory_space<vmem>> -> memref<80xi32, #tpu.memory_space<vmem>>
      %dma_wait3A_206 = tpu.memref_slice %arg4[%add3A_91] : memref<320000xi32, #tpu.memory_space<hbm>> -> memref<80xi32, #tpu.memory_space<hbm>>
      tpu.wait_dma2 semaphore(%run_scoped3A : memref<!tpu.dma_semaphore, #tpu.memory_space<semaphore_mem>>) src(%dma_wait3A_206 : memref<80xi32, #tpu.memory_space<hbm>>) dst(%dma_wait3A_205 : memref<80xi32, #tpu.memory_space<vmem>>)
      tpu.yield
    }) : () -> ()
    %mul3A_92 = arith.constant 20000 : i32
    %mul3A_93 = arith.muli %arg1, %mul3A_92 : i32
    %add3A_94 = arith.constant 0 : i32
    %add3A_95 = arith.addi %mul3A_93, %add3A_94 : i32
    "tpu.region"() ({
      %run_scoped3A = tpu.sem_alloc : memref<!tpu.dma_semaphore, #tpu.memory_space<semaphore_mem>>
      %dma_start3A_191 = arith.constant 0 : i32
      %dma_start3A_192 = tpu.memref_slice %arg11[%rem3A_87, %dma_start3A_191] : memref<2x80xi32, #tpu.memory_space<vmem>> -> memref<1x80xi32, #tpu.memory_space<vmem>>
      %dma_start3A_193 = tpu.memref_squeeze %dma_start3A_192 : memref<1x80xi32, #tpu.memory_space<vmem>> -> memref<80xi32, #tpu.memory_space<vmem>>
      %dma_start3A_194 = tpu.memref_slice %arg5[%add3A_95] : memref<320000xi32, #tpu.memory_space<hbm>> -> memref<80xi32, #tpu.memory_space<hbm>>
      %dma_start3A_195 = arith.constant 0 : i32
      %dma_start3A_196 = tpu.memref_slice %arg11[%rem3A_87, %dma_start3A_195] : memref<2x80xi32, #tpu.memory_space<vmem>> -> memref<1x80xi32, #tpu.memory_space<vmem>>
      %dma_start3A_197 = tpu.memref_squeeze %dma_start3A_196 : memref<1x80xi32, #tpu.memory_space<vmem>> -> memref<80xi32, #tpu.memory_space<vmem>>
      %dma_start3A_198 = tpu.memref_slice %arg5[%add3A_95] : memref<320000xi32, #tpu.memory_space<hbm>> -> memref<80xi32, #tpu.memory_space<hbm>>
      tpu.enqueue_dma source(%dma_start3A_198 : memref<80xi32, #tpu.memory_space<hbm>>) target(%dma_start3A_197 : memref<80xi32, #tpu.memory_space<vmem>>) target_semaphore(%run_scoped3A : memref<!tpu.dma_semaphore, #tpu.memory_space<semaphore_mem>>)
      %dma_wait3A_199 = arith.constant 0 : i32
      %dma_wait3A_200 = tpu.memref_slice %arg11[%rem3A_87, %dma_wait3A_199] : memref<2x80xi32, #tpu.memory_space<vmem>> -> memref<1x80xi32, #tpu.memory_space<vmem>>
      %dma_wait3A_201 = tpu.memref_squeeze %dma_wait3A_200 : memref<1x80xi32, #tpu.memory_space<vmem>> -> memref<80xi32, #tpu.memory_space<vmem>>
      %dma_wait3A_202 = tpu.memref_slice %arg5[%add3A_95] : memref<320000xi32, #tpu.memory_space<hbm>> -> memref<80xi32, #tpu.memory_space<hbm>>
      %dma_wait3A_203 = arith.constant 0 : i32
      %dma_wait3A_204 = tpu.memref_slice %arg11[%rem3A_87, %dma_wait3A_203] : memref<2x80xi32, #tpu.memory_space<vmem>> -> memref<1x80xi32, #tpu.memory_space<vmem>>
      %dma_wait3A_205 = tpu.memref_squeeze %dma_wait3A_204 : memref<1x80xi32, #tpu.memory_space<vmem>> -> memref<80xi32, #tpu.memory_space<vmem>>
      %dma_wait3A_206 = tpu.memref_slice %arg5[%add3A_95] : memref<320000xi32, #tpu.memory_space<hbm>> -> memref<80xi32, #tpu.memory_space<hbm>>
      tpu.wait_dma2 semaphore(%run_scoped3A : memref<!tpu.dma_semaphore, #tpu.memory_space<semaphore_mem>>) src(%dma_wait3A_206 : memref<80xi32, #tpu.memory_space<hbm>>) dst(%dma_wait3A_205 : memref<80xi32, #tpu.memory_space<vmem>>)
      tpu.yield
    }) : () -> ()
    %scan3A_96 = arith.constant 0 : i32
    %scan3A_97 = arith.constant 0 : i32
    %scan3A_98 = arith.constant 5 : i32
    %scan3A_99 = arith.addi %scan3A_97, %scan3A_98 : i32
    %scan3A_100 = arith.constant 1 : i32
    %scan3A_101 = scf.for %scan3A_191 = %scan3A_97 to %scan3A_99 step %scan3A_100 iter_args(%scan3A_192 = %scan3A_96) -> (i32)  : i32 {
      %mul3A_193 = arith.constant 16 : i32
      %mul3A_194 = arith.muli %mul3A_193, %scan3A_191 : i32
      %get3A = arith.constant 0 : i32
      %get3A_195 = tpu.memref_slice %arg10[%rem3A_87, %get3A] : memref<2x80xi32, #tpu.memory_space<vmem>> -> memref<1x80xi32, #tpu.memory_space<vmem>>
      %get3A_196 = tpu.memref_squeeze %get3A_195 : memref<1x80xi32, #tpu.memory_space<vmem>> -> memref<80xi32, #tpu.memory_space<vmem>>
      %get3A_197 = arith.index_cast %mul3A_194 : i32 to index
      %get3A_198 = tpu.vector_load %get3A_196[%get3A_197] {strides = array<i32>} : memref<80xi32, #tpu.memory_space<vmem>>, vector<16xi32>,
      %get3A_199 = vector.shape_cast %get3A_198 : vector<16xi32> to vector<16xi32>
      %mul3A_200 = arith.constant 10000 : i32
      %mul3A_201 = arith.muli %arg0, %mul3A_200 : i32
      %add3A_202 = vector.broadcast %mul3A_201 : i32 to vector<16xi32>
      %add3A_203 = arith.addi %get3A_199, %add3A_202 : vector<16xi32>
      %swap3A = arith.constant 0 : i32
      %swap3A_204 = tpu.memref_slice %arg10[%rem3A_87, %swap3A] : memref<2x80xi32, #tpu.memory_space<vmem>> -> memref<1x80xi32, #tpu.memory_space<vmem>>
      %swap3A_205 = tpu.memref_squeeze %swap3A_204 : memref<1x80xi32, #tpu.memory_space<vmem>> -> memref<80xi32, #tpu.memory_space<vmem>>
      %swap3A_206 = arith.index_cast %mul3A_194 : i32 to index
      %swap3A_207 = tpu.vector_load %swap3A_205[%swap3A_206] {strides = array<i32>} : memref<80xi32, #tpu.memory_space<vmem>>, vector<16xi32>,
      %swap3A_208 = vector.shape_cast %swap3A_207 : vector<16xi32> to vector<16xi32>
      %swap3A_209 = vector.shape_cast %add3A_203 : vector<16xi32> to vector<16xi32>
      tpu.vector_store %swap3A_205[%swap3A_206], %swap3A_209 {strides = array<i32>} : memref<80xi32, #tpu.memory_space<vmem>>, vector<16xi32>,
      %get3A_210 = arith.constant 0 : i32
      %get3A_211 = tpu.memref_slice %arg11[%rem3A_87, %get3A_210] : memref<2x80xi32, #tpu.memory_space<vmem>> -> memref<1x80xi32, #tpu.memory_space<vmem>>
      %get3A_212 = tpu.memref_squeeze %get3A_211 : memref<1x80xi32, #tpu.memory_space<vmem>> -> memref<80xi32, #tpu.memory_space<vmem>>
      %get3A_213 = arith.index_cast %mul3A_194 : i32 to index
      %get3A_214 = tpu.vector_load %get3A_212[%get3A_213] {strides = array<i32>} : memref<80xi32, #tpu.memory_space<vmem>>, vector<16xi32>,
      %get3A_215 = vector.shape_cast %get3A_214 : vector<16xi32> to vector<16xi32>
      %mul3A_216 = arith.constant 10000 : i32
      %mul3A_217 = arith.muli %arg0, %mul3A_216 : i32
      %add3A_218 = vector.broadcast %mul3A_217 : i32 to vector<16xi32>
      %add3A_219 = arith.addi %get3A_215, %add3A_218 : vector<16xi32>
      %swap3A_220 = arith.constant 0 : i32
      %swap3A_221 = tpu.memref_slice %arg11[%rem3A_87, %swap3A_220] : memref<2x80xi32, #tpu.memory_space<vmem>> -> memref<1x80xi32, #tpu.memory_space<vmem>>
      %swap3A_222 = tpu.memref_squeeze %swap3A_221 : memref<1x80xi32, #tpu.memory_space<vmem>> -> memref<80xi32, #tpu.memory_space<vmem>>
      %swap3A_223 = arith.index_cast %mul3A_194 : i32 to index
      %swap3A_224 = tpu.vector_load %swap3A_222[%swap3A_223] {strides = array<i32>} : memref<80xi32, #tpu.memory_space<vmem>>, vector<16xi32>,
      %swap3A_225 = vector.shape_cast %swap3A_224 : vector<16xi32> to vector<16xi32>
      %swap3A_226 = vector.shape_cast %add3A_219 : vector<16xi32> to vector<16xi32>
      tpu.vector_store %swap3A_222[%swap3A_223], %swap3A_226 {strides = array<i32>} : memref<80xi32, #tpu.memory_space<vmem>>, vector<16xi32>,
      %scan3A_227 = arith.constant 0 : i32
      scf.yield %scan3A_227 : i32
    }
    %scan3A_102 = arith.constant 5 : i32
    %dma_start3A = arith.constant 0 : i32
    %dma_start3A_103 = arith.constant 0 : i32
    %dma_start3A_104 = tpu.memref_slice %arg12[%rem3A_87, %dma_start3A, %dma_start3A_103] : memref<2x80x128xf32, #tpu.memory_space<vmem>> -> memref<1x80x128xf32, #tpu.memory_space<vmem>>
    %dma_start3A_105 = tpu.memref_squeeze %dma_start3A_104 : memref<1x80x128xf32, #tpu.memory_space<vmem>> -> memref<80x128xf32, #tpu.memory_space<vmem>>
    %dma_start3A_106 = arith.constant 0 : i32
    %dma_start3A_107 = tpu.memref_slice %arg10[%rem3A_87, %dma_start3A_106] : memref<2x80xi32, #tpu.memory_space<vmem>> -> memref<1x80xi32, #tpu.memory_space<vmem>>
    %dma_start3A_108 = tpu.memref_squeeze %dma_start3A_107 : memref<1x80xi32, #tpu.memory_space<vmem>> -> memref<80xi32, #tpu.memory_space<vmem>>
    %dma_start3A_109 = arith.constant 0 : i32
    %dma_start3A_110 = arith.constant 0 : i32
    %dma_start3A_111 = tpu.memref_slice %arg2[%dma_start3A_109, %dma_start3A_110] : memref<20000x128xf32, #tpu.memory_space<hbm>> -> memref<20000x128xf32, #tpu.memory_space<hbm>>
    %dma_start3A_112 = tpu.memref_slice %arg17[%rem3A_87] : memref<2x!tpu.dma_semaphore, #tpu.memory_space<semaphore_mem>> -> memref<1x!tpu.dma_semaphore, #tpu.memory_space<semaphore_mem>>
    %dma_start3A_113 = tpu.memref_squeeze %dma_start3A_112 : memref<1x!tpu.dma_semaphore, #tpu.memory_space<semaphore_mem>> -> memref<!tpu.dma_semaphore, #tpu.memory_space<semaphore_mem>>
    tpu.enqueue_indirect_dma source(%dma_start3A_111 : memref<20000x128xf32, #tpu.memory_space<hbm>>) target(%dma_start3A_105 : memref<80x128xf32, #tpu.memory_space<vmem>>) offsets(%dma_start3A_108 : memref<80xi32, #tpu.memory_space<vmem>>) semaphore(%dma_start3A_113 : memref<!tpu.dma_semaphore, #tpu.memory_space<semaphore_mem>>)
    %dma_start3A_114 = arith.constant 0 : i32
    %dma_start3A_115 = arith.constant 0 : i32
    %dma_start3A_116 = tpu.memref_slice %arg13[%rem3A_87, %dma_start3A_114, %dma_start3A_115] : memref<2x80x64xf32, #tpu.memory_space<vmem>> -> memref<1x80x64xf32, #tpu.memory_space<vmem>>
    %dma_start3A_117 = tpu.memref_squeeze %dma_start3A_116 : memref<1x80x64xf32, #tpu.memory_space<vmem>> -> memref<80x64xf32, #tpu.memory_space<vmem>>
    %dma_start3A_118 = arith.constant 0 : i32
    %dma_start3A_119 = tpu.memref_slice %arg11[%rem3A_87, %dma_start3A_118] : memref<2x80xi32, #tpu.memory_space<vmem>> -> memref<1x80xi32, #tpu.memory_space<vmem>>
    %dma_start3A_120 = tpu.memref_squeeze %dma_start3A_119 : memref<1x80xi32, #tpu.memory_space<vmem>> -> memref<80xi32, #tpu.memory_space<vmem>>
    %dma_start3A_121 = arith.constant 0 : i32
    %dma_start3A_122 = arith.constant 0 : i32
    %dma_start3A_123 = tpu.memref_slice %arg3[%dma_start3A_121, %dma_start3A_122] : memref<20000x64xf32, #tpu.memory_space<hbm>> -> memref<20000x64xf32, #tpu.memory_space<hbm>>
    %dma_start3A_124 = tpu.memref_slice %arg17[%rem3A_87] : memref<2x!tpu.dma_semaphore, #tpu.memory_space<semaphore_mem>> -> memref<1x!tpu.dma_semaphore, #tpu.memory_space<semaphore_mem>>
    %dma_start3A_125 = tpu.memref_squeeze %dma_start3A_124 : memref<1x!tpu.dma_semaphore, #tpu.memory_space<semaphore_mem>> -> memref<!tpu.dma_semaphore, #tpu.memory_space<semaphore_mem>>
    tpu.enqueue_indirect_dma source(%dma_start3A_123 : memref<20000x64xf32, #tpu.memory_space<hbm>>) target(%dma_start3A_117 : memref<80x64xf32, #tpu.memory_space<vmem>>) offsets(%dma_start3A_120 : memref<80xi32, #tpu.memory_space<vmem>>) semaphore(%dma_start3A_125 : memref<!tpu.dma_semaphore, #tpu.memory_space<semaphore_mem>>)
    %scan3A_126 = arith.constant 0 : i32
    %scan3A_127 = arith.constant 0 : i32
    %scan3A_128 = arith.constant 250 : i32
    %scan3A_129 = arith.addi %scan3A_127, %scan3A_128 : i32
    %scan3A_130 = arith.constant 1 : i32
    %scan3A_131 = scf.for %scan3A_191 = %scan3A_127 to %scan3A_129 step %scan3A_130 iter_args(%scan3A_192 = %scan3A_126) -> (i32)  : i32 {
      %rem3A_193 = arith.constant 2 : i32
      %rem3A_194 = arith.remsi %scan3A_191, %rem3A_193 : i32
      %add3A_195 = arith.constant 1 : i32
      %add3A_196 = arith.addi %scan3A_191, %add3A_195 : i32
      %lt3A_197 = arith.constant 250 : i32
      %lt3A_198 = arith.cmpi slt, %add3A_196, %lt3A_197 : i32
      %convert_element_type3A_199 = arith.extui %lt3A_198 : i1 to i32
      %cond3A_200 = arith.constant 0 : i32
      %cond3A_201 = arith.cmpi ne, %convert_element_type3A_199, %cond3A_200 : i32
      scf.if %cond3A_201 {
        %add3A_263 = arith.constant 1 : i32
        %add3A_264 = arith.addi %scan3A_191, %add3A_263 : i32
        %rem3A_265 = arith.constant 2 : i32
        %rem3A_266 = arith.remsi %add3A_264, %rem3A_265 : i32
        %mul3A_267 = arith.constant 80 : i32
        %mul3A_268 = arith.muli %add3A_264, %mul3A_267 : i32
        %mul3A_269 = arith.constant 20000 : i32
        %mul3A_270 = arith.muli %arg1, %mul3A_269 : i32
        %add3A_271 = arith.addi %mul3A_270, %mul3A_268 : i32
        "tpu.region"() ({
          %run_scoped3A = tpu.sem_alloc : memref<!tpu.dma_semaphore, #tpu.memory_space<semaphore_mem>>
          %dma_start3A_306 = arith.constant 0 : i32
          %dma_start3A_307 = tpu.memref_slice %arg10[%rem3A_266, %dma_start3A_306] : memref<2x80xi32, #tpu.memory_space<vmem>> -> memref<1x80xi32, #tpu.memory_space<vmem>>
          %dma_start3A_308 = tpu.memref_squeeze %dma_start3A_307 : memref<1x80xi32, #tpu.memory_space<vmem>> -> memref<80xi32, #tpu.memory_space<vmem>>
          %dma_start3A_309 = tpu.memref_slice %arg4[%add3A_271] : memref<320000xi32, #tpu.memory_space<hbm>> -> memref<80xi32, #tpu.memory_space<hbm>>
          %dma_start3A_310 = arith.constant 0 : i32
          %dma_start3A_311 = tpu.memref_slice %arg10[%rem3A_266, %dma_start3A_310] : memref<2x80xi32, #tpu.memory_space<vmem>> -> memref<1x80xi32, #tpu.memory_space<vmem>>
          %dma_start3A_312 = tpu.memref_squeeze %dma_start3A_311 : memref<1x80xi32, #tpu.memory_space<vmem>> -> memref<80xi32, #tpu.memory_space<vmem>>
          %dma_start3A_313 = tpu.memref_slice %arg4[%add3A_271] : memref<320000xi32, #tpu.memory_space<hbm>> -> memref<80xi32, #tpu.memory_space<hbm>>
          tpu.enqueue_dma source(%dma_start3A_313 : memref<80xi32, #tpu.memory_space<hbm>>) target(%dma_start3A_312 : memref<80xi32, #tpu.memory_space<vmem>>) target_semaphore(%run_scoped3A : memref<!tpu.dma_semaphore, #tpu.memory_space<semaphore_mem>>)
          %dma_wait3A_314 = arith.constant 0 : i32
          %dma_wait3A_315 = tpu.memref_slice %arg10[%rem3A_266, %dma_wait3A_314] : memref<2x80xi32, #tpu.memory_space<vmem>> -> memref<1x80xi32, #tpu.memory_space<vmem>>
          %dma_wait3A_316 = tpu.memref_squeeze %dma_wait3A_315 : memref<1x80xi32, #tpu.memory_space<vmem>> -> memref<80xi32, #tpu.memory_space<vmem>>
          %dma_wait3A_317 = tpu.memref_slice %arg4[%add3A_271] : memref<320000xi32, #tpu.memory_space<hbm>> -> memref<80xi32, #tpu.memory_space<hbm>>
          %dma_wait3A_318 = arith.constant 0 : i32
          %dma_wait3A_319 = tpu.memref_slice %arg10[%rem3A_266, %dma_wait3A_318] : memref<2x80xi32, #tpu.memory_space<vmem>> -> memref<1x80xi32, #tpu.memory_space<vmem>>
          %dma_wait3A_320 = tpu.memref_squeeze %dma_wait3A_319 : memref<1x80xi32, #tpu.memory_space<vmem>> -> memref<80xi32, #tpu.memory_space<vmem>>
          %dma_wait3A_321 = tpu.memref_slice %arg4[%add3A_271] : memref<320000xi32, #tpu.memory_space<hbm>> -> memref<80xi32, #tpu.memory_space<hbm>>
          tpu.wait_dma2 semaphore(%run_scoped3A : memref<!tpu.dma_semaphore, #tpu.memory_space<semaphore_mem>>) src(%dma_wait3A_321 : memref<80xi32, #tpu.memory_space<hbm>>) dst(%dma_wait3A_320 : memref<80xi32, #tpu.memory_space<vmem>>)
          tpu.yield
        }) : () -> ()
        %mul3A_272 = arith.constant 20000 : i32
        %mul3A_273 = arith.muli %arg1, %mul3A_272 : i32
        %add3A_274 = arith.addi %mul3A_273, %mul3A_268 : i32
        "tpu.region"() ({
          %run_scoped3A = tpu.sem_alloc : memref<!tpu.dma_semaphore, #tpu.memory_space<semaphore_mem>>
          %dma_start3A_306 = arith.constant 0 : i32
          %dma_start3A_307 = tpu.memref_slice %arg11[%rem3A_266, %dma_start3A_306] : memref<2x80xi32, #tpu.memory_space<vmem>> -> memref<1x80xi32, #tpu.memory_space<vmem>>
          %dma_start3A_308 = tpu.memref_squeeze %dma_start3A_307 : memref<1x80xi32, #tpu.memory_space<vmem>> -> memref<80xi32, #tpu.memory_space<vmem>>
          %dma_start3A_309 = tpu.memref_slice %arg5[%add3A_274] : memref<320000xi32, #tpu.memory_space<hbm>> -> memref<80xi32, #tpu.memory_space<hbm>>
          %dma_start3A_310 = arith.constant 0 : i32
          %dma_start3A_311 = tpu.memref_slice %arg11[%rem3A_266, %dma_start3A_310] : memref<2x80xi32, #tpu.memory_space<vmem>> -> memref<1x80xi32, #tpu.memory_space<vmem>>
          %dma_start3A_312 = tpu.memref_squeeze %dma_start3A_311 : memref<1x80xi32, #tpu.memory_space<vmem>> -> memref<80xi32, #tpu.memory_space<vmem>>
          %dma_start3A_313 = tpu.memref_slice %arg5[%add3A_274] : memref<320000xi32, #tpu.memory_space<hbm>> -> memref<80xi32, #tpu.memory_space<hbm>>
          tpu.enqueue_dma source(%dma_start3A_313 : memref<80xi32, #tpu.memory_space<hbm>>) target(%dma_start3A_312 : memref<80xi32, #tpu.memory_space<vmem>>) target_semaphore(%run_scoped3A : memref<!tpu.dma_semaphore, #tpu.memory_space<semaphore_mem>>)
          %dma_wait3A_314 = arith.constant 0 : i32
          %dma_wait3A_315 = tpu.memref_slice %arg11[%rem3A_266, %dma_wait3A_314] : memref<2x80xi32, #tpu.memory_space<vmem>> -> memref<1x80xi32, #tpu.memory_space<vmem>>
          %dma_wait3A_316 = tpu.memref_squeeze %dma_wait3A_315 : memref<1x80xi32, #tpu.memory_space<vmem>> -> memref<80xi32, #tpu.memory_space<vmem>>
          %dma_wait3A_317 = tpu.memref_slice %arg5[%add3A_274] : memref<320000xi32, #tpu.memory_space<hbm>> -> memref<80xi32, #tpu.memory_space<hbm>>
          %dma_wait3A_318 = arith.constant 0 : i32
          %dma_wait3A_319 = tpu.memref_slice %arg11[%rem3A_266, %dma_wait3A_318] : memref<2x80xi32, #tpu.memory_space<vmem>> -> memref<1x80xi32, #tpu.memory_space<vmem>>
          %dma_wait3A_320 = tpu.memref_squeeze %dma_wait3A_319 : memref<1x80xi32, #tpu.memory_space<vmem>> -> memref<80xi32, #tpu.memory_space<vmem>>
          %dma_wait3A_321 = tpu.memref_slice %arg5[%add3A_274] : memref<320000xi32, #tpu.memory_space<hbm>> -> memref<80xi32, #tpu.memory_space<hbm>>
          tpu.wait_dma2 semaphore(%run_scoped3A : memref<!tpu.dma_semaphore, #tpu.memory_space<semaphore_mem>>) src(%dma_wait3A_321 : memref<80xi32, #tpu.memory_space<hbm>>) dst(%dma_wait3A_320 : memref<80xi32, #tpu.memory_space<vmem>>)
          tpu.yield
        }) : () -> ()
        %scan3A_275 = arith.constant 0 : i32
        %scan3A_276 = arith.constant 0 : i32
        %scan3A_277 = arith.constant 5 : i32
        %scan3A_278 = arith.addi %scan3A_276, %scan3A_277 : i32
        %scan3A_279 = arith.constant 1 : i32
        %scan3A_280 = scf.for %scan3A_306 = %scan3A_276 to %scan3A_278 step %scan3A_279 iter_args(%scan3A_307 = %scan3A_275) -> (i32)  : i32 {
          %mul3A_308 = arith.constant 16 : i32
          %mul3A_309 = arith.muli %mul3A_308, %scan3A_306 : i32
          %get3A_310 = arith.constant 0 : i32
          %get3A_311 = tpu.memref_slice %arg10[%rem3A_266, %get3A_310] : memref<2x80xi32, #tpu.memory_space<vmem>> -> memref<1x80xi32, #tpu.memory_space<vmem>>
          %get3A_312 = tpu.memref_squeeze %get3A_311 : memref<1x80xi32, #tpu.memory_space<vmem>> -> memref<80xi32, #tpu.memory_space<vmem>>
          %get3A_313 = arith.index_cast %mul3A_309 : i32 to index
          %get3A_314 = tpu.vector_load %get3A_312[%get3A_313] {strides = array<i32>} : memref<80xi32, #tpu.memory_space<vmem>>, vector<16xi32>,
          %get3A_315 = vector.shape_cast %get3A_314 : vector<16xi32> to vector<16xi32>
          %mul3A_316 = arith.constant 10000 : i32
          %mul3A_317 = arith.muli %arg0, %mul3A_316 : i32
          %add3A_318 = vector.broadcast %mul3A_317 : i32 to vector<16xi32>
          %add3A_319 = arith.addi %get3A_315, %add3A_318 : vector<16xi32>
          %swap3A = arith.constant 0 : i32
          %swap3A_320 = tpu.memref_slice %arg10[%rem3A_266, %swap3A] : memref<2x80xi32, #tpu.memory_space<vmem>> -> memref<1x80xi32, #tpu.memory_space<vmem>>
          %swap3A_321 = tpu.memref_squeeze %swap3A_320 : memref<1x80xi32, #tpu.memory_space<vmem>> -> memref<80xi32, #tpu.memory_space<vmem>>
          %swap3A_322 = arith.index_cast %mul3A_309 : i32 to index
          %swap3A_323 = tpu.vector_load %swap3A_321[%swap3A_322] {strides = array<i32>} : memref<80xi32, #tpu.memory_space<vmem>>, vector<16xi32>,
          %swap3A_324 = vector.shape_cast %swap3A_323 : vector<16xi32> to vector<16xi32>
          %swap3A_325 = vector.shape_cast %add3A_319 : vector<16xi32> to vector<16xi32>
          tpu.vector_store %swap3A_321[%swap3A_322], %swap3A_325 {strides = array<i32>} : memref<80xi32, #tpu.memory_space<vmem>>, vector<16xi32>,
          %get3A_326 = arith.constant 0 : i32
          %get3A_327 = tpu.memref_slice %arg11[%rem3A_266, %get3A_326] : memref<2x80xi32, #tpu.memory_space<vmem>> -> memref<1x80xi32, #tpu.memory_space<vmem>>
          %get3A_328 = tpu.memref_squeeze %get3A_327 : memref<1x80xi32, #tpu.memory_space<vmem>> -> memref<80xi32, #tpu.memory_space<vmem>>
          %get3A_329 = arith.index_cast %mul3A_309 : i32 to index
          %get3A_330 = tpu.vector_load %get3A_328[%get3A_329] {strides = array<i32>} : memref<80xi32, #tpu.memory_space<vmem>>, vector<16xi32>,
          %get3A_331 = vector.shape_cast %get3A_330 : vector<16xi32> to vector<16xi32>
          %mul3A_332 = arith.constant 10000 : i32
          %mul3A_333 = arith.muli %arg0, %mul3A_332 : i32
          %add3A_334 = vector.broadcast %mul3A_333 : i32 to vector<16xi32>
          %add3A_335 = arith.addi %get3A_331, %add3A_334 : vector<16xi32>
          %swap3A_336 = arith.constant 0 : i32
          %swap3A_337 = tpu.memref_slice %arg11[%rem3A_266, %swap3A_336] : memref<2x80xi32, #tpu.memory_space<vmem>> -> memref<1x80xi32, #tpu.memory_space<vmem>>
          %swap3A_338 = tpu.memref_squeeze %swap3A_337 : memref<1x80xi32, #tpu.memory_space<vmem>> -> memref<80xi32, #tpu.memory_space<vmem>>
          %swap3A_339 = arith.index_cast %mul3A_309 : i32 to index
          %swap3A_340 = tpu.vector_load %swap3A_338[%swap3A_339] {strides = array<i32>} : memref<80xi32, #tpu.memory_space<vmem>>, vector<16xi32>,
          %swap3A_341 = vector.shape_cast %swap3A_340 : vector<16xi32> to vector<16xi32>
          %swap3A_342 = vector.shape_cast %add3A_335 : vector<16xi32> to vector<16xi32>
          tpu.vector_store %swap3A_338[%swap3A_339], %swap3A_342 {strides = array<i32>} : memref<80xi32, #tpu.memory_space<vmem>>, vector<16xi32>,
          %scan3A_343 = arith.constant 0 : i32
          scf.yield %scan3A_343 : i32
        }
        %scan3A_281 = arith.constant 5 : i32
        %dma_start3A_282 = arith.constant 0 : i32
        %dma_start3A_283 = arith.constant 0 : i32
        %dma_start3A_284 = tpu.memref_slice %arg12[%rem3A_266, %dma_start3A_282, %dma_start3A_283] : memref<2x80x128xf32, #tpu.memory_space<vmem>> -> memref<1x80x128xf32, #tpu.memory_space<vmem>>
        %dma_start3A_285 = tpu.memref_squeeze %dma_start3A_284 : memref<1x80x128xf32, #tpu.memory_space<vmem>> -> memref<80x128xf32, #tpu.memory_space<vmem>>
        %dma_start3A_286 = arith.constant 0 : i32
        %dma_start3A_287 = tpu.memref_slice %arg10[%rem3A_266, %dma_start3A_286] : memref<2x80xi32, #tpu.memory_space<vmem>> -> memref<1x80xi32, #tpu.memory_space<vmem>>
        %dma_start3A_288 = tpu.memref_squeeze %dma_start3A_287 : memref<1x80xi32, #tpu.memory_space<vmem>> -> memref<80xi32, #tpu.memory_space<vmem>>
        %dma_start3A_289 = arith.constant 0 : i32
        %dma_start3A_290 = arith.constant 0 : i32
        %dma_start3A_291 = tpu.memref_slice %arg2[%dma_start3A_289, %dma_start3A_290] : memref<20000x128xf32, #tpu.memory_space<hbm>> -> memref<20000x128xf32, #tpu.memory_space<hbm>>
        %dma_start3A_292 = tpu.memref_slice %arg17[%rem3A_266] : memref<2x!tpu.dma_semaphore, #tpu.memory_space<semaphore_mem>> -> memref<1x!tpu.dma_semaphore, #tpu.memory_space<semaphore_mem>>
        %dma_start3A_293 = tpu.memref_squeeze %dma_start3A_292 : memref<1x!tpu.dma_semaphore, #tpu.memory_space<semaphore_mem>> -> memref<!tpu.dma_semaphore, #tpu.memory_space<semaphore_mem>>
        tpu.enqueue_indirect_dma source(%dma_start3A_291 : memref<20000x128xf32, #tpu.memory_space<hbm>>) target(%dma_start3A_285 : memref<80x128xf32, #tpu.memory_space<vmem>>) offsets(%dma_start3A_288 : memref<80xi32, #tpu.memory_space<vmem>>) semaphore(%dma_start3A_293 : memref<!tpu.dma_semaphore, #tpu.memory_space<semaphore_mem>>)
        %dma_start3A_294 = arith.constant 0 : i32
        %dma_start3A_295 = arith.constant 0 : i32
        %dma_start3A_296 = tpu.memref_slice %arg13[%rem3A_266, %dma_start3A_294, %dma_start3A_295] : memref<2x80x64xf32, #tpu.memory_space<vmem>> -> memref<1x80x64xf32, #tpu.memory_space<vmem>>
        %dma_start3A_297 = tpu.memref_squeeze %dma_start3A_296 : memref<1x80x64xf32, #tpu.memory_space<vmem>> -> memref<80x64xf32, #tpu.memory_space<vmem>>
        %dma_start3A_298 = arith.constant 0 : i32
        %dma_start3A_299 = tpu.memref_slice %arg11[%rem3A_266, %dma_start3A_298] : memref<2x80xi32, #tpu.memory_space<vmem>> -> memref<1x80xi32, #tpu.memory_space<vmem>>
        %dma_start3A_300 = tpu.memref_squeeze %dma_start3A_299 : memref<1x80xi32, #tpu.memory_space<vmem>> -> memref<80xi32, #tpu.memory_space<vmem>>
        %dma_start3A_301 = arith.constant 0 : i32
        %dma_start3A_302 = arith.constant 0 : i32
        %dma_start3A_303 = tpu.memref_slice %arg3[%dma_start3A_301, %dma_start3A_302] : memref<20000x64xf32, #tpu.memory_space<hbm>> -> memref<20000x64xf32, #tpu.memory_space<hbm>>
        %dma_start3A_304 = tpu.memref_slice %arg17[%rem3A_266] : memref<2x!tpu.dma_semaphore, #tpu.memory_space<semaphore_mem>> -> memref<1x!tpu.dma_semaphore, #tpu.memory_space<semaphore_mem>>
        %dma_start3A_305 = tpu.memref_squeeze %dma_start3A_304 : memref<1x!tpu.dma_semaphore, #tpu.memory_space<semaphore_mem>> -> memref<!tpu.dma_semaphore, #tpu.memory_space<semaphore_mem>>
        tpu.enqueue_indirect_dma source(%dma_start3A_303 : memref<20000x64xf32, #tpu.memory_space<hbm>>) target(%dma_start3A_297 : memref<80x64xf32, #tpu.memory_space<vmem>>) offsets(%dma_start3A_300 : memref<80xi32, #tpu.memory_space<vmem>>) semaphore(%dma_start3A_305 : memref<!tpu.dma_semaphore, #tpu.memory_space<semaphore_mem>>)
      } else {
      }
      %dma_wait3A_202 = arith.constant 0 : i32
      %dma_wait3A_203 = arith.constant 0 : i32
      %dma_wait3A_204 = tpu.memref_slice %arg12[%rem3A_194, %dma_wait3A_202, %dma_wait3A_203] : memref<2x80x128xf32, #tpu.memory_space<vmem>> -> memref<1x80x128xf32, #tpu.memory_space<vmem>>
      %dma_wait3A_205 = tpu.memref_squeeze %dma_wait3A_204 : memref<1x80x128xf32, #tpu.memory_space<vmem>> -> memref<80x128xf32, #tpu.memory_space<vmem>>
      %dma_wait3A_206 = arith.constant 0 : i32
      %dma_wait3A_207 = tpu.memref_slice %arg10[%rem3A_194, %dma_wait3A_206] : memref<2x80xi32, #tpu.memory_space<vmem>> -> memref<1x80xi32, #tpu.memory_space<vmem>>
      %dma_wait3A_208 = tpu.memref_squeeze %dma_wait3A_207 : memref<1x80xi32, #tpu.memory_space<vmem>> -> memref<80xi32, #tpu.memory_space<vmem>>
      %dma_wait3A_209 = arith.constant 0 : i32
      %dma_wait3A_210 = arith.constant 0 : i32
      %dma_wait3A_211 = tpu.memref_slice %arg2[%dma_wait3A_209, %dma_wait3A_210] : memref<20000x128xf32, #tpu.memory_space<hbm>> -> memref<20000x128xf32, #tpu.memory_space<hbm>>
      %dma_wait3A_212 = tpu.memref_slice %arg17[%rem3A_194] : memref<2x!tpu.dma_semaphore, #tpu.memory_space<semaphore_mem>> -> memref<1x!tpu.dma_semaphore, #tpu.memory_space<semaphore_mem>>
      %dma_wait3A_213 = tpu.memref_squeeze %dma_wait3A_212 : memref<1x!tpu.dma_semaphore, #tpu.memory_space<semaphore_mem>> -> memref<!tpu.dma_semaphore, #tpu.memory_space<semaphore_mem>>
      tpu.wait_indirect_dma semaphore(%dma_wait3A_213 : memref<!tpu.dma_semaphore, #tpu.memory_space<semaphore_mem>>) src(%dma_wait3A_211 : memref<20000x128xf32, #tpu.memory_space<hbm>>) dst(%dma_wait3A_205 : memref<80x128xf32, #tpu.memory_space<vmem>>)
      %dma_wait3A_214 = arith.constant 0 : i32
      %dma_wait3A_215 = arith.constant 0 : i32
      %dma_wait3A_216 = tpu.memref_slice %arg13[%rem3A_194, %dma_wait3A_214, %dma_wait3A_215] : memref<2x80x64xf32, #tpu.memory_space<vmem>> -> memref<1x80x64xf32, #tpu.memory_space<vmem>>
      %dma_wait3A_217 = tpu.memref_squeeze %dma_wait3A_216 : memref<1x80x64xf32, #tpu.memory_space<vmem>> -> memref<80x64xf32, #tpu.memory_space<vmem>>
      %dma_wait3A_218 = arith.constant 0 : i32
      %dma_wait3A_219 = tpu.memref_slice %arg11[%rem3A_194, %dma_wait3A_218] : memref<2x80xi32, #tpu.memory_space<vmem>> -> memref<1x80xi32, #tpu.memory_space<vmem>>
      %dma_wait3A_220 = tpu.memref_squeeze %dma_wait3A_219 : memref<1x80xi32, #tpu.memory_space<vmem>> -> memref<80xi32, #tpu.memory_space<vmem>>
      %dma_wait3A_221 = arith.constant 0 : i32
      %dma_wait3A_222 = arith.constant 0 : i32
      %dma_wait3A_223 = tpu.memref_slice %arg3[%dma_wait3A_221, %dma_wait3A_222] : memref<20000x64xf32, #tpu.memory_space<hbm>> -> memref<20000x64xf32, #tpu.memory_space<hbm>>
      %dma_wait3A_224 = tpu.memref_slice %arg17[%rem3A_194] : memref<2x!tpu.dma_semaphore, #tpu.memory_space<semaphore_mem>> -> memref<1x!tpu.dma_semaphore, #tpu.memory_space<semaphore_mem>>
      %dma_wait3A_225 = tpu.memref_squeeze %dma_wait3A_224 : memref<1x!tpu.dma_semaphore, #tpu.memory_space<semaphore_mem>> -> memref<!tpu.dma_semaphore, #tpu.memory_space<semaphore_mem>>
      tpu.wait_indirect_dma semaphore(%dma_wait3A_225 : memref<!tpu.dma_semaphore, #tpu.memory_space<semaphore_mem>>) src(%dma_wait3A_223 : memref<20000x64xf32, #tpu.memory_space<hbm>>) dst(%dma_wait3A_217 : memref<80x64xf32, #tpu.memory_space<vmem>>)
      %ge3A = arith.constant 2 : i32
      %ge3A_226 = arith.cmpi sge, %scan3A_191, %ge3A : i32
      %convert_element_type3A_227 = arith.extui %ge3A_226 : i1 to i32
      %cond3A_228 = arith.constant 0 : i32
      %cond3A_229 = arith.cmpi ne, %convert_element_type3A_227, %cond3A_228 : i32
      scf.if %cond3A_229 {
        %dma_wait3A_263 = arith.constant 0 : i32
        %dma_wait3A_264 = arith.constant 0 : i32
        %dma_wait3A_265 = tpu.memref_slice %arg14[%rem3A_194, %dma_wait3A_263, %dma_wait3A_264] : memref<2x80x80xf32, #tpu.memory_space<vmem>> -> memref<1x80x80xf32, #tpu.memory_space<vmem>>
        %dma_wait3A_266 = tpu.memref_squeeze %dma_wait3A_265 : memref<1x80x80xf32, #tpu.memory_space<vmem>> -> memref<80x80xf32, #tpu.memory_space<vmem>>
        %dma_wait3A_267 = arith.constant 0 : i32
        %dma_wait3A_268 = tpu.memref_slice %arg9[%rem3A_194, %dma_wait3A_267] : memref<2x80xi32, #tpu.memory_space<vmem>> -> memref<1x80xi32, #tpu.memory_space<vmem>>
        %dma_wait3A_269 = tpu.memref_squeeze %dma_wait3A_268 : memref<1x80xi32, #tpu.memory_space<vmem>> -> memref<80xi32, #tpu.memory_space<vmem>>
        %dma_wait3A_270 = arith.constant 0 : i32
        %dma_wait3A_271 = arith.constant 0 : i32
        %dma_wait3A_272 = tpu.memref_slice %arg16[%dma_wait3A_270, %dma_wait3A_271] : memref<10000x80xf32, #tpu.memory_space<vmem_shared>> -> memref<10000x80xf32, #tpu.memory_space<vmem_shared>>
        %dma_wait3A_273 = tpu.memref_slice %arg17[%rem3A_194] : memref<2x!tpu.dma_semaphore, #tpu.memory_space<semaphore_mem>> -> memref<1x!tpu.dma_semaphore, #tpu.memory_space<semaphore_mem>>
        %dma_wait3A_274 = tpu.memref_squeeze %dma_wait3A_273 : memref<1x!tpu.dma_semaphore, #tpu.memory_space<semaphore_mem>> -> memref<!tpu.dma_semaphore, #tpu.memory_space<semaphore_mem>>
        tpu.wait_indirect_dma semaphore(%dma_wait3A_274 : memref<!tpu.dma_semaphore, #tpu.memory_space<semaphore_mem>>) src(%dma_wait3A_266 : memref<80x80xf32, #tpu.memory_space<vmem>>) dst(%dma_wait3A_272 : memref<10000x80xf32, #tpu.memory_space<vmem_shared>>)
      } else {
      }
      %scan3A_230 = arith.constant 0 : i32
      %scan3A_231 = arith.constant 0 : i32
      %scan3A_232 = arith.constant 5 : i32
      %scan3A_233 = arith.addi %scan3A_231, %scan3A_232 : i32
      %scan3A_234 = arith.constant 1 : i32
      %scan3A_235 = scf.for %scan3A_263 = %scan3A_231 to %scan3A_233 step %scan3A_234 iter_args(%scan3A_264 = %scan3A_230) -> (i32)  : i32 {
        %mul3A_265 = arith.constant 16 : i32
        %mul3A_266 = arith.muli %mul3A_265, %scan3A_263 : i32
        %get3A_267 = arith.constant 0 : i32
        %get3A_268 = tpu.memref_slice %arg11[%rem3A_194, %get3A_267] : memref<2x80xi32, #tpu.memory_space<vmem>> -> memref<1x80xi32, #tpu.memory_space<vmem>>
        %get3A_269 = tpu.memref_squeeze %get3A_268 : memref<1x80xi32, #tpu.memory_space<vmem>> -> memref<80xi32, #tpu.memory_space<vmem>>
        %get3A_270 = arith.index_cast %mul3A_266 : i32 to index
        %get3A_271 = tpu.vector_load %get3A_269[%get3A_270] {strides = array<i32>} : memref<80xi32, #tpu.memory_space<vmem>>, vector<16xi32>,
        %get3A_272 = vector.shape_cast %get3A_271 : vector<16xi32> to vector<16xi32>
        %mul3A_273 = arith.constant 10000 : i32
        %mul3A_274 = arith.muli %arg0, %mul3A_273 : i32
        %sub3A = vector.broadcast %mul3A_274 : i32 to vector<16xi32>
        %sub3A_275 = arith.subi %get3A_272, %sub3A : vector<16xi32>
        %mul3A_276 = arith.constant 16 : i32
        %mul3A_277 = arith.muli %mul3A_276, %scan3A_263 : i32
        %swap3A = arith.constant 0 : i32
        %swap3A_278 = tpu.memref_slice %arg9[%rem3A_194, %swap3A] : memref<2x80xi32, #tpu.memory_space<vmem>> -> memref<1x80xi32, #tpu.memory_space<vmem>>
        %swap3A_279 = tpu.memref_squeeze %swap3A_278 : memref<1x80xi32, #tpu.memory_space<vmem>> -> memref<80xi32, #tpu.memory_space<vmem>>
        %swap3A_280 = arith.index_cast %mul3A_277 : i32 to index
        %swap3A_281 = tpu.vector_load %swap3A_279[%swap3A_280] {strides = array<i32>} : memref<80xi32, #tpu.memory_space<vmem>>, vector<16xi32>,
        %swap3A_282 = vector.shape_cast %swap3A_281 : vector<16xi32> to vector<16xi32>
        %swap3A_283 = vector.shape_cast %sub3A_275 : vector<16xi32> to vector<16xi32>
        tpu.vector_store %swap3A_279[%swap3A_280], %swap3A_283 {strides = array<i32>} : memref<80xi32, #tpu.memory_space<vmem>>, vector<16xi32>,
        %scan3A_284 = arith.constant 0 : i32
        scf.yield %scan3A_284 : i32
      }
      %scan3A_236 = arith.constant 5 : i32
      %get3A = arith.constant 0 : index
      %get3A_237 = tpu.vector_load %arg8[%get3A] {strides = array<i32>} : memref<64xf32, #tpu.memory_space<vmem>>, vector<16xf32>,
      %get3A_238 = vector.shape_cast %get3A_237 : vector<16xf32> to vector<16xf32>
      %get3A_239 = arith.constant 16 : index
      %get3A_240 = tpu.vector_load %arg8[%get3A_239] {strides = array<i32>} : memref<64xf32, #tpu.memory_space<vmem>>, vector<16xf32>,
      %get3A_241 = vector.shape_cast %get3A_240 : vector<16xf32> to vector<16xf32>
      %get3A_242 = arith.constant 32 : index
      %get3A_243 = tpu.vector_load %arg8[%get3A_242] {strides = array<i32>} : memref<64xf32, #tpu.memory_space<vmem>>, vector<16xf32>,
      %get3A_244 = vector.shape_cast %get3A_243 : vector<16xf32> to vector<16xf32>
      %get3A_245 = arith.constant 48 : index
      %get3A_246 = tpu.vector_load %arg8[%get3A_245] {strides = array<i32>} : memref<64xf32, #tpu.memory_space<vmem>>, vector<16xf32>,
      %get3A_247 = vector.shape_cast %get3A_246 : vector<16xf32> to vector<16xf32>
      %parallel_loop3A = arith.constant 0 : i32
      %parallel_loop3A_248 = arith.constant 80 : i32
      %parallel_loop3A_249 = arith.constant 1 : i32
      scf.for %parallel_loop3A_263 = %parallel_loop3A to %parallel_loop3A_248 step %parallel_loop3A_249  : i32 {
        %parallel_loop3A_264 = arith.constant 0 : i32
        %parallel_loop3A_265 = arith.constant 0 : i32
        %parallel_loop3A_266 = tpu.memref_slice %arg12[%rem3A_194, %parallel_loop3A_264, %parallel_loop3A_265] : memref<2x80x128xf32, #tpu.memory_space<vmem>> -> memref<1x80x128xf32, #tpu.memory_space<vmem>>
        %parallel_loop3A_267 = tpu.memref_squeeze %parallel_loop3A_266 : memref<1x80x128xf32, #tpu.memory_space<vmem>> -> memref<80x128xf32, #tpu.memory_space<vmem>>
        %parallel_loop3A_268 = arith.index_cast %parallel_loop3A_263 : i32 to index
        %parallel_loop3A_269 = arith.constant 0 : index
        %parallel_loop3A_270 = tpu.vector_load %parallel_loop3A_267[%parallel_loop3A_268, %parallel_loop3A_269] {strides = array<i32>} : memref<80x128xf32, #tpu.memory_space<vmem>>, vector<1x16xf32>,
        %parallel_loop3A_271 = vector.shape_cast %parallel_loop3A_270 : vector<1x16xf32> to vector<16xf32>
        %parallel_loop3A_272 = arith.constant 0 : i32
        %parallel_loop3A_273 = arith.constant 0 : i32
        %parallel_loop3A_274 = tpu.memref_slice %arg13[%rem3A_194, %parallel_loop3A_272, %parallel_loop3A_273] : memref<2x80x64xf32, #tpu.memory_space<vmem>> -> memref<1x80x64xf32, #tpu.memory_space<vmem>>
        %parallel_loop3A_275 = tpu.memref_squeeze %parallel_loop3A_274 : memref<1x80x64xf32, #tpu.memory_space<vmem>> -> memref<80x64xf32, #tpu.memory_space<vmem>>
        %parallel_loop3A_276 = arith.index_cast %parallel_loop3A_263 : i32 to index
        %parallel_loop3A_277 = arith.constant 0 : index
        %parallel_loop3A_278 = tpu.vector_load %parallel_loop3A_275[%parallel_loop3A_276, %parallel_loop3A_277] {strides = array<i32>} : memref<80x64xf32, #tpu.memory_space<vmem>>, vector<1x16xf32>,
        %parallel_loop3A_279 = vector.shape_cast %parallel_loop3A_278 : vector<1x16xf32> to vector<16xf32>
        %parallel_loop3A_280 = arith.addf %parallel_loop3A_271, %parallel_loop3A_279 : vector<16xf32>
        %parallel_loop3A_281 = arith.constant 0.000000e+00 : f32
        %parallel_loop3A_282 = vector.broadcast %parallel_loop3A_281 : f32 to vector<16xf32>
        %parallel_loop3A_283 = arith.subf %parallel_loop3A_282, %parallel_loop3A_280 : vector<16xf32>
        %parallel_loop3A_284 = math.exp %parallel_loop3A_283 : vector<16xf32>
        %parallel_loop3A_285 = arith.constant 1.000000e+00 : f32
        %parallel_loop3A_286 = vector.broadcast %parallel_loop3A_285 : f32 to vector<16xf32>
        %parallel_loop3A_287 = arith.addf %parallel_loop3A_286, %parallel_loop3A_284 : vector<16xf32>
        %parallel_loop3A_288 = arith.divf %parallel_loop3A_280, %parallel_loop3A_287 : vector<16xf32>
        %parallel_loop3A_289 = arith.mulf %parallel_loop3A_288, %get3A_238 : vector<16xf32>
        %parallel_loop3A_290 = arith.constant 0 : i32
        %parallel_loop3A_291 = arith.constant 0 : i32
        %parallel_loop3A_292 = tpu.memref_slice %arg12[%rem3A_194, %parallel_loop3A_290, %parallel_loop3A_291] : memref<2x80x128xf32, #tpu.memory_space<vmem>> -> memref<1x80x128xf32, #tpu.memory_space<vmem>>
        %parallel_loop3A_293 = tpu.memref_squeeze %parallel_loop3A_292 : memref<1x80x128xf32, #tpu.memory_space<vmem>> -> memref<80x128xf32, #tpu.memory_space<vmem>>
        %parallel_loop3A_294 = arith.index_cast %parallel_loop3A_263 : i32 to index
        %parallel_loop3A_295 = arith.constant 16 : index
        %parallel_loop3A_296 = tpu.vector_load %parallel_loop3A_293[%parallel_loop3A_294, %parallel_loop3A_295] {strides = array<i32>} : memref<80x128xf32, #tpu.memory_space<vmem>>, vector<1x16xf32>,
        %parallel_loop3A_297 = vector.shape_cast %parallel_loop3A_296 : vector<1x16xf32> to vector<16xf32>
        %parallel_loop3A_298 = arith.constant 0 : i32
        %parallel_loop3A_299 = arith.constant 0 : i32
        %parallel_loop3A_300 = tpu.memref_slice %arg13[%rem3A_194, %parallel_loop3A_298, %parallel_loop3A_299] : memref<2x80x64xf32, #tpu.memory_space<vmem>> -> memref<1x80x64xf32, #tpu.memory_space<vmem>>
        %parallel_loop3A_301 = tpu.memref_squeeze %parallel_loop3A_300 : memref<1x80x64xf32, #tpu.memory_space<vmem>> -> memref<80x64xf32, #tpu.memory_space<vmem>>
        %parallel_loop3A_302 = arith.index_cast %parallel_loop3A_263 : i32 to index
        %parallel_loop3A_303 = arith.constant 16 : index
        %parallel_loop3A_304 = tpu.vector_load %parallel_loop3A_301[%parallel_loop3A_302, %parallel_loop3A_303] {strides = array<i32>} : memref<80x64xf32, #tpu.memory_space<vmem>>, vector<1x16xf32>,
        %parallel_loop3A_305 = vector.shape_cast %parallel_loop3A_304 : vector<1x16xf32> to vector<16xf32>
        %parallel_loop3A_306 = arith.addf %parallel_loop3A_297, %parallel_loop3A_305 : vector<16xf32>
        %parallel_loop3A_307 = arith.constant 0.000000e+00 : f32
        %parallel_loop3A_308 = vector.broadcast %parallel_loop3A_307 : f32 to vector<16xf32>
        %parallel_loop3A_309 = arith.subf %parallel_loop3A_308, %parallel_loop3A_306 : vector<16xf32>
        %parallel_loop3A_310 = math.exp %parallel_loop3A_309 : vector<16xf32>
        %parallel_loop3A_311 = arith.constant 1.000000e+00 : f32
        %parallel_loop3A_312 = vector.broadcast %parallel_loop3A_311 : f32 to vector<16xf32>
        %parallel_loop3A_313 = arith.addf %parallel_loop3A_312, %parallel_loop3A_310 : vector<16xf32>
        %parallel_loop3A_314 = arith.divf %parallel_loop3A_306, %parallel_loop3A_313 : vector<16xf32>
        %parallel_loop3A_315 = arith.mulf %parallel_loop3A_314, %get3A_241 : vector<16xf32>
        %parallel_loop3A_316 = arith.constant 0 : i32
        %parallel_loop3A_317 = arith.constant 0 : i32
        %parallel_loop3A_318 = tpu.memref_slice %arg12[%rem3A_194, %parallel_loop3A_316, %parallel_loop3A_317] : memref<2x80x128xf32, #tpu.memory_space<vmem>> -> memref<1x80x128xf32, #tpu.memory_space<vmem>>
        %parallel_loop3A_319 = tpu.memref_squeeze %parallel_loop3A_318 : memref<1x80x128xf32, #tpu.memory_space<vmem>> -> memref<80x128xf32, #tpu.memory_space<vmem>>
        %parallel_loop3A_320 = arith.index_cast %parallel_loop3A_263 : i32 to index
        %parallel_loop3A_321 = arith.constant 32 : index
        %parallel_loop3A_322 = tpu.vector_load %parallel_loop3A_319[%parallel_loop3A_320, %parallel_loop3A_321] {strides = array<i32>} : memref<80x128xf32, #tpu.memory_space<vmem>>, vector<1x16xf32>,
        %parallel_loop3A_323 = vector.shape_cast %parallel_loop3A_322 : vector<1x16xf32> to vector<16xf32>
        %parallel_loop3A_324 = arith.constant 0 : i32
        %parallel_loop3A_325 = arith.constant 0 : i32
        %parallel_loop3A_326 = tpu.memref_slice %arg13[%rem3A_194, %parallel_loop3A_324, %parallel_loop3A_325] : memref<2x80x64xf32, #tpu.memory_space<vmem>> -> memref<1x80x64xf32, #tpu.memory_space<vmem>>
        %parallel_loop3A_327 = tpu.memref_squeeze %parallel_loop3A_326 : memref<1x80x64xf32, #tpu.memory_space<vmem>> -> memref<80x64xf32, #tpu.memory_space<vmem>>
        %parallel_loop3A_328 = arith.index_cast %parallel_loop3A_263 : i32 to index
        %parallel_loop3A_329 = arith.constant 32 : index
        %parallel_loop3A_330 = tpu.vector_load %parallel_loop3A_327[%parallel_loop3A_328, %parallel_loop3A_329] {strides = array<i32>} : memref<80x64xf32, #tpu.memory_space<vmem>>, vector<1x16xf32>,
        %parallel_loop3A_331 = vector.shape_cast %parallel_loop3A_330 : vector<1x16xf32> to vector<16xf32>
        %parallel_loop3A_332 = arith.addf %parallel_loop3A_323, %parallel_loop3A_331 : vector<16xf32>
        %parallel_loop3A_333 = arith.constant 0.000000e+00 : f32
        %parallel_loop3A_334 = vector.broadcast %parallel_loop3A_333 : f32 to vector<16xf32>
        %parallel_loop3A_335 = arith.subf %parallel_loop3A_334, %parallel_loop3A_332 : vector<16xf32>
        %parallel_loop3A_336 = math.exp %parallel_loop3A_335 : vector<16xf32>
        %parallel_loop3A_337 = arith.constant 1.000000e+00 : f32
        %parallel_loop3A_338 = vector.broadcast %parallel_loop3A_337 : f32 to vector<16xf32>
        %parallel_loop3A_339 = arith.addf %parallel_loop3A_338, %parallel_loop3A_336 : vector<16xf32>
        %parallel_loop3A_340 = arith.divf %parallel_loop3A_332, %parallel_loop3A_339 : vector<16xf32>
        %parallel_loop3A_341 = arith.mulf %parallel_loop3A_340, %get3A_244 : vector<16xf32>
        %parallel_loop3A_342 = arith.constant 0 : i32
        %parallel_loop3A_343 = arith.constant 0 : i32
        %parallel_loop3A_344 = tpu.memref_slice %arg12[%rem3A_194, %parallel_loop3A_342, %parallel_loop3A_343] : memref<2x80x128xf32, #tpu.memory_space<vmem>> -> memref<1x80x128xf32, #tpu.memory_space<vmem>>
        %parallel_loop3A_345 = tpu.memref_squeeze %parallel_loop3A_344 : memref<1x80x128xf32, #tpu.memory_space<vmem>> -> memref<80x128xf32, #tpu.memory_space<vmem>>
        %parallel_loop3A_346 = arith.index_cast %parallel_loop3A_263 : i32 to index
        %parallel_loop3A_347 = arith.constant 48 : index
        %parallel_loop3A_348 = tpu.vector_load %parallel_loop3A_345[%parallel_loop3A_346, %parallel_loop3A_347] {strides = array<i32>} : memref<80x128xf32, #tpu.memory_space<vmem>>, vector<1x16xf32>,
        %parallel_loop3A_349 = vector.shape_cast %parallel_loop3A_348 : vector<1x16xf32> to vector<16xf32>
        %parallel_loop3A_350 = arith.constant 0 : i32
        %parallel_loop3A_351 = arith.constant 0 : i32
        %parallel_loop3A_352 = tpu.memref_slice %arg13[%rem3A_194, %parallel_loop3A_350, %parallel_loop3A_351] : memref<2x80x64xf32, #tpu.memory_space<vmem>> -> memref<1x80x64xf32, #tpu.memory_space<vmem>>
        %parallel_loop3A_353 = tpu.memref_squeeze %parallel_loop3A_352 : memref<1x80x64xf32, #tpu.memory_space<vmem>> -> memref<80x64xf32, #tpu.memory_space<vmem>>
        %parallel_loop3A_354 = arith.index_cast %parallel_loop3A_263 : i32 to index
        %parallel_loop3A_355 = arith.constant 48 : index
        %parallel_loop3A_356 = tpu.vector_load %parallel_loop3A_353[%parallel_loop3A_354, %parallel_loop3A_355] {strides = array<i32>} : memref<80x64xf32, #tpu.memory_space<vmem>>, vector<1x16xf32>,
        %parallel_loop3A_357 = vector.shape_cast %parallel_loop3A_356 : vector<1x16xf32> to vector<16xf32>
        %parallel_loop3A_358 = arith.addf %parallel_loop3A_349, %parallel_loop3A_357 : vector<16xf32>
        %parallel_loop3A_359 = arith.constant 0.000000e+00 : f32
        %parallel_loop3A_360 = vector.broadcast %parallel_loop3A_359 : f32 to vector<16xf32>
        %parallel_loop3A_361 = arith.subf %parallel_loop3A_360, %parallel_loop3A_358 : vector<16xf32>
        %parallel_loop3A_362 = math.exp %parallel_loop3A_361 : vector<16xf32>
        %parallel_loop3A_363 = arith.constant 1.000000e+00 : f32
        %parallel_loop3A_364 = vector.broadcast %parallel_loop3A_363 : f32 to vector<16xf32>
        %parallel_loop3A_365 = arith.addf %parallel_loop3A_364, %parallel_loop3A_362 : vector<16xf32>
        %parallel_loop3A_366 = arith.divf %parallel_loop3A_358, %parallel_loop3A_365 : vector<16xf32>
        %parallel_loop3A_367 = arith.mulf %parallel_loop3A_366, %get3A_247 : vector<16xf32>
        %parallel_loop3A_368 = vector.shape_cast %reshape3A_61 : vector<16x1xi32> to vector<16xi32>
        %parallel_loop3A_369 = tpu.dynamic_gather %parallel_loop3A_289[%parallel_loop3A_368] in [0] : vector<16xf32>, vector<16xi32> -> vector<16xf32>
        %parallel_loop3A_370 = arith.addf %parallel_loop3A_289, %parallel_loop3A_369 : vector<16xf32>
        %parallel_loop3A_371 = vector.shape_cast %reshape3A_61 : vector<16x1xi32> to vector<16xi32>
        %parallel_loop3A_372 = tpu.dynamic_gather %parallel_loop3A_315[%parallel_loop3A_371] in [0] : vector<16xf32>, vector<16xi32> -> vector<16xf32>
        %parallel_loop3A_373 = arith.addf %parallel_loop3A_315, %parallel_loop3A_372 : vector<16xf32>
        %parallel_loop3A_374 = vector.shape_cast %reshape3A_61 : vector<16x1xi32> to vector<16xi32>
        %parallel_loop3A_375 = tpu.dynamic_gather %parallel_loop3A_341[%parallel_loop3A_374] in [0] : vector<16xf32>, vector<16xi32> -> vector<16xf32>
        %parallel_loop3A_376 = arith.addf %parallel_loop3A_341, %parallel_loop3A_375 : vector<16xf32>
        %parallel_loop3A_377 = vector.shape_cast %reshape3A_61 : vector<16x1xi32> to vector<16xi32>
        %parallel_loop3A_378 = tpu.dynamic_gather %parallel_loop3A_367[%parallel_loop3A_377] in [0] : vector<16xf32>, vector<16xi32> -> vector<16xf32>
        %parallel_loop3A_379 = arith.addf %parallel_loop3A_367, %parallel_loop3A_378 : vector<16xf32>
        %parallel_loop3A_380 = arith.select %lt3A_82, %parallel_loop3A_370, %parallel_loop3A_373 : vector<16xi1>, vector<16xf32>
        %parallel_loop3A_381 = arith.select %lt3A_82, %parallel_loop3A_376, %parallel_loop3A_379 : vector<16xi1>, vector<16xf32>
        %parallel_loop3A_382 = vector.shape_cast %reshape3A_65 : vector<16x1xi32> to vector<16xi32>
        %parallel_loop3A_383 = tpu.dynamic_gather %parallel_loop3A_380[%parallel_loop3A_382] in [0] : vector<16xf32>, vector<16xi32> -> vector<16xf32>
        %parallel_loop3A_384 = arith.addf %parallel_loop3A_380, %parallel_loop3A_383 : vector<16xf32>
        %parallel_loop3A_385 = vector.shape_cast %reshape3A_65 : vector<16x1xi32> to vector<16xi32>
        %parallel_loop3A_386 = tpu.dynamic_gather %parallel_loop3A_381[%parallel_loop3A_385] in [0] : vector<16xf32>, vector<16xi32> -> vector<16xf32>
        %parallel_loop3A_387 = arith.addf %parallel_loop3A_381, %parallel_loop3A_386 : vector<16xf32>
        %parallel_loop3A_388 = vector.shape_cast %reshape3A_69 : vector<16x1xi32> to vector<16xi32>
        %parallel_loop3A_389 = tpu.dynamic_gather %parallel_loop3A_384[%parallel_loop3A_388] in [0] : vector<16xf32>, vector<16xi32> -> vector<16xf32>
        %parallel_loop3A_390 = arith.addf %parallel_loop3A_384, %parallel_loop3A_389 : vector<16xf32>
        %parallel_loop3A_391 = vector.shape_cast %reshape3A_69 : vector<16x1xi32> to vector<16xi32>
        %parallel_loop3A_392 = tpu.dynamic_gather %parallel_loop3A_387[%parallel_loop3A_391] in [0] : vector<16xf32>, vector<16xi32> -> vector<16xf32>
        %parallel_loop3A_393 = arith.addf %parallel_loop3A_387, %parallel_loop3A_392 : vector<16xf32>
        %parallel_loop3A_394 = vector.shape_cast %reshape3A_73 : vector<16x1xi32> to vector<16xi32>
        %parallel_loop3A_395 = tpu.dynamic_gather %parallel_loop3A_390[%parallel_loop3A_394] in [0] : vector<16xf32>, vector<16xi32> -> vector<16xf32>
        %parallel_loop3A_396 = arith.addf %parallel_loop3A_390, %parallel_loop3A_395 : vector<16xf32>
        %parallel_loop3A_397 = vector.shape_cast %reshape3A_73 : vector<16x1xi32> to vector<16xi32>
        %parallel_loop3A_398 = tpu.dynamic_gather %parallel_loop3A_393[%parallel_loop3A_397] in [0] : vector<16xf32>, vector<16xi32> -> vector<16xf32>
        %parallel_loop3A_399 = arith.addf %parallel_loop3A_393, %parallel_loop3A_398 : vector<16xf32>
        %parallel_loop3A_400 = vector.shape_cast %reshape3A_79 : vector<16x1xi32> to vector<16xi32>
        %parallel_loop3A_401 = tpu.dynamic_gather %parallel_loop3A_396[%parallel_loop3A_400] in [0] : vector<16xf32>, vector<16xi32> -> vector<16xf32>
        %parallel_loop3A_402 = vector.shape_cast %reshape3A_79 : vector<16x1xi32> to vector<16xi32>
        %parallel_loop3A_403 = tpu.dynamic_gather %parallel_loop3A_399[%parallel_loop3A_402] in [0] : vector<16xf32>, vector<16xi32> -> vector<16xf32>
        %parallel_loop3A_404 = arith.select %lt3A_85, %parallel_loop3A_401, %parallel_loop3A_403 : vector<16xi1>, vector<16xf32>
        %parallel_loop3A_405 = math.exp %parallel_loop3A_404 : vector<16xf32>
        %parallel_loop3A_406 = arith.constant 0 : i32
        %parallel_loop3A_407 = arith.constant 0 : i32
        %parallel_loop3A_408 = tpu.memref_slice %arg14[%rem3A_194, %parallel_loop3A_406, %parallel_loop3A_407] : memref<2x80x80xf32, #tpu.memory_space<vmem>> -> memref<1x80x80xf32, #tpu.memory_space<vmem>>
        %parallel_loop3A_409 = tpu.memref_squeeze %parallel_loop3A_408 : memref<1x80x80xf32, #tpu.memory_space<vmem>> -> memref<80x80xf32, #tpu.memory_space<vmem>>
        %parallel_loop3A_410 = arith.index_cast %parallel_loop3A_263 : i32 to index
        %parallel_loop3A_411 = arith.constant 64 : index
        %parallel_loop3A_412 = tpu.vector_load %parallel_loop3A_409[%parallel_loop3A_410, %parallel_loop3A_411] {strides = array<i32>} : memref<80x80xf32, #tpu.memory_space<vmem>>, vector<1x16xf32>,
        %parallel_loop3A_413 = vector.shape_cast %parallel_loop3A_412 : vector<1x16xf32> to vector<16xf32>
        %parallel_loop3A_414 = vector.shape_cast %parallel_loop3A_405 : vector<16xf32> to vector<1x16xf32>
        tpu.vector_store %parallel_loop3A_409[%parallel_loop3A_410, %parallel_loop3A_411], %parallel_loop3A_414 {strides = array<i32>} : memref<80x80xf32, #tpu.memory_space<vmem>>, vector<1x16xf32>,
        %parallel_loop3A_415 = arith.constant 0 : i32
        %parallel_loop3A_416 = arith.constant 0 : i32
        %parallel_loop3A_417 = tpu.memref_slice %arg12[%rem3A_194, %parallel_loop3A_415, %parallel_loop3A_416] : memref<2x80x128xf32, #tpu.memory_space<vmem>> -> memref<1x80x128xf32, #tpu.memory_space<vmem>>
        %parallel_loop3A_418 = tpu.memref_squeeze %parallel_loop3A_417 : memref<1x80x128xf32, #tpu.memory_space<vmem>> -> memref<80x128xf32, #tpu.memory_space<vmem>>
        %parallel_loop3A_419 = arith.index_cast %parallel_loop3A_263 : i32 to index
        %parallel_loop3A_420 = arith.constant 64 : index
        %parallel_loop3A_421 = tpu.vector_load %parallel_loop3A_418[%parallel_loop3A_419, %parallel_loop3A_420] {strides = array<i32>} : memref<80x128xf32, #tpu.memory_space<vmem>>, vector<1x16xf32>,
        %parallel_loop3A_422 = vector.shape_cast %parallel_loop3A_421 : vector<1x16xf32> to vector<16xf32>
        %parallel_loop3A_423 = vector.shape_cast %reshape3A : vector<16x1xi32> to vector<16xi32>
        %parallel_loop3A_424 = tpu.dynamic_gather %parallel_loop3A_405[%parallel_loop3A_423] in [0] : vector<16xf32>, vector<16xi32> -> vector<16xf32>
        %parallel_loop3A_425 = arith.mulf %parallel_loop3A_422, %parallel_loop3A_424 : vector<16xf32>
        %parallel_loop3A_426 = arith.constant 0 : i32
        %parallel_loop3A_427 = arith.constant 0 : i32
        %parallel_loop3A_428 = tpu.memref_slice %arg14[%rem3A_194, %parallel_loop3A_426, %parallel_loop3A_427] : memref<2x80x80xf32, #tpu.memory_space<vmem>> -> memref<1x80x80xf32, #tpu.memory_space<vmem>>
        %parallel_loop3A_429 = tpu.memref_squeeze %parallel_loop3A_428 : memref<1x80x80xf32, #tpu.memory_space<vmem>> -> memref<80x80xf32, #tpu.memory_space<vmem>>
        %parallel_loop3A_430 = arith.index_cast %parallel_loop3A_263 : i32 to index
        %parallel_loop3A_431 = arith.constant 0 : index
        %parallel_loop3A_432 = tpu.vector_load %parallel_loop3A_429[%parallel_loop3A_430, %parallel_loop3A_431] {strides = array<i32>} : memref<80x80xf32, #tpu.memory_space<vmem>>, vector<1x16xf32>,
        %parallel_loop3A_433 = vector.shape_cast %parallel_loop3A_432 : vector<1x16xf32> to vector<16xf32>
        %parallel_loop3A_434 = vector.shape_cast %parallel_loop3A_425 : vector<16xf32> to vector<1x16xf32>
        tpu.vector_store %parallel_loop3A_429[%parallel_loop3A_430, %parallel_loop3A_431], %parallel_loop3A_434 {strides = array<i32>} : memref<80x80xf32, #tpu.memory_space<vmem>>, vector<1x16xf32>,
        %parallel_loop3A_435 = arith.constant 0 : i32
        %parallel_loop3A_436 = arith.constant 0 : i32
        %parallel_loop3A_437 = tpu.memref_slice %arg12[%rem3A_194, %parallel_loop3A_435, %parallel_loop3A_436] : memref<2x80x128xf32, #tpu.memory_space<vmem>> -> memref<1x80x128xf32, #tpu.memory_space<vmem>>
        %parallel_loop3A_438 = tpu.memref_squeeze %parallel_loop3A_437 : memref<1x80x128xf32, #tpu.memory_space<vmem>> -> memref<80x128xf32, #tpu.memory_space<vmem>>
        %parallel_loop3A_439 = arith.index_cast %parallel_loop3A_263 : i32 to index
        %parallel_loop3A_440 = arith.constant 80 : index
        %parallel_loop3A_441 = tpu.vector_load %parallel_loop3A_438[%parallel_loop3A_439, %parallel_loop3A_440] {strides = array<i32>} : memref<80x128xf32, #tpu.memory_space<vmem>>, vector<1x16xf32>,
        %parallel_loop3A_442 = vector.shape_cast %parallel_loop3A_441 : vector<1x16xf32> to vector<16xf32>
        %parallel_loop3A_443 = vector.shape_cast %reshape3A_44 : vector<16x1xi32> to vector<16xi32>
        %parallel_loop3A_444 = tpu.dynamic_gather %parallel_loop3A_405[%parallel_loop3A_443] in [0] : vector<16xf32>, vector<16xi32> -> vector<16xf32>
        %parallel_loop3A_445 = arith.mulf %parallel_loop3A_442, %parallel_loop3A_444 : vector<16xf32>
        %parallel_loop3A_446 = arith.constant 0 : i32
        %parallel_loop3A_447 = arith.constant 0 : i32
        %parallel_loop3A_448 = tpu.memref_slice %arg14[%rem3A_194, %parallel_loop3A_446, %parallel_loop3A_447] : memref<2x80x80xf32, #tpu.memory_space<vmem>> -> memref<1x80x80xf32, #tpu.memory_space<vmem>>
        %parallel_loop3A_449 = tpu.memref_squeeze %parallel_loop3A_448 : memref<1x80x80xf32, #tpu.memory_space<vmem>> -> memref<80x80xf32, #tpu.memory_space<vmem>>
        %parallel_loop3A_450 = arith.index_cast %parallel_loop3A_263 : i32 to index
        %parallel_loop3A_451 = arith.constant 16 : index
        %parallel_loop3A_452 = tpu.vector_load %parallel_loop3A_449[%parallel_loop3A_450, %parallel_loop3A_451] {strides = array<i32>} : memref<80x80xf32, #tpu.memory_space<vmem>>, vector<1x16xf32>,
        %parallel_loop3A_453 = vector.shape_cast %parallel_loop3A_452 : vector<1x16xf32> to vector<16xf32>
        %parallel_loop3A_454 = vector.shape_cast %parallel_loop3A_445 : vector<16xf32> to vector<1x16xf32>
        tpu.vector_store %parallel_loop3A_449[%parallel_loop3A_450, %parallel_loop3A_451], %parallel_loop3A_454 {strides = array<i32>} : memref<80x80xf32, #tpu.memory_space<vmem>>, vector<1x16xf32>,
        %parallel_loop3A_455 = arith.constant 0 : i32
        %parallel_loop3A_456 = arith.constant 0 : i32
        %parallel_loop3A_457 = tpu.memref_slice %arg12[%rem3A_194, %parallel_loop3A_455, %parallel_loop3A_456] : memref<2x80x128xf32, #tpu.memory_space<vmem>> -> memref<1x80x128xf32, #tpu.memory_space<vmem>>
        %parallel_loop3A_458 = tpu.memref_squeeze %parallel_loop3A_457 : memref<1x80x128xf32, #tpu.memory_space<vmem>> -> memref<80x128xf32, #tpu.memory_space<vmem>>
        %parallel_loop3A_459 = arith.index_cast %parallel_loop3A_263 : i32 to index
        %parallel_loop3A_460 = arith.constant 96 : index
        %parallel_loop3A_461 = tpu.vector_load %parallel_loop3A_458[%parallel_loop3A_459, %parallel_loop3A_460] {strides = array<i32>} : memref<80x128xf32, #tpu.memory_space<vmem>>, vector<1x16xf32>,
        %parallel_loop3A_462 = vector.shape_cast %parallel_loop3A_461 : vector<1x16xf32> to vector<16xf32>
        %parallel_loop3A_463 = vector.shape_cast %reshape3A_51 : vector<16x1xi32> to vector<16xi32>
        %parallel_loop3A_464 = tpu.dynamic_gather %parallel_loop3A_405[%parallel_loop3A_463] in [0] : vector<16xf32>, vector<16xi32> -> vector<16xf32>
        %parallel_loop3A_465 = arith.mulf %parallel_loop3A_462, %parallel_loop3A_464 : vector<16xf32>
        %parallel_loop3A_466 = arith.constant 0 : i32
        %parallel_loop3A_467 = arith.constant 0 : i32
        %parallel_loop3A_468 = tpu.memref_slice %arg14[%rem3A_194, %parallel_loop3A_466, %parallel_loop3A_467] : memref<2x80x80xf32, #tpu.memory_space<vmem>> -> memref<1x80x80xf32, #tpu.memory_space<vmem>>
        %parallel_loop3A_469 = tpu.memref_squeeze %parallel_loop3A_468 : memref<1x80x80xf32, #tpu.memory_space<vmem>> -> memref<80x80xf32, #tpu.memory_space<vmem>>
        %parallel_loop3A_470 = arith.index_cast %parallel_loop3A_263 : i32 to index
        %parallel_loop3A_471 = arith.constant 32 : index
        %parallel_loop3A_472 = tpu.vector_load %parallel_loop3A_469[%parallel_loop3A_470, %parallel_loop3A_471] {strides = array<i32>} : memref<80x80xf32, #tpu.memory_space<vmem>>, vector<1x16xf32>,
        %parallel_loop3A_473 = vector.shape_cast %parallel_loop3A_472 : vector<1x16xf32> to vector<16xf32>
        %parallel_loop3A_474 = vector.shape_cast %parallel_loop3A_465 : vector<16xf32> to vector<1x16xf32>
        tpu.vector_store %parallel_loop3A_469[%parallel_loop3A_470, %parallel_loop3A_471], %parallel_loop3A_474 {strides = array<i32>} : memref<80x80xf32, #tpu.memory_space<vmem>>, vector<1x16xf32>,
        %parallel_loop3A_475 = arith.constant 0 : i32
        %parallel_loop3A_476 = arith.constant 0 : i32
        %parallel_loop3A_477 = tpu.memref_slice %arg12[%rem3A_194, %parallel_loop3A_475, %parallel_loop3A_476] : memref<2x80x128xf32, #tpu.memory_space<vmem>> -> memref<1x80x128xf32, #tpu.memory_space<vmem>>
        %parallel_loop3A_478 = tpu.memref_squeeze %parallel_loop3A_477 : memref<1x80x128xf32, #tpu.memory_space<vmem>> -> memref<80x128xf32, #tpu.memory_space<vmem>>
        %parallel_loop3A_479 = arith.index_cast %parallel_loop3A_263 : i32 to index
        %parallel_loop3A_480 = arith.constant 112 : index
        %parallel_loop3A_481 = tpu.vector_load %parallel_loop3A_478[%parallel_loop3A_479, %parallel_loop3A_480] {strides = array<i32>} : memref<80x128xf32, #tpu.memory_space<vmem>>, vector<1x16xf32>,
        %parallel_loop3A_482 = vector.shape_cast %parallel_loop3A_481 : vector<1x16xf32> to vector<16xf32>
        %parallel_loop3A_483 = vector.shape_cast %reshape3A_58 : vector<16x1xi32> to vector<16xi32>
        %parallel_loop3A_484 = tpu.dynamic_gather %parallel_loop3A_405[%parallel_loop3A_483] in [0] : vector<16xf32>, vector<16xi32> -> vector<16xf32>
        %parallel_loop3A_485 = arith.mulf %parallel_loop3A_482, %parallel_loop3A_484 : vector<16xf32>
        %parallel_loop3A_486 = arith.constant 0 : i32
        %parallel_loop3A_487 = arith.constant 0 : i32
        %parallel_loop3A_488 = tpu.memref_slice %arg14[%rem3A_194, %parallel_loop3A_486, %parallel_loop3A_487] : memref<2x80x80xf32, #tpu.memory_space<vmem>> -> memref<1x80x80xf32, #tpu.memory_space<vmem>>
        %parallel_loop3A_489 = tpu.memref_squeeze %parallel_loop3A_488 : memref<1x80x80xf32, #tpu.memory_space<vmem>> -> memref<80x80xf32, #tpu.memory_space<vmem>>
        %parallel_loop3A_490 = arith.index_cast %parallel_loop3A_263 : i32 to index
        %parallel_loop3A_491 = arith.constant 48 : index
        %parallel_loop3A_492 = tpu.vector_load %parallel_loop3A_489[%parallel_loop3A_490, %parallel_loop3A_491] {strides = array<i32>} : memref<80x80xf32, #tpu.memory_space<vmem>>, vector<1x16xf32>,
        %parallel_loop3A_493 = vector.shape_cast %parallel_loop3A_492 : vector<1x16xf32> to vector<16xf32>
        %parallel_loop3A_494 = vector.shape_cast %parallel_loop3A_485 : vector<16xf32> to vector<1x16xf32>
        tpu.vector_store %parallel_loop3A_489[%parallel_loop3A_490, %parallel_loop3A_491], %parallel_loop3A_494 {strides = array<i32>} : memref<80x80xf32, #tpu.memory_space<vmem>>, vector<1x16xf32>,
      } {sc.loop_unroll_factor = 8 : i64, sc.parallel_access}
      %dma_start3A_250 = arith.constant 0 : i32
      %dma_start3A_251 = arith.constant 0 : i32
      %dma_start3A_252 = tpu.memref_slice %arg14[%rem3A_194, %dma_start3A_250, %dma_start3A_251] : memref<2x80x80xf32, #tpu.memory_space<vmem>> -> memref<1x80x80xf32, #tpu.memory_space<vmem>>
      %dma_start3A_253 = tpu.memref_squeeze %dma_start3A_252 : memref<1x80x80xf32, #tpu.memory_space<vmem>> -> memref<80x80xf32, #tpu.memory_space<vmem>>
      %dma_start3A_254 = arith.constant 0 : i32
      %dma_start3A_255 = tpu.memref_slice %arg9[%rem3A_194, %dma_start3A_254] : memref<2x80xi32, #tpu.memory_space<vmem>> -> memref<1x80xi32, #tpu.memory_space<vmem>>
      %dma_start3A_256 = tpu.memref_squeeze %dma_start3A_255 : memref<1x80xi32, #tpu.memory_space<vmem>> -> memref<80xi32, #tpu.memory_space<vmem>>
      %dma_start3A_257 = arith.constant 0 : i32
      %dma_start3A_258 = arith.constant 0 : i32
      %dma_start3A_259 = tpu.memref_slice %arg16[%dma_start3A_257, %dma_start3A_258] : memref<10000x80xf32, #tpu.memory_space<vmem_shared>> -> memref<10000x80xf32, #tpu.memory_space<vmem_shared>>
      %dma_start3A_260 = tpu.memref_slice %arg17[%rem3A_194] : memref<2x!tpu.dma_semaphore, #tpu.memory_space<semaphore_mem>> -> memref<1x!tpu.dma_semaphore, #tpu.memory_space<semaphore_mem>>
      %dma_start3A_261 = tpu.memref_squeeze %dma_start3A_260 : memref<1x!tpu.dma_semaphore, #tpu.memory_space<semaphore_mem>> -> memref<!tpu.dma_semaphore, #tpu.memory_space<semaphore_mem>>
      tpu.enqueue_indirect_dma source(%dma_start3A_253 : memref<80x80xf32, #tpu.memory_space<vmem>>) target(%dma_start3A_259 : memref<10000x80xf32, #tpu.memory_space<vmem_shared>>) offsets(%dma_start3A_256 : memref<80xi32, #tpu.memory_space<vmem>>) semaphore(%dma_start3A_261 : memref<!tpu.dma_semaphore, #tpu.memory_space<semaphore_mem>>) {add = true}
      %scan3A_262 = arith.constant 0 : i32
      scf.yield %scan3A_262 : i32
    }
    %scan3A_132 = arith.constant 250 : i32
    %dma_wait3A = arith.constant 0 : i32
    %dma_wait3A_133 = arith.constant 0 : i32
    %dma_wait3A_134 = arith.constant 0 : i32
    %dma_wait3A_135 = arith.constant 0 : i32
    %dma_wait3A_136 = arith.constant 0 : i32
    %dma_wait3A_137 = tpu.memref_slice %arg14[%dma_wait3A, %dma_wait3A_135, %dma_wait3A_136] : memref<2x80x80xf32, #tpu.memory_space<vmem>> -> memref<1x80x80xf32, #tpu.memory_space<vmem>>
    %dma_wait3A_138 = tpu.memref_squeeze %dma_wait3A_137 : memref<1x80x80xf32, #tpu.memory_space<vmem>> -> memref<80x80xf32, #tpu.memory_space<vmem>>
    %dma_wait3A_139 = arith.constant 0 : i32
    %dma_wait3A_140 = tpu.memref_slice %arg9[%dma_wait3A_133, %dma_wait3A_139] : memref<2x80xi32, #tpu.memory_space<vmem>> -> memref<1x80xi32, #tpu.memory_space<vmem>>
    %dma_wait3A_141 = tpu.memref_squeeze %dma_wait3A_140 : memref<1x80xi32, #tpu.memory_space<vmem>> -> memref<80xi32, #tpu.memory_space<vmem>>
    %dma_wait3A_142 = arith.constant 0 : i32
    %dma_wait3A_143 = arith.constant 0 : i32
    %dma_wait3A_144 = tpu.memref_slice %arg16[%dma_wait3A_142, %dma_wait3A_143] : memref<10000x80xf32, #tpu.memory_space<vmem_shared>> -> memref<10000x80xf32, #tpu.memory_space<vmem_shared>>
    %dma_wait3A_145 = tpu.memref_slice %arg17[%dma_wait3A_134] : memref<2x!tpu.dma_semaphore, #tpu.memory_space<semaphore_mem>> -> memref<1x!tpu.dma_semaphore, #tpu.memory_space<semaphore_mem>>
    %dma_wait3A_146 = tpu.memref_squeeze %dma_wait3A_145 : memref<1x!tpu.dma_semaphore, #tpu.memory_space<semaphore_mem>> -> memref<!tpu.dma_semaphore, #tpu.memory_space<semaphore_mem>>
    tpu.wait_indirect_dma semaphore(%dma_wait3A_146 : memref<!tpu.dma_semaphore, #tpu.memory_space<semaphore_mem>>) src(%dma_wait3A_138 : memref<80x80xf32, #tpu.memory_space<vmem>>) dst(%dma_wait3A_144 : memref<10000x80xf32, #tpu.memory_space<vmem_shared>>)
    %dma_wait3A_147 = arith.constant 1 : i32
    %dma_wait3A_148 = arith.constant 1 : i32
    %dma_wait3A_149 = arith.constant 1 : i32
    %dma_wait3A_150 = arith.constant 0 : i32
    %dma_wait3A_151 = arith.constant 0 : i32
    %dma_wait3A_152 = tpu.memref_slice %arg14[%dma_wait3A_147, %dma_wait3A_150, %dma_wait3A_151] : memref<2x80x80xf32, #tpu.memory_space<vmem>> -> memref<1x80x80xf32, #tpu.memory_space<vmem>>
    %dma_wait3A_153 = tpu.memref_squeeze %dma_wait3A_152 : memref<1x80x80xf32, #tpu.memory_space<vmem>> -> memref<80x80xf32, #tpu.memory_space<vmem>>
    %dma_wait3A_154 = arith.constant 0 : i32
    %dma_wait3A_155 = tpu.memref_slice %arg9[%dma_wait3A_148, %dma_wait3A_154] : memref<2x80xi32, #tpu.memory_space<vmem>> -> memref<1x80xi32, #tpu.memory_space<vmem>>
    %dma_wait3A_156 = tpu.memref_squeeze %dma_wait3A_155 : memref<1x80xi32, #tpu.memory_space<vmem>> -> memref<80xi32, #tpu.memory_space<vmem>>
    %dma_wait3A_157 = arith.constant 0 : i32
    %dma_wait3A_158 = arith.constant 0 : i32
    %dma_wait3A_159 = tpu.memref_slice %arg16[%dma_wait3A_157, %dma_wait3A_158] : memref<10000x80xf32, #tpu.memory_space<vmem_shared>> -> memref<10000x80xf32, #tpu.memory_space<vmem_shared>>
    %dma_wait3A_160 = tpu.memref_slice %arg17[%dma_wait3A_149] : memref<2x!tpu.dma_semaphore, #tpu.memory_space<semaphore_mem>> -> memref<1x!tpu.dma_semaphore, #tpu.memory_space<semaphore_mem>>
    %dma_wait3A_161 = tpu.memref_squeeze %dma_wait3A_160 : memref<1x!tpu.dma_semaphore, #tpu.memory_space<semaphore_mem>> -> memref<!tpu.dma_semaphore, #tpu.memory_space<semaphore_mem>>
    tpu.wait_indirect_dma semaphore(%dma_wait3A_161 : memref<!tpu.dma_semaphore, #tpu.memory_space<semaphore_mem>>) src(%dma_wait3A_153 : memref<80x80xf32, #tpu.memory_space<vmem>>) dst(%dma_wait3A_159 : memref<10000x80xf32, #tpu.memory_space<vmem_shared>>)
    %barrier3A_162 = arith.constant 0 : index
    tpu.barrier barrier_id(%barrier3A_162)
    %add3A_163 = arith.constant 0 : i32
    %add3A_164 = arith.addi %arg1, %add3A_163 : i32
    %lt3A_165 = arith.constant 50 : i32
    %lt3A_166 = arith.cmpi slt, %add3A_164, %lt3A_165 : i32
    %convert_element_type3A_167 = arith.extui %lt3A_166 : i1 to i32
    %cond3A_168 = arith.constant 0 : i32
    %cond3A_169 = arith.cmpi ne, %convert_element_type3A_167, %cond3A_168 : i32
    scf.if %cond3A_169 {
      %mul3A_191 = arith.constant 200 : i32
      %mul3A_192 = arith.muli %add3A_164, %mul3A_191 : i32
      %mul3A_193 = arith.constant 200 : i32
      %mul3A_194 = arith.muli %add3A_164, %mul3A_193 : i32
      "tpu.region"() ({
        %run_scoped3A = tpu.sem_alloc : memref<!tpu.dma_semaphore, #tpu.memory_space<semaphore_mem>>
        %dma_start3A_195 = arith.constant 0 : i32
        %dma_start3A_196 = tpu.memref_slice %arg7[%arg0, %mul3A_194, %dma_start3A_195] : memref<2x10000x80xf32, #tpu.memory_space<hbm>> -> memref<1x200x80xf32, #tpu.memory_space<hbm>>
        %dma_start3A_197 = tpu.memref_squeeze %dma_start3A_196 : memref<1x200x80xf32, #tpu.memory_space<hbm>> -> memref<200x80xf32, #tpu.memory_space<hbm>>
        %dma_start3A_198 = arith.constant 0 : i32
        %dma_start3A_199 = tpu.memref_slice %arg16[%mul3A_192, %dma_start3A_198] : memref<10000x80xf32, #tpu.memory_space<vmem_shared>> -> memref<200x80xf32, #tpu.memory_space<vmem_shared>>
        tpu.enqueue_dma source(%dma_start3A_199 : memref<200x80xf32, #tpu.memory_space<vmem_shared>>) target(%dma_start3A_197 : memref<200x80xf32, #tpu.memory_space<hbm>>) target_semaphore(%run_scoped3A : memref<!tpu.dma_semaphore, #tpu.memory_space<semaphore_mem>>)
        %dma_wait3A_200 = arith.constant 0 : i32
        %dma_wait3A_201 = tpu.memref_slice %arg7[%arg0, %mul3A_194, %dma_wait3A_200] : memref<2x10000x80xf32, #tpu.memory_space<hbm>> -> memref<1x200x80xf32, #tpu.memory_space<hbm>>
        %dma_wait3A_202 = tpu.memref_squeeze %dma_wait3A_201 : memref<1x200x80xf32, #tpu.memory_space<hbm>> -> memref<200x80xf32, #tpu.memory_space<hbm>>
        %dma_wait3A_203 = arith.constant 0 : i32
        %dma_wait3A_204 = tpu.memref_slice %arg16[%mul3A_192, %dma_wait3A_203] : memref<10000x80xf32, #tpu.memory_space<vmem_shared>> -> memref<200x80xf32, #tpu.memory_space<vmem_shared>>
        tpu.wait_dma2 semaphore(%run_scoped3A : memref<!tpu.dma_semaphore, #tpu.memory_space<semaphore_mem>>) src(%dma_wait3A_204 : memref<200x80xf32, #tpu.memory_space<vmem_shared>>) dst(%dma_wait3A_202 : memref<200x80xf32, #tpu.memory_space<hbm>>)
        tpu.yield
      }) : () -> ()
    } else {
    }
    %add3A_170 = arith.constant 16 : i32
    %add3A_171 = arith.addi %arg1, %add3A_170 : i32
    %lt3A_172 = arith.constant 50 : i32
    %lt3A_173 = arith.cmpi slt, %add3A_171, %lt3A_172 : i32
    %convert_element_type3A_174 = arith.extui %lt3A_173 : i1 to i32
    %cond3A_175 = arith.constant 0 : i32
    %cond3A_176 = arith.cmpi ne, %convert_element_type3A_174, %cond3A_175 : i32
    scf.if %cond3A_176 {
      %mul3A_191 = arith.constant 200 : i32
      %mul3A_192 = arith.muli %add3A_171, %mul3A_191 : i32
      %mul3A_193 = arith.constant 200 : i32
      %mul3A_194 = arith.muli %add3A_171, %mul3A_193 : i32
      "tpu.region"() ({
        %run_scoped3A = tpu.sem_alloc : memref<!tpu.dma_semaphore, #tpu.memory_space<semaphore_mem>>
        %dma_start3A_195 = arith.constant 0 : i32
        %dma_start3A_196 = tpu.memref_slice %arg7[%arg0, %mul3A_194, %dma_start3A_195] : memref<2x10000x80xf32, #tpu.memory_space<hbm>> -> memref<1x200x80xf32, #tpu.memory_space<hbm>>
        %dma_start3A_197 = tpu.memref_squeeze %dma_start3A_196 : memref<1x200x80xf32, #tpu.memory_space<hbm>> -> memref<200x80xf32, #tpu.memory_space<hbm>>
        %dma_start3A_198 = arith.constant 0 : i32
        %dma_start3A_199 = tpu.memref_slice %arg16[%mul3A_192, %dma_start3A_198] : memref<10000x80xf32, #tpu.memory_space<vmem_shared>> -> memref<200x80xf32, #tpu.memory_space<vmem_shared>>
        tpu.enqueue_dma source(%dma_start3A_199 : memref<200x80xf32, #tpu.memory_space<vmem_shared>>) target(%dma_start3A_197 : memref<200x80xf32, #tpu.memory_space<hbm>>) target_semaphore(%run_scoped3A : memref<!tpu.dma_semaphore, #tpu.memory_space<semaphore_mem>>)
        %dma_wait3A_200 = arith.constant 0 : i32
        %dma_wait3A_201 = tpu.memref_slice %arg7[%arg0, %mul3A_194, %dma_wait3A_200] : memref<2x10000x80xf32, #tpu.memory_space<hbm>> -> memref<1x200x80xf32, #tpu.memory_space<hbm>>
        %dma_wait3A_202 = tpu.memref_squeeze %dma_wait3A_201 : memref<1x200x80xf32, #tpu.memory_space<hbm>> -> memref<200x80xf32, #tpu.memory_space<hbm>>
        %dma_wait3A_203 = arith.constant 0 : i32
        %dma_wait3A_204 = tpu.memref_slice %arg16[%mul3A_192, %dma_wait3A_203] : memref<10000x80xf32, #tpu.memory_space<vmem_shared>> -> memref<200x80xf32, #tpu.memory_space<vmem_shared>>
        tpu.wait_dma2 semaphore(%run_scoped3A : memref<!tpu.dma_semaphore, #tpu.memory_space<semaphore_mem>>) src(%dma_wait3A_204 : memref<200x80xf32, #tpu.memory_space<vmem_shared>>) dst(%dma_wait3A_202 : memref<200x80xf32, #tpu.memory_space<hbm>>)
        tpu.yield
      }) : () -> ()
    } else {
    }
    %add3A_177 = arith.constant 32 : i32
    %add3A_178 = arith.addi %arg1, %add3A_177 : i32
    %lt3A_179 = arith.constant 50 : i32
    %lt3A_180 = arith.cmpi slt, %add3A_178, %lt3A_179 : i32
    %convert_element_type3A_181 = arith.extui %lt3A_180 : i1 to i32
    %cond3A_182 = arith.constant 0 : i32
    %cond3A_183 = arith.cmpi ne, %convert_element_type3A_181, %cond3A_182 : i32
    scf.if %cond3A_183 {
      %mul3A_191 = arith.constant 200 : i32
      %mul3A_192 = arith.muli %add3A_178, %mul3A_191 : i32
      %mul3A_193 = arith.constant 200 : i32
      %mul3A_194 = arith.muli %add3A_178, %mul3A_193 : i32
      "tpu.region"() ({
        %run_scoped3A = tpu.sem_alloc : memref<!tpu.dma_semaphore, #tpu.memory_space<semaphore_mem>>
        %dma_start3A_195 = arith.constant 0 : i32
        %dma_start3A_196 = tpu.memref_slice %arg7[%arg0, %mul3A_194, %dma_start3A_195] : memref<2x10000x80xf32, #tpu.memory_space<hbm>> -> memref<1x200x80xf32, #tpu.memory_space<hbm>>
        %dma_start3A_197 = tpu.memref_squeeze %dma_start3A_196 : memref<1x200x80xf32, #tpu.memory_space<hbm>> -> memref<200x80xf32, #tpu.memory_space<hbm>>
        %dma_start3A_198 = arith.constant 0 : i32
        %dma_start3A_199 = tpu.memref_slice %arg16[%mul3A_192, %dma_start3A_198] : memref<10000x80xf32, #tpu.memory_space<vmem_shared>> -> memref<200x80xf32, #tpu.memory_space<vmem_shared>>
        tpu.enqueue_dma source(%dma_start3A_199 : memref<200x80xf32, #tpu.memory_space<vmem_shared>>) target(%dma_start3A_197 : memref<200x80xf32, #tpu.memory_space<hbm>>) target_semaphore(%run_scoped3A : memref<!tpu.dma_semaphore, #tpu.memory_space<semaphore_mem>>)
        %dma_wait3A_200 = arith.constant 0 : i32
        %dma_wait3A_201 = tpu.memref_slice %arg7[%arg0, %mul3A_194, %dma_wait3A_200] : memref<2x10000x80xf32, #tpu.memory_space<hbm>> -> memref<1x200x80xf32, #tpu.memory_space<hbm>>
        %dma_wait3A_202 = tpu.memref_squeeze %dma_wait3A_201 : memref<1x200x80xf32, #tpu.memory_space<hbm>> -> memref<200x80xf32, #tpu.memory_space<hbm>>
        %dma_wait3A_203 = arith.constant 0 : i32
        %dma_wait3A_204 = tpu.memref_slice %arg16[%mul3A_192, %dma_wait3A_203] : memref<10000x80xf32, #tpu.memory_space<vmem_shared>> -> memref<200x80xf32, #tpu.memory_space<vmem_shared>>
        tpu.wait_dma2 semaphore(%run_scoped3A : memref<!tpu.dma_semaphore, #tpu.memory_space<semaphore_mem>>) src(%dma_wait3A_204 : memref<200x80xf32, #tpu.memory_space<vmem_shared>>) dst(%dma_wait3A_202 : memref<200x80xf32, #tpu.memory_space<hbm>>)
        tpu.yield
      }) : () -> ()
    } else {
    }
    %add3A_184 = arith.constant 48 : i32
    %add3A_185 = arith.addi %arg1, %add3A_184 : i32
    %lt3A_186 = arith.constant 50 : i32
    %lt3A_187 = arith.cmpi slt, %add3A_185, %lt3A_186 : i32
    %convert_element_type3A_188 = arith.extui %lt3A_187 : i1 to i32
    %cond3A_189 = arith.constant 0 : i32
    %cond3A_190 = arith.cmpi ne, %convert_element_type3A_188, %cond3A_189 : i32
    scf.if %cond3A_190 {
      %mul3A_191 = arith.constant 200 : i32
      %mul3A_192 = arith.muli %add3A_185, %mul3A_191 : i32
      %mul3A_193 = arith.constant 200 : i32
      %mul3A_194 = arith.muli %add3A_185, %mul3A_193 : i32
      "tpu.region"() ({
        %run_scoped3A = tpu.sem_alloc : memref<!tpu.dma_semaphore, #tpu.memory_space<semaphore_mem>>
        %dma_start3A_195 = arith.constant 0 : i32
        %dma_start3A_196 = tpu.memref_slice %arg7[%arg0, %mul3A_194, %dma_start3A_195] : memref<2x10000x80xf32, #tpu.memory_space<hbm>> -> memref<1x200x80xf32, #tpu.memory_space<hbm>>
        %dma_start3A_197 = tpu.memref_squeeze %dma_start3A_196 : memref<1x200x80xf32, #tpu.memory_space<hbm>> -> memref<200x80xf32, #tpu.memory_space<hbm>>
        %dma_start3A_198 = arith.constant 0 : i32
        %dma_start3A_199 = tpu.memref_slice %arg16[%mul3A_192, %dma_start3A_198] : memref<10000x80xf32, #tpu.memory_space<vmem_shared>> -> memref<200x80xf32, #tpu.memory_space<vmem_shared>>
        tpu.enqueue_dma source(%dma_start3A_199 : memref<200x80xf32, #tpu.memory_space<vmem_shared>>) target(%dma_start3A_197 : memref<200x80xf32, #tpu.memory_space<hbm>>) target_semaphore(%run_scoped3A : memref<!tpu.dma_semaphore, #tpu.memory_space<semaphore_mem>>)
        %dma_wait3A_200 = arith.constant 0 : i32
        %dma_wait3A_201 = tpu.memref_slice %arg7[%arg0, %mul3A_194, %dma_wait3A_200] : memref<2x10000x80xf32, #tpu.memory_space<hbm>> -> memref<1x200x80xf32, #tpu.memory_space<hbm>>
        %dma_wait3A_202 = tpu.memref_squeeze %dma_wait3A_201 : memref<1x200x80xf32, #tpu.memory_space<hbm>> -> memref<200x80xf32, #tpu.memory_space<hbm>>
        %dma_wait3A_203 = arith.constant 0 : i32
        %dma_wait3A_204 = tpu.memref_slice %arg16[%mul3A_192, %dma_wait3A_203] : memref<10000x80xf32, #tpu.memory_space<vmem_shared>> -> memref<200x80xf32, #tpu.memory_space<vmem_shared>>
        tpu.wait_dma2 semaphore(%run_scoped3A : memref<!tpu.dma_semaphore, #tpu.memory_space<semaphore_mem>>) src(%dma_wait3A_204 : memref<200x80xf32, #tpu.memory_space<vmem_shared>>) dst(%dma_wait3A_202 : memref<200x80xf32, #tpu.memory_space<hbm>>)
        tpu.yield
      }) : () -> ()
    } else {
    }
    return
  }
}

module attributes {stable_mosaic.version = 14 : i64} {
  func.func @_prep_body(%arg0: i32, %arg1: memref<2000x128xf32, #tpu.memory_space<vmem>>, %arg2: memref<128x128xf32, #tpu.memory_space<vmem>>, %arg3: memref<1x128xf32, #tpu.memory_space<vmem>>, %arg4: memref<128x128xf32, #tpu.memory_space<vmem>>, %arg5: memref<1x128xf32, #tpu.memory_space<vmem>>, %arg6: memref<128x128xf32, #tpu.memory_space<vmem>>, %arg7: memref<1x128xf32, #tpu.memory_space<vmem>>, %arg8: memref<2000x128xf32, #tpu.memory_space<vmem>>, %arg9: memref<2x2000x128xf32, #tpu.memory_space<vmem>>, %arg10: memref<2x2000x64xf32, #tpu.memory_space<vmem>>) attributes {dimension_semantics = [#tpu.dimension_semantics<arbitrary>], iteration_bounds = array<i64: 5>, scalar_prefetch = 0 : i64, scratch_operands = 0 : i64, tpu.core_type = #tpu.core_type<tc>, window_params = [{transform_indices = @transform_0, window_bounds = array<i64: 2000, 128>}, {pipeline_mode = #tpu.pipeline_mode<synchronous>, transform_indices = @transform_1, window_bounds = array<i64: 128, 128>}, {pipeline_mode = #tpu.pipeline_mode<synchronous>, transform_indices = @transform_2, window_bounds = array<i64: 1, 128>}, {pipeline_mode = #tpu.pipeline_mode<synchronous>, transform_indices = @transform_3, window_bounds = array<i64: 128, 128>}, {pipeline_mode = #tpu.pipeline_mode<synchronous>, transform_indices = @transform_4, window_bounds = array<i64: 1, 128>}, {pipeline_mode = #tpu.pipeline_mode<synchronous>, transform_indices = @transform_5, window_bounds = array<i64: 128, 128>}, {pipeline_mode = #tpu.pipeline_mode<synchronous>, transform_indices = @transform_6, window_bounds = array<i64: 1, 128>}, {transform_indices = @transform_7, window_bounds = array<i64: 2000, 128>}, {transform_indices = @transform_8, window_bounds = array<i64: 2, 2000, 128>}, {transform_indices = @transform_9, window_bounds = array<i64: 2, 2000, 64>}]} {
    %get3A = arith.constant 0 : index
    %get3A_0 = arith.constant 0 : index
    %get3A_1 = vector.load %arg1[%get3A, %get3A_0] : memref<2000x128xf32, #tpu.memory_space<vmem>>, vector<2000x128xf32>
    %reduce_sum3A = arith.constant dense<0.000000e+00> : vector<2000xf32>
    %reduce_sum3A_2 = vector.multi_reduction <add>, %get3A_1, %reduce_sum3A [1] : vector<2000x128xf32> to vector<2000xf32>
    %broadcast_in_dim3A = vector.shape_cast %reduce_sum3A_2 : vector<2000xf32> to vector<2000x1xf32>
    %div3A = arith.constant 1.280000e+02 : f32
    %div3A_3 = vector.broadcast %div3A : f32 to vector<2000x1xf32>
    %div3A_4 = arith.divf %broadcast_in_dim3A, %div3A_3 : vector<2000x1xf32>
    %sub3A = vector.broadcast %div3A_4 : vector<2000x1xf32> to vector<2000x128xf32>
    %sub3A_5 = arith.subf %get3A_1, %sub3A : vector<2000x128xf32>
    %mul3A = arith.mulf %sub3A_5, %sub3A_5 : vector<2000x128xf32>
    %reduce_sum3A_6 = arith.constant dense<0.000000e+00> : vector<2000xf32>
    %reduce_sum3A_7 = vector.multi_reduction <add>, %mul3A, %reduce_sum3A_6 [1] : vector<2000x128xf32> to vector<2000xf32>
    %broadcast_in_dim3A_8 = vector.shape_cast %reduce_sum3A_7 : vector<2000xf32> to vector<2000x1xf32>
    %div3A_9 = arith.constant 1.280000e+02 : f32
    %div3A_10 = vector.broadcast %div3A_9 : f32 to vector<2000x1xf32>
    %div3A_11 = arith.divf %broadcast_in_dim3A_8, %div3A_10 : vector<2000x1xf32>
    %add3A = arith.constant 9.99999974E-6 : f32
    %add3A_12 = vector.broadcast %add3A : f32 to vector<2000x1xf32>
    %add3A_13 = arith.addf %div3A_11, %add3A_12 : vector<2000x1xf32>
    %rsqrt3A = math.rsqrt %add3A_13 : vector<2000x1xf32>
    %mul3A_14 = vector.broadcast %rsqrt3A : vector<2000x1xf32> to vector<2000x128xf32>
    %mul3A_15 = arith.mulf %sub3A_5, %mul3A_14 : vector<2000x128xf32>
    %get3A_16 = arith.constant 0 : index
    %get3A_17 = arith.constant 0 : index
    %get3A_18 = vector.load %arg2[%get3A_16, %get3A_17] : memref<128x128xf32, #tpu.memory_space<vmem>>, vector<128x128xf32>
    %dot_general3A = arith.constant dense<0.000000e+00> : vector<2000x128xf32>
    %dot_general3A_19 = tpu.matmul %mul3A_15, %get3A_18, %dot_general3A {dimension_numbers = #tpu.dot_dimension_numbers<[1], [1], [0], [0], [0, 0, 1, 0], [], []>, transpose_lhs_hint = false} : vector<2000x128xf32>, vector<128x128xf32>, vector<2000x128xf32> -> vector<2000x128xf32>
    %get3A_20 = arith.constant 0 : index
    %get3A_21 = arith.constant 0 : index
    %get3A_22 = vector.load %arg3[%get3A_20, %get3A_21] : memref<1x128xf32, #tpu.memory_space<vmem>>, vector<1x128xf32>
    %add3A_23 = vector.broadcast %get3A_22 : vector<1x128xf32> to vector<2000x128xf32>
    %add3A_24 = arith.addf %dot_general3A_19, %add3A_23 : vector<2000x128xf32>
    %get3A_25 = arith.constant 0 : index
    %get3A_26 = arith.constant 0 : index
    %get3A_27 = vector.load %arg4[%get3A_25, %get3A_26] : memref<128x128xf32, #tpu.memory_space<vmem>>, vector<128x128xf32>
    %dot_general3A_28 = arith.constant dense<0.000000e+00> : vector<2000x128xf32>
    %dot_general3A_29 = tpu.matmul %mul3A_15, %get3A_27, %dot_general3A_28 {dimension_numbers = #tpu.dot_dimension_numbers<[1], [1], [0], [0], [0, 0, 1, 0], [], []>, transpose_lhs_hint = false} : vector<2000x128xf32>, vector<128x128xf32>, vector<2000x128xf32> -> vector<2000x128xf32>
    %get3A_30 = arith.constant 0 : index
    %get3A_31 = arith.constant 0 : index
    %get3A_32 = vector.load %arg5[%get3A_30, %get3A_31] : memref<1x128xf32, #tpu.memory_space<vmem>>, vector<1x128xf32>
    %add3A_33 = vector.broadcast %get3A_32 : vector<1x128xf32> to vector<2000x128xf32>
    %add3A_34 = arith.addf %dot_general3A_29, %add3A_33 : vector<2000x128xf32>
    %get3A_35 = arith.constant 0 : index
    %get3A_36 = arith.constant 0 : index
    %get3A_37 = vector.load %arg6[%get3A_35, %get3A_36] : memref<128x128xf32, #tpu.memory_space<vmem>>, vector<128x128xf32>
    %dot_general3A_38 = arith.constant dense<0.000000e+00> : vector<2000x128xf32>
    %dot_general3A_39 = tpu.matmul %mul3A_15, %get3A_37, %dot_general3A_38 {dimension_numbers = #tpu.dot_dimension_numbers<[1], [1], [0], [0], [0, 0, 1, 0], [], []>, transpose_lhs_hint = false} : vector<2000x128xf32>, vector<128x128xf32>, vector<2000x128xf32> -> vector<2000x128xf32>
    %get3A_40 = arith.constant 0 : index
    %get3A_41 = arith.constant 0 : index
    %get3A_42 = vector.load %arg7[%get3A_40, %get3A_41] : memref<1x128xf32, #tpu.memory_space<vmem>>, vector<1x128xf32>
    %add3A_43 = vector.broadcast %get3A_42 : vector<1x128xf32> to vector<2000x128xf32>
    %add3A_44 = arith.addf %dot_general3A_39, %add3A_43 : vector<2000x128xf32>
    %swap3A = arith.constant 0 : index
    %swap3A_45 = arith.constant 0 : index
    %swap3A_46 = vector.load %arg8[%swap3A, %swap3A_45] : memref<2000x128xf32, #tpu.memory_space<vmem>>, vector<2000x128xf32>
    tpu.vector_store %arg8[%swap3A, %swap3A_45], %mul3A_15 {strides = array<i32>} : memref<2000x128xf32, #tpu.memory_space<vmem>>, vector<2000x128xf32>,
    %slice3A = vector.extract_strided_slice %add3A_24 {offsets = [0, 0], sizes = [2000, 64], strides = [1, 1]} : vector<2000x128xf32> to vector<2000x64xf32>
    %slice3A_47 = vector.extract_strided_slice %add3A_44 {offsets = [0, 0], sizes = [2000, 64], strides = [1, 1]} : vector<2000x128xf32> to vector<2000x64xf32>
    %concatenate3A = tpu.concatenate %slice3A, %slice3A_47 in 1 : vector<2000x64xf32>, vector<2000x64xf32> -> vector<2000x128xf32>
    %swap3A_48 = arith.constant 0 : index
    %swap3A_49 = arith.constant 0 : index
    %swap3A_50 = arith.constant 0 : index
    %swap3A_51 = vector.load %arg9[%swap3A_48, %swap3A_49, %swap3A_50] : memref<2x2000x128xf32, #tpu.memory_space<vmem>>, vector<1x2000x128xf32>
    %swap3A_52 = vector.shape_cast %swap3A_51 : vector<1x2000x128xf32> to vector<2000x128xf32>
    %swap3A_53 = vector.shape_cast %concatenate3A : vector<2000x128xf32> to vector<1x2000x128xf32>
    tpu.vector_store %arg9[%swap3A_48, %swap3A_49, %swap3A_50], %swap3A_53 {strides = array<i32>} : memref<2x2000x128xf32, #tpu.memory_space<vmem>>, vector<1x2000x128xf32>,
    %slice3A_54 = vector.extract_strided_slice %add3A_24 {offsets = [0, 64], sizes = [2000, 64], strides = [1, 1]} : vector<2000x128xf32> to vector<2000x64xf32>
    %slice3A_55 = vector.extract_strided_slice %add3A_44 {offsets = [0, 64], sizes = [2000, 64], strides = [1, 1]} : vector<2000x128xf32> to vector<2000x64xf32>
    %concatenate3A_56 = tpu.concatenate %slice3A_54, %slice3A_55 in 1 : vector<2000x64xf32>, vector<2000x64xf32> -> vector<2000x128xf32>
    %swap3A_57 = arith.constant 1 : index
    %swap3A_58 = arith.constant 0 : index
    %swap3A_59 = arith.constant 0 : index
    %swap3A_60 = vector.load %arg9[%swap3A_57, %swap3A_58, %swap3A_59] : memref<2x2000x128xf32, #tpu.memory_space<vmem>>, vector<1x2000x128xf32>
    %swap3A_61 = vector.shape_cast %swap3A_60 : vector<1x2000x128xf32> to vector<2000x128xf32>
    %swap3A_62 = vector.shape_cast %concatenate3A_56 : vector<2000x128xf32> to vector<1x2000x128xf32>
    tpu.vector_store %arg9[%swap3A_57, %swap3A_58, %swap3A_59], %swap3A_62 {strides = array<i32>} : memref<2x2000x128xf32, #tpu.memory_space<vmem>>, vector<1x2000x128xf32>,
    %slice3A_63 = vector.extract_strided_slice %add3A_34 {offsets = [0, 0], sizes = [2000, 64], strides = [1, 1]} : vector<2000x128xf32> to vector<2000x64xf32>
    %swap3A_64 = arith.constant 0 : index
    %swap3A_65 = arith.constant 0 : index
    %swap3A_66 = arith.constant 0 : index
    %swap3A_67 = vector.load %arg10[%swap3A_64, %swap3A_65, %swap3A_66] : memref<2x2000x64xf32, #tpu.memory_space<vmem>>, vector<1x2000x64xf32>
    %swap3A_68 = vector.shape_cast %swap3A_67 : vector<1x2000x64xf32> to vector<2000x64xf32>
    %swap3A_69 = vector.shape_cast %slice3A_63 : vector<2000x64xf32> to vector<1x2000x64xf32>
    tpu.vector_store %arg10[%swap3A_64, %swap3A_65, %swap3A_66], %swap3A_69 {strides = array<i32>} : memref<2x2000x64xf32, #tpu.memory_space<vmem>>, vector<1x2000x64xf32>,
    %slice3A_70 = vector.extract_strided_slice %add3A_34 {offsets = [0, 64], sizes = [2000, 64], strides = [1, 1]} : vector<2000x128xf32> to vector<2000x64xf32>
    %swap3A_71 = arith.constant 1 : index
    %swap3A_72 = arith.constant 0 : index
    %swap3A_73 = arith.constant 0 : index
    %swap3A_74 = vector.load %arg10[%swap3A_71, %swap3A_72, %swap3A_73] : memref<2x2000x64xf32, #tpu.memory_space<vmem>>, vector<1x2000x64xf32>
    %swap3A_75 = vector.shape_cast %swap3A_74 : vector<1x2000x64xf32> to vector<2000x64xf32>
    %swap3A_76 = vector.shape_cast %slice3A_70 : vector<2000x64xf32> to vector<1x2000x64xf32>
    tpu.vector_store %arg10[%swap3A_71, %swap3A_72, %swap3A_73], %swap3A_76 {strides = array<i32>} : memref<2x2000x64xf32, #tpu.memory_space<vmem>>, vector<1x2000x64xf32>,
    return
  }
  func.func @transform_0(%arg0: i32) -> (i32, i32) {
    %c0_i32 = arith.constant 0 : i32
    %c0_i32_0 = arith.constant 0 : i32
    return %arg0, %c0_i32 : i32, i32
  }
  func.func @transform_1(%arg0: i32) -> (i32, i32) {
    %c0_i32 = arith.constant 0 : i32
    %c0_i32_0 = arith.constant 0 : i32
    %c0_i32_1 = arith.constant 0 : i32
    return %c0_i32, %c0_i32_0 : i32, i32
  }
  func.func @transform_2(%arg0: i32) -> (i32, i32) {
    %c0_i32 = arith.constant 0 : i32
    %c0_i32_0 = arith.constant 0 : i32
    %c0_i32_1 = arith.constant 0 : i32
    return %c0_i32, %c0_i32_0 : i32, i32
  }
  func.func @transform_3(%arg0: i32) -> (i32, i32) {
    %c0_i32 = arith.constant 0 : i32
    %c0_i32_0 = arith.constant 0 : i32
    %c0_i32_1 = arith.constant 0 : i32
    return %c0_i32, %c0_i32_0 : i32, i32
  }
  func.func @transform_4(%arg0: i32) -> (i32, i32) {
    %c0_i32 = arith.constant 0 : i32
    %c0_i32_0 = arith.constant 0 : i32
    %c0_i32_1 = arith.constant 0 : i32
    return %c0_i32, %c0_i32_0 : i32, i32
  }
  func.func @transform_5(%arg0: i32) -> (i32, i32) {
    %c0_i32 = arith.constant 0 : i32
    %c0_i32_0 = arith.constant 0 : i32
    %c0_i32_1 = arith.constant 0 : i32
    return %c0_i32, %c0_i32_0 : i32, i32
  }
  func.func @transform_6(%arg0: i32) -> (i32, i32) {
    %c0_i32 = arith.constant 0 : i32
    %c0_i32_0 = arith.constant 0 : i32
    %c0_i32_1 = arith.constant 0 : i32
    return %c0_i32, %c0_i32_0 : i32, i32
  }
  func.func @transform_7(%arg0: i32) -> (i32, i32) {
    %c0_i32 = arith.constant 0 : i32
    %c0_i32_0 = arith.constant 0 : i32
    return %arg0, %c0_i32 : i32, i32
  }
  func.func @transform_8(%arg0: i32) -> (i32, i32, i32) {
    %c0_i32 = arith.constant 0 : i32
    %c0_i32_0 = arith.constant 0 : i32
    %c0_i32_1 = arith.constant 0 : i32
    return %c0_i32, %arg0, %c0_i32_0 : i32, i32, i32
  }
  func.func @transform_9(%arg0: i32) -> (i32, i32, i32) {
    %c0_i32 = arith.constant 0 : i32
    %c0_i32_0 = arith.constant 0 : i32
    %c0_i32_1 = arith.constant 0 : i32
    return %c0_i32, %arg0, %c0_i32_0 : i32, i32, i32
  }
}

module attributes {stable_mosaic.version = 14 : i64} {
  func.func @_fin_body(%arg0: i32, %arg1: memref<2x2000x80xf32, #tpu.memory_space<vmem>>, %arg2: memref<2000x128xf32, #tpu.memory_space<vmem>>, %arg3: memref<2000x128xf32, #tpu.memory_space<vmem>>) attributes {dimension_semantics = [#tpu.dimension_semantics<arbitrary>], iteration_bounds = array<i64: 5>, scalar_prefetch = 0 : i64, scratch_operands = 0 : i64, tpu.core_type = #tpu.core_type<tc>, window_params = [{transform_indices = @transform_0, window_bounds = array<i64: 2, 2000, 80>}, {transform_indices = @transform_1, window_bounds = array<i64: 2000, 128>}, {transform_indices = @transform_2, window_bounds = array<i64: 2000, 128>}]} {
    %get3A = arith.constant 0 : index
    %get3A_0 = arith.constant 0 : index
    %get3A_1 = arith.constant 0 : index
    %get3A_2 = vector.load %arg1[%get3A, %get3A_0, %get3A_1] : memref<2x2000x80xf32, #tpu.memory_space<vmem>>, vector<2x2000x80xf32>
    %slice3A = vector.extract_strided_slice %get3A_2 {offsets = [0, 0, 0], sizes = [1, 2000, 64], strides = [1, 1, 1]} : vector<2x2000x80xf32> to vector<1x2000x64xf32>
    %squeeze3A = vector.shape_cast %slice3A : vector<1x2000x64xf32> to vector<2000x64xf32>
    %slice3A_3 = vector.extract_strided_slice %get3A_2 {offsets = [1, 0, 0], sizes = [1, 2000, 64], strides = [1, 1, 1]} : vector<2x2000x80xf32> to vector<1x2000x64xf32>
    %squeeze3A_4 = vector.shape_cast %slice3A_3 : vector<1x2000x64xf32> to vector<2000x64xf32>
    %concatenate3A = tpu.concatenate %squeeze3A, %squeeze3A_4 in 1 : vector<2000x64xf32>, vector<2000x64xf32> -> vector<2000x128xf32>
    %iota3A = tpu.iota {dimensions = array<i32: 1>} : vector<4x128xi32>
    %iota3A_5 = tpu.iota {dimensions = array<i32: 0>} : vector<4x128xi32>
    %jit3A = arith.constant 16 : i32
    %div3A = vector.broadcast %jit3A : i32 to vector<4x128xi32>
    %div3A_6 = arith.divsi %iota3A, %div3A : vector<4x128xi32>
    %sign3A = arith.constant 0 : i32
    %sign3A_7 = vector.broadcast %sign3A : i32 to vector<4x128xi32>
    %sign3A_8 = arith.cmpi sgt, %iota3A, %sign3A_7 : vector<4x128xi32>
    %sign3A_9 = arith.extui %sign3A_8 : vector<4x128xi1> to vector<4x128xi32>
    %sign3A_10 = arith.constant 0 : i32
    %sign3A_11 = vector.broadcast %sign3A_10 : i32 to vector<4x128xi32>
    %sign3A_12 = arith.cmpi slt, %iota3A, %sign3A_11 : vector<4x128xi32>
    %sign3A_13 = arith.extui %sign3A_12 : vector<4x128xi1> to vector<4x128xi32>
    %sign3A_14 = arith.subi %sign3A_9, %sign3A_13 : vector<4x128xi32>
    %sign3A_15 = arith.constant 0 : i32
    %sign3A_16 = arith.cmpi sgt, %jit3A, %sign3A_15 : i32
    %sign3A_17 = arith.extui %sign3A_16 : i1 to i32
    %sign3A_18 = arith.constant 0 : i32
    %sign3A_19 = arith.cmpi slt, %jit3A, %sign3A_18 : i32
    %sign3A_20 = arith.extui %sign3A_19 : i1 to i32
    %sign3A_21 = arith.subi %sign3A_17, %sign3A_20 : i32
    %ne3A = vector.broadcast %sign3A_21 : i32 to vector<4x128xi32>
    %ne3A_22 = arith.cmpi ne, %sign3A_14, %ne3A : vector<4x128xi32>
    %rem3A = vector.broadcast %jit3A : i32 to vector<4x128xi32>
    %rem3A_23 = arith.remsi %iota3A, %rem3A : vector<4x128xi32>
    %ne3A_24 = arith.constant 0 : i32
    %ne3A_25 = vector.broadcast %ne3A_24 : i32 to vector<4x128xi32>
    %ne3A_26 = arith.cmpi ne, %rem3A_23, %ne3A_25 : vector<4x128xi32>
    %and3A = arith.andi %ne3A_22, %ne3A_26 : vector<4x128xi1>
    %sub3A = arith.constant 1 : i32
    %sub3A_27 = vector.broadcast %sub3A : i32 to vector<4x128xi32>
    %sub3A_28 = arith.subi %div3A_6, %sub3A_27 : vector<4x128xi32>
    %select_n3A = arith.select %and3A, %sub3A_28, %div3A_6 : vector<4x128xi1>, vector<4x128xi32>
    %eq3A = arith.cmpi eq, %select_n3A, %iota3A_5 : vector<4x128xi32>
    %convert_element_type3A = arith.extui %eq3A : vector<4x128xi1> to vector<4x128xi32>
    %convert_element_type3A_29 = arith.sitofp %convert_element_type3A : vector<4x128xi32> to vector<4x128xf32>
    %jit3A_30 = arith.constant 16 : i32
    %div3A_31 = vector.broadcast %jit3A_30 : i32 to vector<4x128xi32>
    %div3A_32 = arith.divsi %iota3A, %div3A_31 : vector<4x128xi32>
    %sign3A_33 = arith.constant 0 : i32
    %sign3A_34 = vector.broadcast %sign3A_33 : i32 to vector<4x128xi32>
    %sign3A_35 = arith.cmpi sgt, %iota3A, %sign3A_34 : vector<4x128xi32>
    %sign3A_36 = arith.extui %sign3A_35 : vector<4x128xi1> to vector<4x128xi32>
    %sign3A_37 = arith.constant 0 : i32
    %sign3A_38 = vector.broadcast %sign3A_37 : i32 to vector<4x128xi32>
    %sign3A_39 = arith.cmpi slt, %iota3A, %sign3A_38 : vector<4x128xi32>
    %sign3A_40 = arith.extui %sign3A_39 : vector<4x128xi1> to vector<4x128xi32>
    %sign3A_41 = arith.subi %sign3A_36, %sign3A_40 : vector<4x128xi32>
    %sign3A_42 = arith.constant 0 : i32
    %sign3A_43 = arith.cmpi sgt, %jit3A_30, %sign3A_42 : i32
    %sign3A_44 = arith.extui %sign3A_43 : i1 to i32
    %sign3A_45 = arith.constant 0 : i32
    %sign3A_46 = arith.cmpi slt, %jit3A_30, %sign3A_45 : i32
    %sign3A_47 = arith.extui %sign3A_46 : i1 to i32
    %sign3A_48 = arith.subi %sign3A_44, %sign3A_47 : i32
    %ne3A_49 = vector.broadcast %sign3A_48 : i32 to vector<4x128xi32>
    %ne3A_50 = arith.cmpi ne, %sign3A_41, %ne3A_49 : vector<4x128xi32>
    %rem3A_51 = vector.broadcast %jit3A_30 : i32 to vector<4x128xi32>
    %rem3A_52 = arith.remsi %iota3A, %rem3A_51 : vector<4x128xi32>
    %ne3A_53 = arith.constant 0 : i32
    %ne3A_54 = vector.broadcast %ne3A_53 : i32 to vector<4x128xi32>
    %ne3A_55 = arith.cmpi ne, %rem3A_52, %ne3A_54 : vector<4x128xi32>
    %and3A_56 = arith.andi %ne3A_50, %ne3A_55 : vector<4x128xi1>
    %sub3A_57 = arith.constant 1 : i32
    %sub3A_58 = vector.broadcast %sub3A_57 : i32 to vector<4x128xi32>
    %sub3A_59 = arith.subi %div3A_32, %sub3A_58 : vector<4x128xi32>
    %select_n3A_60 = arith.select %and3A_56, %sub3A_59, %div3A_32 : vector<4x128xi1>, vector<4x128xi32>
    %add3A = arith.constant 4 : i32
    %add3A_61 = vector.broadcast %add3A : i32 to vector<4x128xi32>
    %add3A_62 = arith.addi %iota3A_5, %add3A_61 : vector<4x128xi32>
    %eq3A_63 = arith.cmpi eq, %select_n3A_60, %add3A_62 : vector<4x128xi32>
    %convert_element_type3A_64 = arith.extui %eq3A_63 : vector<4x128xi1> to vector<4x128xi32>
    %convert_element_type3A_65 = arith.sitofp %convert_element_type3A_64 : vector<4x128xi32> to vector<4x128xf32>
    %slice3A_66 = vector.extract_strided_slice %get3A_2 {offsets = [0, 0, 64], sizes = [1, 2000, 4], strides = [1, 1, 1]} : vector<2x2000x80xf32> to vector<1x2000x4xf32>
    %squeeze3A_67 = vector.shape_cast %slice3A_66 : vector<1x2000x4xf32> to vector<2000x4xf32>
    %dot_general3A = arith.constant dense<0.000000e+00> : vector<2000x128xf32>
    %dot_general3A_68 = tpu.matmul %squeeze3A_67, %convert_element_type3A_29, %dot_general3A {dimension_numbers = #tpu.dot_dimension_numbers<[1], [0], [0], [1], [0, 0, 1, 1], [], []>, transpose_lhs_hint = false} : vector<2000x4xf32>, vector<4x128xf32>, vector<2000x128xf32> -> vector<2000x128xf32>
    %slice3A_69 = vector.extract_strided_slice %get3A_2 {offsets = [1, 0, 64], sizes = [1, 2000, 4], strides = [1, 1, 1]} : vector<2x2000x80xf32> to vector<1x2000x4xf32>
    %squeeze3A_70 = vector.shape_cast %slice3A_69 : vector<1x2000x4xf32> to vector<2000x4xf32>
    %dot_general3A_71 = arith.constant dense<0.000000e+00> : vector<2000x128xf32>
    %dot_general3A_72 = tpu.matmul %squeeze3A_70, %convert_element_type3A_65, %dot_general3A_71 {dimension_numbers = #tpu.dot_dimension_numbers<[1], [0], [0], [1], [0, 0, 1, 1], [], []>, transpose_lhs_hint = false} : vector<2000x4xf32>, vector<4x128xf32>, vector<2000x128xf32> -> vector<2000x128xf32>
    %add3A_73 = arith.addf %dot_general3A_68, %dot_general3A_72 : vector<2000x128xf32>
    %gt3A = arith.constant 0.000000e+00 : f32
    %gt3A_74 = vector.broadcast %gt3A : f32 to vector<2000x128xf32>
    %gt3A_75 = arith.cmpf ogt, %add3A_73, %gt3A_74 : vector<2000x128xf32>
    %jit3A_76 = arith.constant 1.000000e+00 : f32
    %broadcast_in_dim3A = vector.broadcast %jit3A_76 : f32 to vector<2000x128xf32>
    %select_n3A_77 = arith.select %gt3A_75, %add3A_73, %broadcast_in_dim3A : vector<2000x128xi1>, vector<2000x128xf32>
    %div3A_78 = arith.divf %concatenate3A, %select_n3A_77 : vector<2000x128xf32>
    %get3A_79 = arith.constant 0 : index
    %get3A_80 = arith.constant 0 : index
    %get3A_81 = vector.load %arg2[%get3A_79, %get3A_80] : memref<2000x128xf32, #tpu.memory_space<vmem>>, vector<2000x128xf32>
    %add3A_82 = arith.addf %div3A_78, %get3A_81 : vector<2000x128xf32>
    %neg3A = arith.constant 0.000000e+00 : f32
    %neg3A_83 = vector.broadcast %neg3A : f32 to vector<2000x128xf32>
    %neg3A_84 = arith.subf %neg3A_83, %add3A_82 : vector<2000x128xf32>
    %exp3A = math.exp %neg3A_84 : vector<2000x128xf32>
    %add3A_85 = arith.constant 1.000000e+00 : f32
    %add3A_86 = vector.broadcast %add3A_85 : f32 to vector<2000x128xf32>
    %add3A_87 = arith.addf %add3A_86, %exp3A : vector<2000x128xf32>
    %div3A_88 = arith.divf %add3A_82, %add3A_87 : vector<2000x128xf32>
    %swap3A = arith.constant 0 : index
    %swap3A_89 = arith.constant 0 : index
    %swap3A_90 = vector.load %arg3[%swap3A, %swap3A_89] : memref<2000x128xf32, #tpu.memory_space<vmem>>, vector<2000x128xf32>
    tpu.vector_store %arg3[%swap3A, %swap3A_89], %div3A_88 {strides = array<i32>} : memref<2000x128xf32, #tpu.memory_space<vmem>>, vector<2000x128xf32>,
    return
  }
  func.func @transform_0(%arg0: i32) -> (i32, i32, i32) {
    %c0_i32 = arith.constant 0 : i32
    %c0_i32_0 = arith.constant 0 : i32
    %c0_i32_1 = arith.constant 0 : i32
    return %c0_i32, %arg0, %c0_i32_0 : i32, i32, i32
  }
  func.func @transform_1(%arg0: i32) -> (i32, i32) {
    %c0_i32 = arith.constant 0 : i32
    %c0_i32_0 = arith.constant 0 : i32
    return %arg0, %c0_i32 : i32, i32
  }
  func.func @transform_2(%arg0: i32) -> (i32, i32) {
    %c0_i32 = arith.constant 0 : i32
    %c0_i32_0 = arith.constant 0 : i32
    return %arg0, %c0_i32 : i32, i32
  }
}

</mosaic_0001>

<sc_bundles>
// kernel: kernel.5.cloned.1.call-start
scs
__scs_entry_jumppad:
0x0: {  	(pc) =	sbr.rel $0x88, $3  }
0x1: {  	(tag) =	ssettag $0x0;
	lr =	simm.s32 $0x1  }
0x2: {  	[smem:$0x3F98] =	sst lr;
	_ =	strace $0xD0000000  }
0x3: {  	_ = 	snop  }
0x4: {  	_ = 	snop  }
0x5: {  	_ = 	snop  }
0x6: {  	_ = 	snop  }
0x7: {  	_ = 	snop  }
__scs_overlays_trampoline_lowered:
0x8: {  	[smem:$0x3FA7] =	sst s0  }
0x9: {  	[smem:$0x3FA8] =	sst s1  }
0xa: {  	[smem:$0x3FA9] =	sst s2  }
0xb: {  	[smem:$0x3FAA] =	sst s3  }
0xc: {  	[smem:$0x3FAB] =	sst s4  }
0xd: {  	[smem:$0x3FAC] =	sst s5  }
0xe: {  	[smem:$0x3FAD] =	sst s6  }
0xf: {  	[smem:$0x3FAE] =	sst s7  }
0x10: {  	[smem:$0x3FAF] =	sst s8  }
0x11: {  	[smem:$0x3FB0] =	sst s9;
	s0 =	simm.s32 @!p0 $0x0  }
0x12: {  	s1 =	sld [smem:$0x3F96];
	s0 =	simm.s32 @p0 $0x1  }
0x13: {  	[smem:$0x3FB1] =	sst s0;
	s0 =	simm.s32 @!p1 $0x0  }
0x14: {  	s2 =	sld [smem:$0x3F95];
	s0 =	simm.s32 @p1 $0x1  }
0x15: {  	[smem:$0x3FB2] =	sst s0;
	s0 =	simm.s32 @!p2 $0x0  }
0x16: {  	s3 =	sld [smem:$0x3FDB];
	s0 =	simm.s32 @p2 $0x1  }
0x17: {  	s4 =	simm.s32 $0x1BF5;
	[smem:$0x3FB4] =	sst s0  }
0x18: {  	s0 =	sld [smem:$0x3F97];
	_ =	swait.ge [sflag:s4], $0x0  }
0x19: {  	s7 =	sld [smem:$0x3F98]  }
0x1a: {  	s8 =	sadd.s32 $0xFFFFE003, lr  }
0x1b: {  	s9 =	sadd.s32 $0xFFFFFEF7, lr;
	s5 =	simm.s32 $0xFFFFFFFF;
	p2 =	slt.u32 s8, $0xFFFFF086  }
0x1c: {  	p1 =	slt.u32 s9, $0xF7A;
	s5 =	simm.s32 @!p2 $0x0  }
0x1d: {  	s5 =	simm.s32 @p1 $0x1;
	p0 =	seq.s32 s7, s2  }
0x1e: {  	s7 =	smul.u32 @!p0 $0xF7A, s2;
	p2 =	seq.s32 @!p0 s5, $0x0  }
0x1f: {  	s9 =	smul.u32 $0xF7A, s1;
	s8 =	simm.s32 @!p0 $0x1BF5;
	p2 =	por !p2, p0  }
0x20: {  	[sflag:s8] =	ssyncset.s32 @!p0 $0xFFFFF086;
	s6 =	sadd.s32 @!p0 s3, s7;
	s7 =	simm.s32 @!p0 $0x108  }
0x21: {  	s3 =	sadd.s32 s3, s9;
	s6 =	sadd.s32 @!p0 $0x88, s6;
	s7 =	simm.s32 @p2 $0x1082  }
0x22: {  	[simem:s7], [sflag:s8] =	dma.local @!p0 [hbm:s6], $0xF7A  }
0x23: {  	s9 =	sor.u32 $0xD0000000, s2;
	s6 =	simm.s32 $0x108;
	_ =	swait.ge @!p0 [sflag:s8], $0x0  }
0x24: {  	s3 =	sadd.s32 $0x88, s3;
	s6 =	simm.s32 @!p1 $0x1082;
	[sflag:s4] =	ssyncset.s32 $0xFFFFF086  }
0x25: {  	[simem:s6], [sflag:s4] =	dma.local [hbm:s3], $0xF7A  }
0x26: {  	[smem:$0x3F98] =	sst s1;
	(tag) =	ssettag s2;
	_ =	strace s9  }
0x27: {  	s1 =	sld [smem:$0x3FA8]  }
0x28: {  	s2 =	sld [smem:$0x3FA9]  }
0x29: {  	s4 =	sld [smem:$0x3FAB]  }
0x2a: {  	p0 =	seq.s32 s5, $0x0;
	s5 =	sld [smem:$0x3FAC]  }
0x2b: {  	s6 =	sld [smem:$0x3FAD]  }
0x2c: {  	s7 =	sld [smem:$0x3FAE]  }
0x2d: {  	s3 =	simm.s32 $0x108;
	s8 =	sld [smem:$0x3FAF]  }
0x2e: {  	s3 =	simm.s32 @!p0 $0x1082;
	s9 =	sld [smem:$0x3FB0]  }
0x2f: {  	lr =	sadd.s32 s0, s3;
	s0 =	sld [smem:$0x3FA7]  }
0x30: {  	s3 =	sld [smem:$0x3FAA]  }
0x31: {  	[smem:$0x3FB3] =	sst s10  }
0x32: {  	s10 =	sld [smem:$0x3FB1];
	_ =	sdelay $0x3  }
0x33: {  	p0 =	seq.s32 s10, $0x1;
	s10 =	sld [smem:$0x3FB3];
	_ =	sdelay $0x3  }
0x34: {  	[smem:$0x3FB3] =	sst s10  }
0x35: {  	s10 =	sld [smem:$0x3FB2];
	_ =	sdelay $0x3  }
0x36: {  	p1 =	seq.s32 s10, $0x1;
	s10 =	sld [smem:$0x3FB3];
	_ =	sdelay $0x3  }
0x37: {  	[smem:$0x3FB3] =	sst s10  }
0x38: {  	s10 =	sld [smem:$0x3FB4]  }
0x39: {  	_ = 	snop;
	(pc) =	sbr.ind lr, $3  }
0x3a: {  	_ = 	snop  }
0x3b: {  	_ = 	snop  }
0x3c: {  	p2 =	seq.s32 s10, $0x1;
	s10 =	sld [smem:$0x3FB3]  }
0x3d: {  	_ =	shalt  }
0x3e: {  	_ =	shalt  }
0x3f: {  	_ =	shalt  }
0x40: {  	_ =	shalt  }
0x41: {  	_ =	shalt  }
0x42: {  	_ =	shalt  }
0x43: {  	_ =	shalt  }
0x44: {  	_ =	shalt  }
0x45: {  	_ =	shalt  }
0x46: {  	_ =	shalt  }
0x47: {  	_ =	shalt  }
0x48: {  	_ =	shalt  }
0x49: {  	_ =	shalt  }
0x4a: {  	_ =	shalt  }
0x4b: {  	_ =	shalt  }
0x4c: {  	_ =	shalt  }
0x4d: {  	_ =	shalt  }
0x4e: {  	_ =	shalt  }
0x4f: {  	_ =	shalt  }
0x50: {  	_ =	shalt  }
0x51: {  	_ =	shalt  }
0x52: {  	_ =	shalt  }
0x53: {  	_ =	shalt  }
0x54: {  	_ =	shalt  }
0x55: {  	_ =	shalt  }
0x56: {  	_ =	shalt  }
0x57: {  	_ =	shalt  }
0x58: {  	_ =	shalt  }
0x59: {  	_ =	shalt  }
0x5a: {  	_ =	shalt  }
0x5b: {  	_ =	shalt  }
0x5c: {  	_ =	shalt  }
0x5d: {  	_ =	shalt  }
0x5e: {  	_ =	shalt  }
0x5f: {  	_ =	shalt  }
0x60: {  	_ =	shalt  }
0x61: {  	_ =	shalt  }
0x62: {  	_ =	shalt  }
0x63: {  	_ =	shalt  }
0x64: {  	_ =	shalt  }
0x65: {  	_ =	shalt  }
0x66: {  	_ =	shalt  }
0x67: {  	_ =	shalt  }
0x68: {  	_ =	shalt  }
0x69: {  	_ =	shalt  }
0x6a: {  	_ =	shalt  }
0x6b: {  	_ =	shalt  }
0x6c: {  	_ =	shalt  }
0x6d: {  	_ =	shalt  }
0x6e: {  	_ =	shalt  }
0x6f: {  	_ =	shalt  }
0x70: {  	_ =	shalt  }
0x71: {  	_ =	shalt  }
0x72: {  	_ =	shalt  }
0x73: {  	_ =	shalt  }
0x74: {  	_ =	shalt  }
0x75: {  	_ =	shalt  }
0x76: {  	_ =	shalt  }
0x77: {  	_ =	shalt  }
0x78: {  	_ =	shalt  }
0x79: {  	_ =	shalt  }
0x7a: {  	_ =	shalt  }
0x7b: {  	_ =	shalt  }
0x7c: {  	_ =	shalt  }
0x7d: {  	_ =	shalt  }
0x7e: {  	_ =	shalt  }
0x7f: {  	_ =	shalt  }
0x80: {  	_ =	shalt  }
0x81: {  	_ =	shalt  }
0x82: {  	_ =	shalt  }
0x83: {  	_ =	shalt  }
0x84: {  	_ =	shalt  }
0x85: {  	_ =	shalt  }
0x86: {  	_ =	shalt  }
0x87: {  	_ =	shalt  }
.Lfunc_end0:
.L_simem_size_0:
called_computation_lowered:
.L_overlay_start_0:
0x88: {  	s2 =	sld [smem:$0x3FD9]  }
0x89: {  	s3 =	sld [smem:$0x3FFE];
	_ =	sdelay $0x1  }
0x8a: {  	s1 =	srdreg.scid  }
0x8b: {  	s0 =	sand.u32 $0x1, s1  }
0x8c: {  	s17 =	sshll.u32 s0, $0xA;
	s2 =	sadd.s32 s3, s2  }
0x8d: {  	s2 =	sadd.s32 s2, s17  }
0x8e: {  	[smem:$0x3FBF] =	sst s2  }
0x8f: {  	_ = 	snop  }
0x90: {  	s2 =	sld [smem:$0x3FD0];
	(tm) =	ssettm $0x1  }
0x91: {  	s18 =	sld [smem:$0x3FFB];
	_ =	sdelay $0x3  }
0x92: {  	_ =	strace s18  }
0x93: {  	s3 =	sld [smem:$0x3FFC];
	_ =	sdelay $0x3  }
0x94: {  	_ =	strace s3  }
0x95: {  	s3 =	sld [smem:$0x3FFD];
	_ =	sdelay $0x3  }
0x96: {  	_ =	strace s3  }
0x97: {  	_ =	strace $0x8FFFFFFF  }
0x98: {  	s19 =	sld [smem:$0x3FDB];
	_ =	sdelay $0x1  }
0x99: {  	s4 =	simm.s32 $_scs_section_size  }
0x9a: {  	s5 =	simm.s32 $_size__tile_overlayer_lowered;
	s6 =	simm.s32 $_tile_overlayer_lowered  }
0x9b: {  	s22 =	simm.s32 $0x1BFF;
	s21 =	sshll.u32 s6, $0x1;
	s3 =	sadd.s32 s4, s19  }
0x9c: {  	s7 =	simm.s32 $0x0;
	s20 =	sshll.u32 s5, $0x1;
	s5 =	sadd.s32 s21, s3  }
0x9d: {  	[timem:s7], [sflag:s22] =	dma.local [hbm:s5], s20  }
0x9e: {  	_ =	swait.ge [sflag:s22], s20  }
0x9f: {  	s4 =	ssub.s32 $0x0, s20;
	[sflag:s22] =	ssyncset.done $0x0  }
0xa0: {  	[sflag:s22] =	ssyncadd.s32 s4;
	_ =	sdelay $0x1  }
0xa1: {  	s23 =	simm.s32 $0x1B8B  }
0xa2: {  	_ =	swait.ge [sflag:s23], $0x1  }
0xa3: {  	[sflag:s23] =	ssyncset.done $0x0  }
0xa4: {  	s25 =	simm.s32 $0x1B8E;
	s24 =	sld [smem:$0x3FFE];
	[sflag:s23] =	ssyncadd.s32 $0xFFFFFFFF  }
0xa5: {  	s26 =	simm.s32 $execute0_lowered;
	[smem:$0x3FD2] =	sst s25  }
0xa6: {  	s5 =	sshll.u32 s26, $0x1;
	_ =	strace $0x80000046;
	[dreg:$0x1] =	wrdreg $0xFFFFFFFF  }
0xa7: {  	s28 =	simm.s32 $_size_execute0_lowered;
	s3 =	sadd.s32 s3, s5;
	[dreg:$0x0] =	wrdreg $0x0  }
0xa8: {  	s5 =	sshll.u32 s28, $0x1;
	[dreg:$0x2] =	wrdreg s3  }
0xa9: {  	[dreg:$0x3] =	wrdreg s5  }
0xaa: {  	[dreg:$0x4] =	wrdreg $0xC0  }
0xab: {  	_ =	task [dreg:s7], $0x5FFFF  }
0xac: {  	[dreg:$0x1] =	wrdreg $0xFFFFFFFF  }
0xad: {  	[dreg:$0x0] =	wrdreg $0x60  }
0xae: {  	[dreg:$0x2] =	wrdreg s24  }
0xaf: {  	[dreg:$0x3] =	wrdreg s2  }
0xb0: {  	[dreg:$0x4] =	wrdreg $0xEAA00  }
0xb1: {  	[dreg:$0x5] =	wrdreg $0x9  }
0xb2: {  	_ =	task.clear_ibuf [dreg:s7], $0x6FFFF;
	_ =	strace $0x90000046  }
0xb3: {  	s29 =	simm.s32 $0x9;
	_ =	strace $0x80000048  }
0xb4: {  	_ =	swait.ge [sflag:s29], $0x1  }
0xb5: {  	[sflag:s29] =	ssyncadd.s32 $0xFFFFFFFF  }
0xb6: {  	_ =	strace $0x90000048  }
0xb7: {  	_ =	sfence  }
0xb8: {  	s30 =	sld [smem:$0x0];
	_ =	sdelay $0x2  }
0xb9: {  	s31 =	sshll.u32 s1, $0xD;
	s1 =	sshrl.u32 s1, $0x2  }
0xba: {  	s3 =	sand.u32 $0x4000, s31;
	s1 =	sadd.s32 s1, s30  }
0xbb: {  	s0 =	sor.u32 s3, s0;
	s1 =	sshll.u32 s1, $0x11  }
0xbc: {  	s0 =	sor.u32 s1, s0  }
0xbd: {  	s0 =	sadd.s32 $0x8F2B, s0  }
0xbe: {  	[sflag:s0] =	ssyncadd.remote.s32 $0x1  }
0xbf: {  	_ =	sfence.sel $0xFFFF  }
0xc0: {  	[dreg:$0x0] =	wrdreg $0xFFFFFFFF;
	(pc) =	sbr.abs _section_cstart, $3  }
0xc1: {  	[dreg:$0x1] =	wrdreg $0xFFFFFFFF  }
0xc2: {  	_ =	task.clear_ibuf [dreg:s7], $0x2FFFF;
	_ =	strace $0x9FFFFFFF  }
0xc3: {  	(tm) =	ssettm $0x7FFFFFFF  }
tec
execute0_lowered:
.L_overlay_start_1:
0x0: {  	(tag) =	ssettag $0x1  }
0x1: {  	s21 =	stileid.u32  }
0x2: {  	s0 =	rddreg [dreg:$0x0];
	s3 =	smul.u32 $0xFA00, s21  }
0x3: {  	s1 =	rddreg [dreg:$0x1];
	s9 =	sor.u32 $0x10, s21;
	s29 =	smul.u32 $0x3E80, s21  }
0x4: {  	s2 =	rddreg [dreg:$0x2];
	s11 =	sor.u32 $0x20, s21;
	s10 =	smul.u32 $0xFA00, s9  }
0x5: {  	s6 =	srdreg.scid;
	s14 =	sor.u32 $0x30, s21;
	s13 =	smul.u32 $0xFA00, s11  }
0x6: {  	s4 =	simm.s32 $0x0;
	s12 =	sand.u32 $0x1, s6;
	s15 =	smul.u32 $0xFA00, s14  }
0x7: {  	s30 =	simm.s32 $0x50;
	s31 =	simm.s32 $0x1;
	s18 =	smul.u32 $0x2710, s12  }
0x8: {  	[smem:$0x7FF] =	sst s4;
	s5 =	sadd.s32 $0x4F400, s0;
	s20 =	smul.u32 $0xFFFFD8F0, s12  }
0x9: {  	s6 =	sadd.s32 $0xB000, s0;
	s7 =	sadd.s32 $0x1200, s0;
	s9 =	smul.u32 $0x3E80, s9  }
0xa: {  	p0 =	sgt.u32 s21, $0x1;
	_ =	strace $0x80000047;
	s11 =	smul.u32 $0x3E80, s11  }
0xb: {  	s8 =	sshll.u32 s12, $0x3;
	s17 =	ssub.s32 $0x2, s12;
	s14 =	smul.u32 $0x3E80, s14  }
0xc: {  	s16 =	sadd.s32 s8, s0;
	s8 =	smul.u32 $0x4E20, s21;
	s0 =	sadd.s32 $0x15000, s0  }
0xd: {  	v0 =	vimm.s32 $0xFEDCBA98;
	v1 =	vimm.s32 $0x76543210;
	v3 =	vimm.s32 $0x32107654;
	s19 =	sshrl.u32 s17, $0x1;
	s3 =	sshrl.u32 s3, $0x2;
	s25 =	sadd.s32 s29, s2  }
0xe: {  	v4 =	vimm.s32 $0xDCFE98BA;
	v5 =	vimm.s32 $0x54761032;
	s21 =	simm.s32 $0xAC20;
	s3 =	sadd.s32 s3, s2;
	s10 =	sshrl.u32 s10, $0x2  }
0xf: {  	v6 =	vimm.s32 $0xEFCDAB89;
	v7 =	vimm.s32 $0x67452301;
	s28 =	sshrl.u32 s13, $0x2;
	s16 =	sadd.s32 $0x14E00, s16;
	[dreg:$0x4] =	wrdreg s3  }
0x10: {  	v0 =	vunpack.c.l.s4.s8 v0;
	v1 =	vunpack.c.l.s4.s8 v1;
	s15 =	sshrl.u32 s15, $0x2;
	v2 =	vmov s18;
	s10 =	sadd.s32 s10, s2;
	[dreg:$0x7] =	wrdreg s16  }
0x11: {  	v3 =	vunpack.c.l.s4.s8 v3;
	v4 =	vunpack.c.l.s4.s8 v4;
	s3 =	smul.u32 $0xC3500, s12;
	s12 =	sadd.s32 s28, s2;
	[tilespmem:$0x1FFA0] =	vst v2;
	v2 =	vimm.s32 $0xBA98FEDC;
	[dreg:$0x5] =	wrdreg s10  }
0x12: {  	v5 =	vunpack.c.l.s4.s8 v5;
	v6 =	vunpack.c.l.s4.s8 v6;
	s18 =	sshrl.u32 s8, $0x3;
	[dreg:$0x6] =	wrdreg s12;
	s10 =	sadd.s32 s15, s2;
	v2 =	vunpack.c.l.s4.s8 v2  }
0x13: {  	v7 =	vunpack.c.l.s4.s8 v7;
	v0 =	vunpack.c.0.s8.s32 v0;
	v1 =	vunpack.c.0.s8.s32 v1;
	s17 =	ssub.s32 s17, s19;
	s22 =	sadd.s32 s6, s18;
	[dreg:$0x8] =	wrdreg s10  }
0x14: {  	v3 =	vunpack.c.0.s8.s32 v3;
	v4 =	vunpack.c.0.s8.s32 v4;
	s19 =	sadd.s32 s29, s3;
	[dreg:$0x9] =	wrdreg s22;
	s10 =	sadd.s32 s7, s18;
	v8 =	vunpack.c.0.s8.s32 v2  }
0x15: {  	v5 =	vunpack.c.0.s8.s32 v5;
	v6 =	vunpack.c.0.s8.s32 v6;
	v0 =	vand.u32 $0xF, v0;
	s24 =	sadd.s32 s3, s9;
	s26 =	sadd.s32 s3, s11;
	s3 =	sadd.s32 s3, s14  }
0x16: {  	v7 =	vunpack.c.0.s8.s32 v7;
	v36 =	vcombine.low v0, v1;
	s9 =	sadd.s32 s9, s2;
	s29 =	sadd.s32 s11, s2;
	s22 =	sshrl.u32 s25, $0x3;
	v0 =	vcombine.low v3, v8  }
0x17: {  	v1 =	vcombine.low v5, v4;
	s12 =	sshrl.u32 s19, $0x3;
	[dreg:$0xa] =	wrdreg s10;
	s10 =	sshrl.u32 s24, $0x3;
	v2 =	vmov s20  }
0x18: {  	s28 =	sshrl.u32 s26, $0x3;
	s3 =	sshrl.u32 s3, $0x3;
	s20 =	smax.u32 s17, $0x1;
	[tilespmem:$0x1FFC0] =	vst v36;
	v3 =	vcombine.low v7, v6;
	v62 =	vand.u32 $0xF, v0;
	v0 =	vlaneseq.u32  }
0x19: {  	s24 =	sshrl.u32 s29, $0x3;
	v54 =	vand.u32 $0xF, v1;
	s26 =	simm.s32 $0x3;
	s23 =	sadd.s32 s0, s12;
	[tilespmem:$0x1FFB0] =	vst v2;
	v0 =	vand.u32 $0x1, v0  }
0x1a: {  	s10 =	sadd.s32 s0, s10;
	s18 =	sadd.s32 s0, s28;
	[tilespmem:$0x1FFF0] =	vst v54;
	[dreg:$0xb] =	wrdreg s23;
	v6 =	vand.u32 $0xF, v3;
	v60 =	vmul.u32 $0x8, v0  }
0x1b: {  	vm0 =	vmmov $0xff;
	s19 =	sadd.s32 s0, s3;
	s0 =	sadd.s32 s14, s2;
	[dreg:$0xc] =	wrdreg s10;
	[tilespmem:$0x1FFE0] =	vst v6  }
0x1c: {  	vm1 =	vmmov $0x3;
	v63 =	vimm.s32 $0x3;
	v2 =	vimm.f32 $0.0e+00;
	s23 =	sshrl.u32 s9, $0x3;
	s25 =	sshrl.u32 @!p0 s0, $0x3;
	s0 =	simm.s32 $0x2;
	[tilespmem:$0x1FFD0] =	vst v60  }
.LBB2_1:
0x1d: {  	s9 =	simm.s32 $0x140;
	s3 =	simm.s32 $0x0  }
.LBB2_2:
0x1e: {  	p1 =	sne.s32 s9, $0xF8C0;
	[tilespmem:s3+$0xAC60] =	vst v2;
	s10 =	smov.u32 s9;
	s9 =	sadd.s32 $0x140, s9  }
.Ltmp0:
0x1f: {  	[tilespmem:s3+$0xAC50] =	vst v2;
	(pc) =	sbr.rel @p1 .LBB2_2-.Ltmp0, $4  }
0x20: {  	[tilespmem:s3+$0xAC40] =	vst v2  }
0x21: {  	[tilespmem:s3+$0xAC20] =	vst v2  }
0x22: {  	[tilespmem:s3+$0xAC30] =	vst v2  }
0x23: {  	s3 =	sshra.s32 s10, $0x2  }
0x24: {  	[tilespmem:s3+$0xAC60] =	vst v2  }
0x25: {  	[tilespmem:s3+$0xAC50] =	vst v2  }
0x26: {  	[tilespmem:s3+$0xAC40] =	vst v2  }
0x27: {  	[tilespmem:s3+$0xAC20] =	vst v2  }
0x28: {  	[tilespmem:s3+$0xAC30] =	vst v2;
	s12 =	rddreg [dreg:$0x4]  }
0x29: {  	[spmem:s12] =	stream.linear.scatter [tilespmem:s21], [sflag:$0x3], $0x3E80, $0x38;
	[tilespmem:$0x1ADF0] =	vst v63  }
0x2a: {  	_ =	swait.ge [sflag:s26], $0x3E80  }
0x2b: {  	[sflag:s26] =	ssyncset.done $0x0  }
0x2c: {  	s13 =	rddreg [dreg:$0x5];
	[sflag:s26] =	ssyncadd.s32 $0xFFFFC180  }
0x2d: {  	[spmem:s13] =	stream.linear.scatter [tilespmem:s21], [sflag:$0x3], $0x3E80, $0x38;
	[tilespmem:$0x1ADF0] =	vst v63  }
0x2e: {  	_ =	swait.ge [sflag:s26], $0x3E80  }
0x2f: {  	[sflag:s26] =	ssyncset.done $0x0  }
0x30: {  	s14 =	rddreg [dreg:$0x6];
	[sflag:s26] =	ssyncadd.s32 $0xFFFFC180  }
0x31: {  	[spmem:s14] =	stream.linear.scatter [tilespmem:s21], [sflag:$0x3], $0x3E80, $0x38;
	[tilespmem:$0x1ADF0] =	vst v63  }
0x32: {  	_ =	swait.ge [sflag:s26], $0x3E80  }
0x33: {  	[sflag:s26] =	ssyncset.done $0x0  }
0x34: {  	s3 =	simm.s32 @!p0 $0xAC20;
	s9 =	rddreg [dreg:$0x8];
	[sflag:s26] =	ssyncadd.s32 $0xFFFFC180  }
0x35: {  	[spmem:s9] =	stream.linear.scatter @!p0 [tilespmem:s3], [sflag:$0x3], $0x3E80, $0x38;
	[tilespmem:$0x1ADF0] =	vst v63  }
0x36: {  	s3 =	simm.s32 @!p0 $0x3  }
0x37: {  	_ =	swait.ge @!p0 [sflag:s3], $0x3E80  }
0x38: {  	[sflag:s3] =	ssyncset.done @!p0 $0x0  }
0x39: {  	s15 =	rddreg [dreg:$0x7];
	[sflag:s3] =	ssyncadd.s32 @!p0 $0xFFFFC180;
	s3 =	simm.s32 $0x0  }
0x3a: {  	[tilespmem:s3], [sflag:$0x3] =	stream.linear.gather [hbm4b:s15+s3], $0x40, $0x38;
	[tilespmem:$0x1ADF0] =	vst v63  }
0x3b: {  	_ =	swait.ge [sflag:s26], $0x40  }
0x3c: {  	[sflag:s26] =	ssyncset.done $0x0  }
0x3d: {  	[sflag:s26] =	ssyncadd.s32 $0xFFFFFFC0  }
0x3e: {  	[bflag:$0x0] =	sbarrier.arrive $0xFFFF  }
0x3f: {  	s10 =	simm.s32 $0xE0;
	s16 =	rddreg [dreg:$0x9]  }
0x40: {  	[tilespmem:s10], [sflag:$0x3] =	stream.linear.gather [hbm4b:s16+s3], $0x50, $0x38;
	[tilespmem:$0x1ADF0] =	vst v63  }
0x41: {  	_ =	swait.ge [sflag:s26], $0x50  }
0x42: {  	[sflag:s26] =	ssyncset.done $0x0  }
0x43: {  	s11 =	simm.s32 $0x180;
	s17 =	rddreg [dreg:$0xa];
	[sflag:s26] =	ssyncadd.s32 $0xFFFFFFB0  }
0x44: {  	[tilespmem:s11], [sflag:$0x3] =	stream.linear.gather [hbm4b:s17+s3], $0x50, $0x38;
	[tilespmem:$0x1ADF0] =	vst v63  }
0x45: {  	_ =	swait.ge [sflag:s26], $0x50  }
0x46: {  	[sflag:s26] =	ssyncset.done $0x0  }
0x47: {  	v48 =	vld [tilespmem:$0x1FFA0];
	[sflag:s26] =	ssyncadd.s32 $0xFFFFFFB0  }
0x48: {  	v0 =	vld [tilespmem:$0xE0]  }
0x49: {  	v1 =	vld [tilespmem:$0x180]  }
0x4a: {  	v3 =	vld [tilespmem:$0xF0]  }
0x4b: {  	v4 =	vld [tilespmem:$0x190]  }
0x4c: {  	v8 =	vld [tilespmem:$0x100]  }
0x4d: {  	v9 =	vld [tilespmem:$0x1A0];
	v0 =	vadd.s32 v48, v0  }
0x4e: {  	v50 =	vld [tilespmem:$0x110];
	v49 =	vadd.s32 v48, v1;
	[tilespmem:$0xE0] =	vst v0  }
0x4f: {  	v52 =	vld [tilespmem:$0x1B0];
	v51 =	vadd.s32 v48, v3;
	[tilespmem:$0x180] =	vst v49  }
0x50: {  	v53 =	vadd.s32 v48, v4;
	v4 =	vld [tilespmem:$0x120];
	[tilespmem:$0xF0] =	vst v51  }
0x51: {  	v55 =	vadd.s32 v48, v8;
	v8 =	vld [tilespmem:$0x1C0];
	[tilespmem:$0x190] =	vst v53  }
0x52: {  	v56 =	vadd.s32 v48, v9;
	[tilespmem:$0x100] =	vst v55  }
0x53: {  	v57 =	vadd.s32 v48, v50;
	[tilespmem:$0x1A0] =	vst v56  }
0x54: {  	v58 =	vadd.s32 v48, v52;
	[tilespmem:$0x110] =	vst v57  }
0x55: {  	[tilespmem:$0x1B0] =	vst v58;
	v59 =	vadd.s32 v48, v4  }
0x56: {  	v61 =	vadd.s32 v48, v8;
	[tilespmem:$0x120] =	vst v59  }
0x57: {  	s28 =	simm.s32 $0x220;
	[tilespmem:$0x1C0] =	vst v61  }
0x58: {  	[tilespmem:s28], [sflag:$0x1] =	stream.indirect.gather [hbm4b:s5+s30], $0x80, s10, s30, $0xb8;
	[tilespmem:$0x1ADF0] =	vst v63  }
0x59: {  	s29 =	simm.s32 $0x5220;
	p1 =	por $0x0, $0x0  }
0x5a: {  	[tilespmem:s29], [sflag:$0x1] =	stream.indirect.gather [hbm4b:s1+s30], $0x40, s11, s30, $0xb8;
	[tilespmem:$0x1ADF0] =	vst v63  }
.LBB2_4:
0x5b: {  	s11 =	smov.u32 s3  }
0x5c: {  	s3 =	sadd.s32 $0x1, s3;
	p2 =	seq.s32 s11, $0xF9  }
0x5d: {  	s9 =	smul.u32 @!p2 $0x50, s3  }
0x5e: {  	s10 =	sand.u32 @!p2 $0x1, s3  }
0x5f: {  	s12 =	smul.u32 @!p2 $0x50, s10;
	s9 =	sadd.s32 @!p2 s8, s9  }
0x60: {  	s9 =	sshrl.u32 @!p2 s9, $0x3  }
0x61: {  	s15 =	simm.s32 @!p2 $0x0;
	s13 =	sadd.s32 @!p2 $0xE0, s12;
	s14 =	sadd.s32 @!p2 s6, s9  }
0x62: {  	[tilespmem:s13], [sflag:$0x3] =	stream.linear.gather @!p2 [hbm4b:s14+s15], $0x50, $0x38;
	[tilespmem:$0x1ADF0] =	vst v63  }
0x63: {  	s14 =	simm.s32 @!p2 $0x3  }
0x64: {  	_ =	swait.ge @!p2 [sflag:s14], $0x50  }
0x65: {  	[sflag:s14] =	ssyncset.done @!p2 $0x0  }
0x66: {  	s16 =	sor.u32 @!p2 $0x180, s12;
	s9 =	sadd.s32 @!p2 s7, s9;
	[sflag:s14] =	ssyncadd.s32 @!p2 $0xFFFFFFB0  }
0x67: {  	[tilespmem:s16], [sflag:$0x3] =	stream.linear.gather @!p2 [hbm4b:s9+s15], $0x50, $0x38;
	[tilespmem:$0x1ADF0] =	vst v63  }
0x68: {  	_ =	swait.ge @!p2 [sflag:s14], $0x50  }
0x69: {  	[sflag:s14] =	ssyncset.done @!p2 $0x0  }
0x6a: {  	v2 =	vld [tilespmem:$0x1FFA0];
	[sflag:s14] =	ssyncadd.s32 @!p2 $0xFFFFFFB0  }
0x6b: {  	v0 =	vld @!p2 [tilespmem:s12+$0xE0]  }
0x6c: {  	v1 =	vld @!p2 [tilespmem:s12+$0x180]  }
0x6d: {  	v3 =	vld @!p2 [tilespmem:s12+$0xF0]  }
0x6e: {  	v4 =	vld @!p2 [tilespmem:s12+$0x190]  }
0x6f: {  	v8 =	vld @!p2 [tilespmem:s12+$0x100]  }
0x70: {  	v9 =	vld @!p2 [tilespmem:s12+$0x1A0];
	v0 =	vadd.s32 @!p2 v2, v0  }
0x71: {  	[tilespmem:s12+$0xE0] =	vst @!p2 v0;
	v0 =	vadd.s32 @!p2 v2, v1;
	v1 =	vld @!p2 [tilespmem:s12+$0x110]  }
0x72: {  	[tilespmem:s12+$0x180] =	vst @!p2 v0;
	v0 =	vadd.s32 @!p2 v2, v3;
	v3 =	vld @!p2 [tilespmem:s12+$0x1B0]  }
0x73: {  	[tilespmem:s12+$0xF0] =	vst @!p2 v0;
	v0 =	vadd.s32 @!p2 v2, v4;
	v4 =	vld @!p2 [tilespmem:s12+$0x120]  }
0x74: {  	[tilespmem:s12+$0x190] =	vst @!p2 v0;
	v0 =	vadd.s32 @!p2 v2, v8;
	v8 =	vld @!p2 [tilespmem:s12+$0x1C0]  }
0x75: {  	[tilespmem:s12+$0x100] =	vst @!p2 v0;
	v0 =	vadd.s32 @!p2 v2, v9  }
0x76: {  	s9 =	smul.u32 @!p2 $0xA000, s10;
	[tilespmem:s12+$0x1A0] =	vst @!p2 v0;
	v0 =	vadd.s32 @!p2 v2, v1  }
0x77: {  	[tilespmem:s12+$0x110] =	vst @!p2 v0;
	v0 =	vadd.s32 @!p2 v2, v3  }
0x78: {  	s9 =	sshrl.u32 @!p2 s9, $0x2;
	[tilespmem:s12+$0x1B0] =	vst @!p2 v0;
	v0 =	vadd.s32 @!p2 v2, v4  }
0x79: {  	s9 =	sor.u32 @!p2 $0x220, s9;
	[tilespmem:s12+$0x120] =	vst @!p2 v0;
	v0 =	vadd.s32 @!p2 v2, v8  }
0x7a: {  	s14 =	simm.s32 @!p2 $0x50;
	[tilespmem:s12+$0x1C0] =	vst @!p2 v0;
	s12 =	sadd.s32 @!p2 $0x1, s10;
	s10 =	smul.u32 @!p2 $0x5000, s10  }
0x7b: {  	[tilespmem:s9], [sflag:s12] =	stream.indirect.gather @!p2 [hbm4b:s5+s14], $0x80, s13, s14, $0xb8;
	[tilespmem:$0x1ADF0] =	vst v63  }
0x7c: {  	s9 =	sshrl.u32 @!p2 s10, $0x2  }
0x7d: {  	s10 =	sand.u32 $0x1, s11;
	s9 =	sadd.s32 @!p2 $0x5220, s9  }
0x7e: {  	[tilespmem:s9], [sflag:s12] =	stream.indirect.gather @!p2 [hbm4b:s1+s14], $0x40, s16, s14, $0xb8;
	[tilespmem:$0x1ADF0] =	vst v63  }
0x7f: {  	s9 =	sadd.s32 $0x1, s10  }
0x80: {  	_ =	swait.ge [sflag:s9], $0x2800  }
0x81: {  	[sflag:s9] =	ssyncset.done $0x0  }
0x82: {  	[sflag:s9] =	ssyncadd.s32 $0xFFFFD800  }
0x83: {  	_ =	swait.ge [sflag:s9], $0x1400  }
0x84: {  	[sflag:s9] =	ssyncset.done $0x0  }
0x85: {  	p2 =	slt.u32 s11, $0x2;
	[sflag:s9] =	ssyncadd.s32 $0xFFFFEC00  }
0x86: {  	_ =	swait.ge @!p2 [sflag:s9], $0x1900  }
0x87: {  	s12 =	smul.u32 $0x50, s10;
	[sflag:s9] =	ssyncset.done @!p2 $0x0  }
0x88: {  	v2 =	vld [tilespmem:$0x1FFB0];
	[sflag:s9] =	ssyncadd.s32 @!p2 $0xFFFFE700  }
0x89: {  	v0 =	vld [tilespmem:s12+$0x180]  }
0x8a: {  	v1 =	vld [tilespmem:s12+$0x190]  }
0x8b: {  	v3 =	vld [tilespmem:s12+$0x1A0]  }
0x8c: {  	v4 =	vld [tilespmem:s12+$0x1B0]  }
0x8d: {  	v8 =	vld [tilespmem:s12+$0x1C0]  }
0x8e: {  	s11 =	simm.s32 $0x1;
	v0 =	vadd.s32 v2, v0  }
0x8f: {  	s11 =	simm.s32 @!p1 $0x0;
	[tilespmem:s12+$0x40] =	vst v0;
	v0 =	vadd.s32 v2, v1  }
0x90: {  	s16 =	smul.u32 $0xA000, s11;
	[tilespmem:s12+$0x50] =	vst v0;
	v0 =	vadd.s32 v2, v3  }
0x91: {  	s17 =	smul.u32 $0x5000, s11;
	[tilespmem:s12+$0x60] =	vst v0;
	v0 =	vadd.s32 v2, v4  }
0x92: {  	s13 =	sshrl.u32 s16, $0x2;
	[tilespmem:s12+$0x70] =	vst v0;
	v0 =	vadd.s32 v2, v8  }
0x93: {  	s15 =	sshrl.u32 s17, $0x2;
	s28 =	sor.u32 $0x420, s13;
	[tilespmem:s12+$0x80] =	vst v0  }
0x94: {  	s13 =	sadd.s32 $0x5320, s15;
	v0 =	vld [tilespmem:s28+$0x180]  }
0x95: {  	v1 =	vld [tilespmem:s13+$0xC0]  }
0x96: {  	v3 =	vld [tilespmem:s28+$0x190]  }
0x97: {  	v4 =	vld [tilespmem:s13+$0xD0]  }
0x98: {  	v8 =	vld [tilespmem:s28+$0x1A0]  }
0x99: {  	v9 =	vld [tilespmem:s13+$0xE0]  }
0x9a: {  	v10 =	vld [tilespmem:s28+$0x1B0]  }
0x9b: {  	v11 =	vld [tilespmem:s13+$0xF0]  }
0x9c: {  	v15 =	vld [tilespmem:s28+$0xFFFFFE30];
	v13 =	vadd.f32 v1, v0  }
0x9d: {  	v17 =	vld [tilespmem:s13+$0xFFFFFF30]  }
0x9e: {  	v0 =	vld [tilespmem:s28+$0xFFFFFE10];
	v4 =	vadd.f32 v4, v3;
	v3 =	vsub.f32 $0.0e+00, v13  }
0x9f: {  	v1 =	vld [tilespmem:s13+$0xFFFFFF10]  }
0xa0: {  	v14 =	vadd.f32 v9, v8;
	v8 =	vld [tilespmem:s28+$0xFFFFFE20];
	v11 =	vadd.f32 v11, v10;
	v3 =	vmul.f32 $1.442695020e+00, v3  }
0xa1: {  	v10 =	vld [tilespmem:s13+$0xFFFFFF20];
	v9 =	vsub.f32 $0.0e+00, v4  }
0xa2: {  	v12 =	vsub.f32 $0.0e+00, v14;
	v16 =	vsub.f32 $0.0e+00, v11;
	(erf) = vpow2.f32 v3  }
0xa3: {  	v9 =	vmul.f32 $1.442695020e+00, v9  }
0xa4: {  	v12 =	vmul.f32 $1.442695020e+00, v12;
	v16 =	vmul.f32 $1.442695020e+00, v16  }
0xa5: {  	v3 =	vadd.f32 v1, v0;
	v0 =	vadd.f32 v17, v15;
	(erf) = vpow2.f32 v9  }
0xa6: {  	v1 =	vadd.f32 v10, v8;
	(erf) = vpow2.f32 v12  }
0xa7: {  	v8 =	vsub.f32 $0.0e+00, v3;
	v10 =	vsub.f32 $0.0e+00, v0;
	(erf) = vpow2.f32 v16  }
0xa8: {  	v61 =	vld [tilespmem:$0x0];
	v9 =	vsub.f32 $0.0e+00, v1  }
0xa9: {  	v58 =	vld [tilespmem:$0x10];
	v8 =	vmul.f32 $1.442695020e+00, v8  }
0xaa: {  	v59 =	vld [tilespmem:$0x20];
	v9 =	vmul.f32 $1.442695020e+00, v9  }
0xab: {  	v57 =	vld [tilespmem:$0x30];
	(erf) = vpow2.f32 v8;
	v8 =	vmul.f32 $1.442695020e+00, v10;
	v10 =	vpop (erf)  }
0xac: {  	v29 =	vld [tilespmem:s13+$0xFFFFFF00];
	(erf) = vpow2.f32 v9;
	v9 =	vadd.f32 $1.000000000e+00, v10  }
0xad: {  	v45 =	vld [tilespmem:s28+$0xFFFFFE80]  }
0xae: {  	v46 =	vld [tilespmem:s13+$0xFFFFFF40];
	v10 =	vpop (erf)  }
0xaf: {  	v47 =	vld [tilespmem:s28+$0xFFFFFE90];
	(erf) = vpow2.f32 v8;
	v10 =	vadd.f32 $1.000000000e+00, v10;
	v8 =	vpop (erf)  }
0xb0: {  	v48 =	vld [tilespmem:s13+$0xFFFFFF50];
	v8 =	vadd.f32 $1.000000000e+00, v8;
	(erf) = vrcp.f32 v9;
	v9 =	vpop (erf)  }
0xb1: {  	v18 =	vld [tilespmem:s28+$0xFFFFFEA0];
	(erf) = vrcp.f32 v10;
	v9 =	vadd.f32 $1.000000000e+00, v9  }
0xb2: {  	v19 =	vld [tilespmem:s28+$0xFFFFFEB0];
	(erf) = vrcp.f32 v8  }
0xb3: {  	v20 =	vld [tilespmem:s13+$0xFFFFFF70];
	(erf) = vrcp.f32 v9  }
0xb4: {  	v21 =	vld [tilespmem:s28+$0xFFFFFF00]  }
0xb5: {  	v22 =	vld [tilespmem:s13+$0xFFFFFF80]  }
0xb6: {  	v10 =	vld [tilespmem:s13+$0xFFFFFF60];
	v26 =	vpop (erf)  }
0xb7: {  	v49 =	vld [tilespmem:s28+$0xFFFFFF10];
	v24 =	vpop (erf);
	v9 =	vadd.f32 v46, v45  }
0xb8: {  	v38 =	vld [tilespmem:s28+$0xFFFFFFA0];
	v23 =	vpop (erf)  }
0xb9: {  	v39 =	vld [tilespmem:s13+$0xFFFFFFE0];
	v12 =	vsub.f32 $0.0e+00, v9;
	v27 =	vpop (erf)  }
0xba: {  	v50 =	vld [tilespmem:s13+$0xFFFFFF90];
	v30 =	vpop (erf)  }
0xbb: {  	v25 =	vld [tilespmem:s28+$0xFFFFFF20];
	v8 =	vadd.f32 v48, v47;
	v31 =	vmul.f32 $1.442695020e+00, v12;
	v12 =	vadd.f32 v10, v18;
	v32 =	vpop (erf)  }
0xbc: {  	v28 =	vld [tilespmem:s13+$0xFFFFFFA0];
	v10 =	vadd.f32 v20, v19;
	v4 =	vmul.f32 v30, v4;
	v14 =	vmul.f32 v32, v14;
	v20 =	vpop (erf)  }
0xbd: {  	v51 =	vld [tilespmem:s28+$0xFFFFFF30];
	v17 =	vsub.f32 $0.0e+00, v8;
	v13 =	vmul.f32 v27, v13;
	v20 =	vmul.f32 v20, v11  }
0xbe: {  	v52 =	vld [tilespmem:s13+$0xFFFFFFB0];
	v18 =	vadd.f32 v39, v38;
	v4 =	vmul.f32 v4, v58;
	v14 =	vmul.f32 v14, v59  }
0xbf: {  	v5 =	vmovc v36;
	v33 =	vld [tilespmem:s28+$0xFFFFFF90];
	v11 =	vadd.f32 v22, v21;
	v22 =	vmul.f32 v13, v61;
	v20 =	vmul.f32 v20, v57  }
0xc0: {  	v35 =	vld [tilespmem:s13+$0xFFFFFFD0];
	v27 =	vsub.f32 $0.0e+00, v12;
	v37 =	vperm.xlane v4, v5;
	v43 =	vperm.xlane v14, v5  }
0xc1: {  	v47 =	vld [tilespmem:s13+$0x0];
	v53 =	vsub.f32 $0.0e+00, v10;
	v42 =	vperm.xlane v22, v36;
	v44 =	vperm.xlane v20, v5  }
0xc2: {  	v45 =	vld [tilespmem:s28+$0xFFFFFFB0];
	v17 =	vmul.f32 $1.442695020e+00, v17;
	v4 =	vadd.f32 v4, v37;
	v15 =	vadd.f32 v14, v43  }
0xc3: {  	v39 =	vld [tilespmem:s28+$0x30];
	v27 =	vmul.f32 $1.442695020e+00, v27;
	v22 =	vadd.f32 v22, v42;
	v16 =	vadd.f32 v20, v44  }
0xc4: {  	v30 =	vld [tilespmem:s28+$0xFFFFFF80];
	v32 =	vmul.f32 $1.442695020e+00, v53;
	(erf) = vpow2.f32 v31;
	v13 =	vadd.f32 v50, v49  }
0xc5: {  	v53 =	vld [tilespmem:s13+$0x30];
	(erf) = vpow2.f32 v17;
	v4 =	vsel vm0, v22, v4;
	v22 =	vsel vm0, v15, v16  }
0xc6: {  	v21 =	vld [tilespmem:s13+$0xFFFFFFC0];
	v17 =	vadd.f32 v35, v33;
	v40 =	vperm.xlane v4, v62;
	v42 =	vperm.xlane v22, v62  }
0xc7: {  	v35 =	vld [tilespmem:s13+$0x20];
	v49 =	vsub.f32 $0.0e+00, v18;
	v34 =	vsub.f32 $0.0e+00, v11  }
0xc8: {  	(erf) = vpow2.f32 v27;
	v27 =	vld [tilespmem:s28+$0x20];
	v4 =	vadd.f32 v4, v40;
	v50 =	vadd.f32 v22, v42  }
0xc9: {  	(erf) = vpow2.f32 v32;
	v14 =	vadd.f32 v28, v25;
	v28 =	vld [tilespmem:s28+$0x0];
	v16 =	vadd.f32 v52, v51  }
0xca: {  	v25 =	vsub.f32 $0.0e+00, v13;
	v20 =	vld [tilespmem:s13+$0xFFFFFFF0];
	v40 =	vperm.xlane v4, v54;
	v42 =	vperm.xlane v50, v54  }
0xcb: {  	v31 =	vmul.f32 $1.442695020e+00, v34;
	v15 =	vadd.f32 v21, v30;
	v21 =	vld [tilespmem:s28+$0x10];
	v22 =	vsub.f32 $0.0e+00, v16  }
0xcc: {  	v30 =	vmul.f32 $1.442695020e+00, v25;
	v25 =	vld [tilespmem:s13+$0x10];
	v4 =	vadd.f32 v40, v4;
	v48 =	vadd.f32 v50, v42  }
0xcd: {  	v32 =	vld [tilespmem:s13+$0x70];
	v46 =	vsub.f32 $0.0e+00, v14;
	v52 =	vsub.f32 $0.0e+00, v17;
	v42 =	vmul.f32 $1.442695020e+00, v22  }
0xce: {  	v43 =	vld [tilespmem:s28+$0x80];
	v51 =	vsub.f32 $0.0e+00, v15;
	v22 =	vperm.xlane v4, v6;
	v50 =	vperm.xlane v48, v6  }
0xcf: {  	v44 =	vld [tilespmem:s28+$0x90];
	(erf) = vpow2.f32 v31;
	v19 =	vadd.f32 v20, v45;
	v20 =	vadd.f32 v47, v28  }
0xd0: {  	(erf) = vpow2.f32 v30;
	v30 =	vld [tilespmem:s28+$0xFFFFFE00];
	v4 =	vadd.f32 v22, v4;
	v37 =	vadd.f32 v48, v50  }
0xd1: {  	v34 =	vmul.f32 $1.442695020e+00, v46;
	v28 =	vld [tilespmem:s13+$0x40];
	v21 =	vadd.f32 v25, v21;
	v25 =	vsub.f32 $0.0e+00, v19  }
0xd2: {  	v45 =	vld [tilespmem:s13+$0x50];
	v22 =	vadd.f32 v35, v27;
	v4 =	vperm.xlane v4, v60;
	v27 =	vperm.xlane v37, v60  }
0xd3: {  	v38 =	vmul.f32 $1.442695020e+00, v52;
	v47 =	vld [tilespmem:s28+$0xA0];
	v33 =	vmul.f32 $1.442695020e+00, v51;
	v51 =	vsub.f32 $0.0e+00, v20  }
0xd4: {  	v46 =	vmul.f32 $1.442695020e+00, v25;
	v25 =	vadd.f32 v53, v39;
	v39 =	vld [tilespmem:s28+$0x100];
	v4 =	vsel vm1, v4, v27  }
0xd5: {  	(erf) = vpow2.f32 v34;
	v52 =	vsub.f32 $0.0e+00, v21;
	v35 =	vld [tilespmem:s13+$0x60];
	v4 =	vmul.f32 $1.442695020e+00, v4  }
0xd6: {  	v40 =	vmul.f32 $1.442695020e+00, v51;
	v51 =	vadd.f32 v29, v30;
	(erf) = vpow2.f32 v42;
	v42 =	vld [tilespmem:s13+$0x80]  }
0xd7: {  	v36 =	vmul.f32 $1.442695020e+00, v49;
	v53 =	vsub.f32 $0.0e+00, v25;
	v48 =	vld [tilespmem:s28+$0xB0];
	v31 =	vsub.f32 $0.0e+00, v22  }
0xd8: {  	v7 =	vmovc v54;
	v50 =	vld [tilespmem:s13+$0x90];
	v27 =	vadd.f32 v28, v43;
	v28 =	vadd.f32 v45, v44;
	(erf) = vpow2.f32 v4  }
0xd9: {  	v34 =	vmul.f32 $1.442695020e+00, v53;
	v53 =	vsub.f32 $0.0e+00, v51;
	v37 =	vmul.f32 $1.442695020e+00, v52;
	v44 =	vld [tilespmem:s28+$0x110];
	v4 =	vpop (erf)  }
0xda: {  	v29 =	vadd.f32 v35, v47;
	v49 =	vsub.f32 $0.0e+00, v28;
	(erf) = vpow2.f32 v33;
	v45 =	vpop (erf)  }
0xdb: {  	v43 =	vmul.f32 $1.442695020e+00, v31;
	v31 =	vsub.f32 $0.0e+00, v27;
	v33 =	vld [tilespmem:s28+$0x120];
	(erf) = vpow2.f32 v38;
	v52 =	vpop (erf)  }
0xdc: {  	v30 =	vadd.f32 v32, v48;
	v47 =	vmul.f32 $1.442695020e+00, v49;
	v49 =	vld [tilespmem:s13+$0xA0];
	(erf) = vpow2.f32 v36;
	v38 =	vpop (erf)  }
0xdd: {  	v48 =	vld [tilespmem:s28+$0x130];
	v35 =	vmul.f32 $1.442695020e+00, v31;
	v31 =	vadd.f32 v42, v39;
	(erf) = vpow2.f32 v46;
	v54 =	vpop (erf)  }
0xde: {  	s11 =	smul.u32 $0x6400, s11;
	v39 =	vld [tilespmem:s13+$0xB0];
	v32 =	vadd.f32 v50, v44;
	v46 =	vmul.f32 $1.442695020e+00, v53;
	(erf) = vpow2.f32 v40;
	v42 =	vpop (erf)  }
0xdf: {  	v36 =	vsub.f32 $0.0e+00, v29;
	(erf) = vpow2.f32 v37;
	v53 =	vpop (erf)  }
0xe0: {  	s11 =	sshrl.u32 s11, $0x2;
	v37 =	vsub.f32 $0.0e+00, v31;
	v44 =	vpop (erf);
	(erf) = vpow2.f32 v46;
	v46 =	vsub.f32 $0.0e+00, v32  }
0xe1: {  	v55 =	vimm.s32 $0x0;
	s11 =	sadd.s32 $0x7B60, s11;
	v33 =	vadd.f32 v49, v33;
	(erf) = vpow2.f32 v43;
	v43 =	vpop (erf)  }
0xe2: {  	v36 =	vmul.f32 $1.442695020e+00, v36;
	v40 =	vsub.f32 $0.0e+00, v30;
	v37 =	vmul.f32 $1.442695020e+00, v37;
	[tilespmem:s11+$0x130] =	vst v43  }
0xe3: {  	v49 =	vsub.f32 $0.0e+00, v33;
	(erf) = vpow2.f32 v34;
	v34 =	vadd.f32 v39, v48;
	v48 =	vpop (erf);
	v39 =	vld [tilespmem:s28+$0x1C0]  }
0xe4: {  	(erf) = vpow2.f32 v35;
	v35 =	vmul.f32 $1.442695020e+00, v46;
	v46 =	vpop (erf)  }
0xe5: {  	v40 =	vmul.f32 $1.442695020e+00, v40;
	(erf) = vpow2.f32 v47;
	v50 =	vpop (erf)  }
0xe6: {  	(erf) = vpow2.f32 v36;
	v36 =	vperm.xlane v43, v55;
	v55 =	vpop (erf)  }
0xe7: {  	v47 =	vmul.f32 $1.442695020e+00, v49;
	(erf) = vpow2.f32 v40;
	v49 =	vpop (erf)  }
0xe8: {  	v41 =	vsub.f32 $0.0e+00, v34;
	(erf) = vpow2.f32 v37;
	v36 =	vmul.f32 v36, v39;
	v37 =	vpop (erf)  }
0xe9: {  	v26 =	vadd.f32 $1.000000000e+00, v26;
	v39 =	vpop (erf)  }
0xea: {  	v40 =	vmul.f32 $1.442695020e+00, v41;
	(erf) = vpow2.f32 v35;
	v35 =	vadd.f32 $1.000000000e+00, v39  }
0xeb: {  	v24 =	vadd.f32 $1.000000000e+00, v24;
	(erf) = vpow2.f32 v47  }
0xec: {  	v23 =	vadd.f32 $1.000000000e+00, v23;
	[tilespmem:s11+$0xF0] =	vst v36;
	(erf) = vpow2.f32 v40;
	v36 =	vpop (erf)  }
0xed: {  	v4 =	vadd.f32 $1.000000000e+00, v4;
	v39 =	vld [tilespmem:s28+$0x1D0];
	(erf) = vrcp.f32 v26;
	v26 =	vpop (erf)  }
0xee: {  	v40 =	vadd.f32 $1.000000000e+00, v45;
	(erf) = vrcp.f32 v35;
	v35 =	vpop (erf)  }
0xef: {  	v2 =	vimm.s32 $0x1;
	(erf) = vrcp.f32 v24;
	v24 =	vpop (erf)  }
0xf0: {  	v38 =	vadd.f32 $1.000000000e+00, v38;
	v41 =	vperm.xlane v43, v2;
	(erf) = vrcp.f32 v23;
	v23 =	vpop (erf)  }
0xf1: {  	v52 =	vadd.f32 $1.000000000e+00, v52;
	v45 =	vadd.f32 $1.000000000e+00, v54;
	(erf) = vrcp.f32 v4;
	v4 =	vpop (erf)  }
0xf2: {  	v39 =	vmul.f32 v41, v39;
	(erf) = vrcp.f32 v40;
	v40 =	vpop (erf)  }
0xf3: {  	(erf) = vrcp.f32 v52;
	v47 =	vpop (erf)  }
0xf4: {  	[tilespmem:s11+$0x100] =	vst v39;
	(erf) = vrcp.f32 v38;
	v38 =	vpop (erf)  }
0xf5: {  	v42 =	vadd.f32 $1.000000000e+00, v42;
	v52 =	vld [tilespmem:s28+$0x1E0];
	(erf) = vrcp.f32 v45;
	v45 =	vpop (erf)  }
0xf6: {  	v56 =	vimm.s32 $0x2;
	v44 =	vadd.f32 $1.000000000e+00, v44;
	v39 =	vadd.f32 $1.000000000e+00, v53;
	v53 =	vpop (erf)  }
0xf7: {  	(erf) = vrcp.f32 v42;
	v42 =	vadd.f32 $1.000000000e+00, v48;
	v48 =	vmul.f32 v53, v3  }
0xf8: {  	v3 =	vpop (erf);
	(erf) = vrcp.f32 v39;
	v39 =	vadd.f32 $1.000000000e+00, v46;
	v46 =	vperm.xlane v43, v56  }
0xf9: {  	v56 =	vpop (erf);
	(erf) = vrcp.f32 v44;
	v44 =	vadd.f32 $1.000000000e+00, v50;
	v50 =	vmul.f32 v3, v51  }
0xfa: {  	v51 =	vpop (erf);
	(erf) = vrcp.f32 v42;
	v3 =	vmul.f32 v46, v52  }
0xfb: {  	v1 =	vmul.f32 v56, v1;
	v54 =	vpop (erf);
	(erf) = vrcp.f32 v39  }
0xfc: {  	v42 =	vadd.f32 $1.000000000e+00, v55;
	v56 =	vpop (erf);
	(erf) = vrcp.f32 v44;
	v44 =	vmul.f32 v51, v0  }
0xfd: {  	v55 =	vadd.f32 $1.000000000e+00, v49;
	v9 =	vmul.f32 v54, v9;
	v1 =	vmul.f32 v1, v59  }
0xfe: {  	v0 =	vpop (erf);
	(erf) = vrcp.f32 v42;
	v8 =	vmul.f32 v56, v8  }
0xff: {  	v37 =	vadd.f32 $1.000000000e+00, v37;
	v46 =	vpop (erf);
	(erf) = vrcp.f32 v55;
	v12 =	vmul.f32 v0, v12  }
0x100: {  	v36 =	vadd.f32 $1.000000000e+00, v36;
	v0 =	vperm.xlane v43, v63;
	v9 =	vmul.f32 v9, v61  }
0x101: {  	v51 =	vpop (erf);
	(erf) = vrcp.f32 v37;
	v10 =	vmul.f32 v46, v10  }
0x102: {  	v26 =	vadd.f32 $1.000000000e+00, v26;
	v8 =	vmul.f32 v8, v58;
	v52 =	vpop (erf);
	(erf) = vrcp.f32 v36  }
0x103: {  	v11 =	vmul.f32 v51, v11;
	v12 =	vmul.f32 v12, v59  }
0x104: {  	v35 =	vadd.f32 $1.000000000e+00, v35;
	v49 =	vperm.xlane v9, v5;
	v53 =	vpop (erf);
	(erf) = vrcp.f32 v26  }
0x105: {  	v24 =	vadd.f32 $1.000000000e+00, v24;
	v13 =	vmul.f32 v52, v13;
	v10 =	vmul.f32 v10, v57  }
0x106: {  	v26 =	vpop (erf);
	(erf) = vrcp.f32 v35;
	v11 =	vmul.f32 v11, v61  }
0x107: {  	v23 =	vadd.f32 $1.000000000e+00, v23;
	v51 =	vperm.xlane v12, v5;
	v54 =	vpop (erf);
	(erf) = vrcp.f32 v24  }
0x108: {  	v16 =	vmul.f32 v26, v16;
	v13 =	vmul.f32 v13, v58  }
0x109: {  	v4 =	vadd.f32 $1.000000000e+00, v4;
	v52 =	vperm.xlane v10, v5;
	v55 =	vpop (erf);
	(erf) = vrcp.f32 v23  }
0x10a: {  	v23 =	vadd.f32 $1.000000000e+00, v47;
	v15 =	vmul.f32 v54, v15;
	v47 =	vperm.xlane v1, v5  }
0x10b: {  	v56 =	vpop (erf);
	(erf) = vrcp.f32 v4;
	v4 =	vmul.f32 v53, v14  }
0x10c: {  	v24 =	vadd.f32 $1.000000000e+00, v40;
	v41 =	vmul.f32 v55, v17;
	v16 =	vmul.f32 v16, v57  }
0x10d: {  	v53 =	vperm.xlane v11, v5;
	v54 =	vperm.xlane v13, v5  }
0x10e: {  	v40 =	vpop (erf);
	(erf) = vrcp.f32 v24;
	v18 =	vmul.f32 v56, v18  }
0x10f: {  	v15 =	vmul.f32 v15, v61;
	v26 =	vpop (erf);
	(erf) = vrcp.f32 v23  }
0x110: {  	v63 =	vadd.f32 $1.000000000e+00, v38;
	v19 =	vmul.f32 v40, v19;
	v4 =	vmul.f32 v4, v59  }
0x111: {  	v14 =	vmul.f32 v41, v58;
	v56 =	vperm.xlane v16, v5  }
0x112: {  	v24 =	vadd.f32 $1.000000000e+00, v45;
	v23 =	vpop (erf);
	(erf) = vrcp.f32 v63;
	v20 =	vmul.f32 v26, v20  }
0x113: {  	v9 =	vadd.f32 v9, v49;
	v26 =	vmul.f32 v50, v61;
	v18 =	vmul.f32 v18, v59  }
0x114: {  	v12 =	vadd.f32 v12, v51;
	v50 =	vperm.xlane v8, v5;
	v42 =	vpop (erf);
	(erf) = vrcp.f32 v24  }
0x115: {  	v10 =	vadd.f32 v10, v52;
	v21 =	vmul.f32 v23, v21;
	v19 =	vmul.f32 v19, v57  }
0x116: {  	v1 =	vadd.f32 v1, v47;
	v55 =	vperm.xlane v4, v5;
	v17 =	vmul.f32 v42, v22  }
0x117: {  	v11 =	vadd.f32 v11, v53;
	v24 =	vpop (erf);
	v20 =	vmul.f32 v20, v61;
	v45 =	vperm.xlane v26, v5  }
0x118: {  	v13 =	vadd.f32 v13, v54;
	v38 =	vperm.xlane v18, v5;
	v23 =	vpop (erf);
	v22 =	vmul.f32 v24, v25  }
0x119: {  	v10 =	vsel vm0, v12, v10;
	v21 =	vmul.f32 v21, v58;
	v23 =	vmul.f32 v23, v27  }
0x11a: {  	v16 =	vadd.f32 v16, v56;
	v24 =	vpop (erf);
	v17 =	vmul.f32 v17, v59;
	v35 =	vperm.xlane v20, v5  }
0x11b: {  	v11 =	vsel vm0, v11, v13;
	v24 =	vmul.f32 v24, v28;
	v28 =	vmul.f32 v48, v58  }
0x11c: {  	v26 =	vadd.f32 v26, v45;
	v25 =	vpop (erf);
	v22 =	vmul.f32 v22, v57;
	v45 =	vperm.xlane v21, v5  }
0x11d: {  	v8 =	vadd.f32 v8, v50;
	v25 =	vmul.f32 v25, v29;
	v27 =	vpop (erf);
	v23 =	vmul.f32 v23, v61  }
0x11e: {  	v4 =	vadd.f32 v4, v55;
	v63 =	vperm.xlane v17, v5;
	v27 =	vmul.f32 v27, v30  }
0x11f: {  	v18 =	vadd.f32 v18, v38;
	v29 =	vpop (erf);
	v24 =	vmul.f32 v24, v58;
	v46 =	vperm.xlane v28, v5  }
0x120: {  	v8 =	vsel vm0, v9, v8;
	v29 =	vmul.f32 v29, v31;
	v31 =	vmul.f32 v44, v57  }
0x121: {  	v4 =	vsel vm0, v4, v16;
	v30 =	vpop (erf);
	v25 =	vmul.f32 v25, v59;
	v36 =	vperm.xlane v23, v5  }
0x122: {  	v9 =	vadd.f32 v20, v35;
	v30 =	vmul.f32 v30, v32;
	v27 =	vmul.f32 v27, v57  }
0x123: {  	v43 =	vpop (erf);
	v28 =	vadd.f32 v28, v46;
	v46 =	vperm.xlane v22, v5;
	v47 =	vperm.xlane v24, v5  }
0x124: {  	v20 =	vadd.f32 v21, v45;
	v32 =	vmul.f32 v43, v33;
	v29 =	vmul.f32 v29, v61  }
0x125: {  	v63 =	vadd.f32 v17, v63;
	v44 =	vpop (erf);
	v48 =	vperm.xlane v31, v5;
	v43 =	vperm.xlane v14, v5  }
0x126: {  	v9 =	vsel vm0, v9, v20;
	v40 =	vperm.xlane v25, v5;
	v33 =	vmul.f32 v44, v34  }
0x127: {  	v35 =	vadd.f32 v23, v36;
	v30 =	vmul.f32 v30, v58;
	v34 =	vperm.xlane v15, v5  }
0x128: {  	v44 =	vperm.xlane v19, v5;
	v52 =	vperm.xlane v27, v5;
	v26 =	vsel vm0, v26, v28  }
0x129: {  	v21 =	vadd.f32 v24, v47;
	v32 =	vmul.f32 v32, v59;
	v31 =	vadd.f32 v31, v48  }
0x12a: {  	v53 =	vperm.xlane v29, v5;
	v14 =	vadd.f32 v14, v43;
	v36 =	vadd.f32 v25, v40  }
0x12b: {  	v39 =	vperm.xlane v26, v62;
	v33 =	vmul.f32 v33, v57;
	v15 =	vadd.f32 v15, v34  }
0x12c: {  	v54 =	vperm.xlane v30, v5;
	v19 =	vadd.f32 v19, v44;
	v34 =	vadd.f32 v22, v46  }
0x12d: {  	v22 =	vadd.f32 v27, v52;
	v13 =	vsel vm0, v35, v21;
	v21 =	vperm.xlane v8, v62  }
0x12e: {  	v55 =	vperm.xlane v32, v5;
	v1 =	vsel vm0, v1, v31;
	v37 =	vadd.f32 v29, v53  }
0x12f: {  	v17 =	vadd.f32 v26, v39;
	v26 =	vperm.xlane v9, v62;
	v27 =	vperm.xlane v13, v62  }
0x130: {  	v56 =	vperm.xlane v33, v5;
	v14 =	vsel vm0, v15, v14;
	v23 =	vadd.f32 v30, v54  }
0x131: {  	v18 =	vsel vm0, v18, v19;
	v12 =	vsel vm0, v63, v34;
	v16 =	vsel vm0, v36, v22  }
0x132: {  	v20 =	vperm.xlane v1, v62;
	v22 =	vperm.xlane v10, v62;
	v8 =	vadd.f32 v8, v21  }
0x133: {  	v38 =	vadd.f32 v32, v55;
	v25 =	vperm.xlane v14, v62;
	v21 =	vperm.xlane v12, v62  }
0x134: {  	v29 =	vperm.xlane v17, v7;
	v9 =	vadd.f32 v9, v26;
	v13 =	vadd.f32 v13, v27  }
0x135: {  	v24 =	vadd.f32 v33, v56;
	v15 =	vsel vm0, v37, v23;
	v23 =	vperm.xlane v11, v62  }
0x136: {  	v1 =	vadd.f32 v1, v20;
	v20 =	vperm.xlane v18, v62;
	v10 =	vadd.f32 v10, v22  }
0x137: {  	v22 =	vperm.xlane v16, v62;
	v28 =	vperm.xlane v15, v62;
	v14 =	vadd.f32 v14, v25  }
0x138: {  	v12 =	vadd.f32 v12, v21;
	v17 =	vadd.f32 v29, v17;
	v19 =	vsel vm0, v38, v24  }
0x139: {  	v24 =	vperm.xlane v4, v62;
	v11 =	vadd.f32 v11, v23;
	v18 =	vadd.f32 v18, v20  }
0x13a: {  	v20 =	vperm.xlane v8, v7;
	v21 =	vperm.xlane v10, v7;
	v16 =	vadd.f32 v16, v22  }
0x13b: {  	v23 =	vperm.xlane v19, v62;
	v15 =	vadd.f32 v15, v28;
	v27 =	vperm.xlane v12, v7  }
0x13c: {  	v4 =	vadd.f32 v4, v24;
	v24 =	vperm.xlane v1, v7;
	v22 =	vperm.xlane v11, v7  }
0x13d: {  	v26 =	vperm.xlane v18, v7;
	v8 =	vadd.f32 v20, v8;
	v20 =	vperm.xlane v13, v7  }
0x13e: {  	v28 =	vperm.xlane v16, v7;
	v10 =	vadd.f32 v10, v21;
	v19 =	vadd.f32 v19, v23  }
0x13f: {  	v23 =	vperm.xlane v14, v7;
	v21 =	vperm.xlane v15, v7;
	v12 =	vadd.f32 v12, v27  }
0x140: {  	v25 =	vperm.xlane v4, v7;
	v1 =	vadd.f32 v1, v24;
	v24 =	vperm.xlane v9, v7  }
0x141: {  	v11 =	vadd.f32 v22, v11;
	v22 =	vperm.xlane v17, v6;
	v18 =	vadd.f32 v18, v26  }
0x142: {  	v13 =	vadd.f32 v20, v13;
	v20 =	vperm.xlane v10, v6;
	v16 =	vadd.f32 v16, v28  }
0x143: {  	v29 =	vperm.xlane v19, v7;
	v14 =	vadd.f32 v23, v14;
	v15 =	vadd.f32 v21, v15  }
0x144: {  	v4 =	vadd.f32 v4, v25;
	v23 =	vperm.xlane v1, v6;
	v9 =	vadd.f32 v24, v9  }
0x145: {  	v24 =	vperm.xlane v8, v6;
	v21 =	vperm.xlane v11, v6;
	v17 =	vadd.f32 v22, v17  }
0x146: {  	v27 =	vperm.xlane v13, v6;
	v10 =	vadd.f32 v10, v20;
	v20 =	vperm.xlane v16, v6  }
0x147: {  	v19 =	vadd.f32 v19, v29;
	v25 =	vperm.xlane v14, v6;
	v28 =	vperm.xlane v15, v6  }
0x148: {  	[tilespmem:$0x1FE90] =	vst v61;
	v22 =	vperm.xlane v4, v6;
	v1 =	vadd.f32 v1, v23;
	v23 =	vperm.xlane v18, v6  }
0x149: {  	[tilespmem:$0x1FEA0] =	vst v58;
	v26 =	vperm.xlane v9, v6;
	v8 =	vadd.f32 v24, v8;
	v24 =	vperm.xlane v12, v6  }
0x14a: {  	[tilespmem:$0x1FEB0] =	vst v59;
	v11 =	vadd.f32 v21, v11;
	v17 =	vperm.xlane v17, v60;
	v13 =	vadd.f32 v27, v13  }
0x14b: {  	[tilespmem:$0x1FEC0] =	vst v57;
	v16 =	vadd.f32 v16, v20;
	v10 =	vperm.xlane v10, v60;
	v14 =	vadd.f32 v25, v14  }
0x14c: {  	s16 =	sadd.s32 $0x200, s13;
	[tilespmem:s11+$0x110] =	vst v3;
	v15 =	vadd.f32 v28, v15;
	v3 =	vadd.f32 v4, v22;
	v4 =	vperm.xlane v19, v6  }
0x14d: {  	v49 =	vld [tilespmem:s16+$0xFFFFFF30];
	v18 =	vadd.f32 v18, v23;
	v1 =	vperm.xlane v1, v60;
	v8 =	vperm.xlane v8, v60  }
0x14e: {  	v41 =	vld [tilespmem:s16+$0xD0];
	v9 =	vadd.f32 v26, v9;
	v11 =	vperm.xlane v11, v60;
	v43 =	vperm.xlane v13, v60  }
0x14f: {  	s12 =	sadd.s32 $0x400, s28;
	v20 =	vld [tilespmem:s16+$0xC0];
	v12 =	vadd.f32 v12, v24;
	v45 =	vperm.xlane v16, v60;
	v14 =	vperm.xlane v14, v60  }
0x150: {  	v22 =	vld [tilespmem:s12+$0x180];
	v15 =	vperm.xlane v15, v60;
	v1 =	vsel vm1, v17, v1;
	v3 =	vperm.xlane v3, v60  }
0x151: {  	v46 =	vld [tilespmem:s12+$0x1B0];
	v8 =	vsel vm1, v8, v10;
	v10 =	vperm.xlane v18, v60;
	v9 =	vperm.xlane v9, v60  }
0x152: {  	v23 =	vld [tilespmem:s16+$0xF0];
	v4 =	vadd.f32 v19, v4;
	v1 =	vmul.f32 $1.442695020e+00, v1;
	v8 =	vmul.f32 $1.442695020e+00, v8  }
0x153: {  	v42 =	vld [tilespmem:s12+$0x1A0];
	v3 =	vsel vm1, v11, v3;
	v11 =	vperm.xlane v12, v60;
	v10 =	vsel vm1, v14, v10  }
0x154: {  	v40 =	vld [tilespmem:s12+$0x190];
	v4 =	vperm.xlane v4, v60;
	v12 =	vsel vm1, v43, v45;
	v3 =	vmul.f32 $1.442695020e+00, v3  }
0x155: {  	v44 =	vld [tilespmem:s16+$0xE0];
	v10 =	vmul.f32 $1.442695020e+00, v10;
	(erf) = vpow2.f32 v1;
	v14 =	vadd.f32 v20, v22  }
0x156: {  	v47 =	vld [tilespmem:s16+$0xFFFFFF20];
	v12 =	vmul.f32 $1.442695020e+00, v12;
	v11 =	vsel vm1, v9, v11;
	(erf) = vpow2.f32 v8  }
0x157: {  	v21 =	vld [tilespmem:s28+$0x1F0];
	v28 =	vadd.f32 v23, v46;
	v11 =	vmul.f32 $1.442695020e+00, v11;
	(erf) = vpow2.f32 v3  }
0x158: {  	v1 =	vld [tilespmem:s12+$0xFFFFFE10];
	v4 =	vsel vm1, v15, v4;
	(erf) = vpow2.f32 v10;
	v10 =	vsub.f32 $0.0e+00, v14  }
0x159: {  	v22 =	vld [tilespmem:s12+$0xFFFFFE30];
	v15 =	vadd.f32 v41, v40;
	v4 =	vmul.f32 $1.442695020e+00, v4;
	(erf) = vpow2.f32 v11  }
0x15a: {  	v8 =	vld [tilespmem:s16+$0xFFFFFF10];
	v11 =	vadd.f32 v44, v42;
	(erf) = vpow2.f32 v12;
	v10 =	vmul.f32 $1.442695020e+00, v10  }
0x15b: {  	v3 =	vld [tilespmem:s12+$0xFFFFFE20];
	v16 =	vsub.f32 $0.0e+00, v28;
	v48 =	vsub.f32 $0.0e+00, v15;
	(erf) = vpow2.f32 v4  }
0x15c: {  	v4 =	vsub.f32 $0.0e+00, v11;
	(erf) = vpow2.f32 v10  }
0x15d: {  	v51 =	vld [tilespmem:s16+$0xFFFFFF50];
	v16 =	vmul.f32 $1.442695020e+00, v16;
	v13 =	vmul.f32 $1.442695020e+00, v48  }
0x15e: {  	v50 =	vld [tilespmem:s12+$0xFFFFFE90];
	v0 =	vmul.f32 v0, v21;
	v4 =	vmul.f32 $1.442695020e+00, v4;
	v18 =	vpop (erf)  }
0x15f: {  	v23 =	vld [tilespmem:s12+$0xFFFFFE80];
	v27 =	vadd.f32 v49, v22;
	v29 =	vadd.f32 v8, v1;
	(erf) = vpow2.f32 v13;
	v55 =	vpop (erf)  }
0x160: {  	[tilespmem:s11+$0x120] =	vst v0;
	v9 =	vld [tilespmem:s16+$0xFFFFFF00];
	v3 =	vadd.f32 v47, v3;
	(erf) = vpow2.f32 v4;
	v24 =	vpop (erf)  }
0x161: {  	v10 =	vld [tilespmem:s16+$0xFFFFFF40];
	v8 =	vsub.f32 $0.0e+00, v27;
	v1 =	vsub.f32 $0.0e+00, v29;
	[tilespmem:s11+$0xFFFFFF00] =	vst v18;
	(erf) = vpow2.f32 v16;
	v16 =	vpop (erf)  }
0x162: {  	v4 =	vld [tilespmem:s12+$0xFFFFFEA0];
	[tilespmem:$0x1FD80] =	vst v3;
	v3 =	vsub.f32 $0.0e+00, v3;
	v20 =	vpop (erf)  }
0x163: {  	v1 =	vmul.f32 $1.442695020e+00, v1;
	v56 =	vpop (erf)  }
0x164: {  	v3 =	vmul.f32 $1.442695020e+00, v3;
	v22 =	vpop (erf)  }
0x165: {  	(erf) = vpow2.f32 v1;
	v1 =	vmul.f32 $1.442695020e+00, v8;
	v8 =	vpop (erf)  }
0x166: {  	v8 =	vadd.f32 $1.000000000e+00, v8  }
0x167: {  	(erf) = vpow2.f32 v3  }
0x168: {  	v3 =	vpop (erf)  }
0x169: {  	(erf) = vpow2.f32 v1;
	v1 =	vadd.f32 $1.000000000e+00, v3;
	v3 =	vpop (erf)  }
0x16a: {  	(erf) = vrcp.f32 v8;
	v3 =	vadd.f32 $1.000000000e+00, v3;
	v8 =	vpop (erf)  }
0x16b: {  	v33 =	vld [tilespmem:s16+$0xFFFFFF60];
	[tilespmem:s11+$0xFFFFFF50] =	vst v55;
	(erf) = vrcp.f32 v1;
	v8 =	vadd.f32 $1.000000000e+00, v8  }
0x16c: {  	v34 =	vld [tilespmem:s12+$0xFFFFFEB0];
	[tilespmem:s11+$0xFFFFFFA0] =	vst v24;
	(erf) = vrcp.f32 v3  }
0x16d: {  	v35 =	vld [tilespmem:s16+$0xFFFFFF70];
	[tilespmem:s11+$0xFFFFFFF0] =	vst v16;
	(erf) = vrcp.f32 v8  }
0x16e: {  	v36 =	vld [tilespmem:s12+$0xFFFFFF00];
	[tilespmem:s11+$0x40] =	vst v20  }
0x16f: {  	v63 =	vld [tilespmem:s16+$0xFFFFFF80];
	[tilespmem:s11+$0x90] =	vst v56;
	v41 =	vpop (erf)  }
0x170: {  	v38 =	vld [tilespmem:s12+$0xFFFFFF10];
	[tilespmem:s11+$0xE0] =	vst v22;
	v0 =	vpop (erf)  }
0x171: {  	v19 =	vadd.f32 v51, v50;
	v39 =	vld [tilespmem:s16+$0xFFFFFF90];
	[tilespmem:$0x1FD60] =	vst v0;
	v0 =	vimm.s32 $0x0  }
0x172: {  	v12 =	vperm.xlane v18, v2;
	v2 =	vmov v55;
	[tilespmem:$0x1FDF0] =	vst v18;
	v1 =	vpop (erf);
	v44 =	vperm.xlane v18, v0  }
0x173: {  	v31 =	vadd.f32 v10, v23;
	v40 =	vld [tilespmem:s12+$0xFFFFFF20];
	[tilespmem:$0x1FD70] =	vst v1;
	v30 =	vperm.xlane v55, v0;
	v26 =	vperm.xlane v24, v0;
	v53 =	vpop (erf)  }
0x174: {  	v10 =	vmov v24;
	v25 =	vperm.xlane v16, v0;
	v24 =	vperm.xlane v20, v0;
	v43 =	vld [tilespmem:s16+$0xFFFFFFA0];
	v54 =	vpop (erf)  }
0x175: {  	v23 =	vperm.xlane v56, v0;
	v8 =	vmov v56;
	v46 =	vld [tilespmem:s12+$0xFFFFFF30];
	v14 =	vmul.f32 v53, v14;
	v55 =	vpop (erf)  }
0x176: {  	v0 =	vadd.f32 v35, v34;
	v48 =	vld [tilespmem:s16+$0xFFFFFFB0];
	v15 =	vmul.f32 v54, v15;
	v13 =	vmul.f32 v55, v11;
	v56 =	vpop (erf)  }
0x177: {  	v32 =	vadd.f32 v33, v4;
	v4 =	vld [tilespmem:s12+$0xFFFFFF80];
	v14 =	vmul.f32 v14, v61;
	v28 =	vmul.f32 v56, v28  }
0x178: {  	v45 =	vsub.f32 $0.0e+00, v19;
	v47 =	vld [tilespmem:s16+$0xFFFFFFC0];
	[tilespmem:$0x1FD90] =	vst v0;
	v15 =	vmul.f32 v15, v58;
	v13 =	vmul.f32 v13, v59  }
0x179: {  	v34 =	vld [tilespmem:s12+$0xFFFFFF90];
	v28 =	vmul.f32 v28, v57;
	v57 =	vsub.f32 $0.0e+00, v0;
	v0 =	vadd.f32 v63, v36  }
0x17a: {  	v52 =	vsub.f32 $0.0e+00, v31;
	v49 =	vld [tilespmem:s16+$0xFFFFFFD0];
	v58 =	vperm.xlane v14, v5;
	v59 =	vperm.xlane v15, v5  }
0x17b: {  	v35 =	vsub.f32 $0.0e+00, v32;
	v51 =	vld [tilespmem:s12+$0xFFFFFFA0];
	v61 =	vperm.xlane v13, v5;
	[tilespmem:$0x1FDA0] =	vst v0;
	v63 =	vperm.xlane v28, v5  }
0x17c: {  	v42 =	vmul.f32 $1.442695020e+00, v52;
	v14 =	vadd.f32 v14, v58;
	v15 =	vadd.f32 v15, v59;
	v36 =	vld [tilespmem:s16+$0xFFFFFFE0]  }
0x17d: {  	v45 =	vmul.f32 $1.442695020e+00, v45;
	v37 =	vadd.f32 v13, v61;
	v55 =	vld [tilespmem:s12+$0xFFFFFFB0];
	v28 =	vadd.f32 v28, v63  }
0x17e: {  	v17 =	vadd.f32 v39, v38;
	(erf) = vpow2.f32 v42;
	v35 =	vmul.f32 $1.442695020e+00, v35;
	v52 =	vld [tilespmem:s16+$0xFFFFFFF0]  }
0x17f: {  	v1 =	vadd.f32 v47, v4;
	v33 =	vsel vm0, v14, v15;
	v39 =	vld [tilespmem:s12+$0x0];
	v28 =	vsel vm0, v37, v28  }
0x180: {  	v13 =	vsub.f32 $0.0e+00, v0;
	v42 =	vld [tilespmem:s16+$0x0];
	v61 =	vperm.xlane v33, v62;
	v63 =	vperm.xlane v28, v62  }
0x181: {  	(erf) = vpow2.f32 v45;
	v15 =	vadd.f32 v43, v40;
	v14 =	vadd.f32 v48, v46;
	v54 =	vld [tilespmem:s12+$0x10]  }
0x182: {  	(erf) = vpow2.f32 v35;
	v40 =	vld [tilespmem:s16+$0x10];
	v45 =	vadd.f32 v33, v61;
	v33 =	vadd.f32 v28, v63  }
0x183: {  	v0 =	vmul.f32 $1.442695020e+00, v57;
	v43 =	vld [tilespmem:s12+$0x20];
	[tilespmem:$0x1FDB0] =	vst v1;
	v53 =	vmul.f32 $1.442695020e+00, v13;
	v47 =	vsub.f32 $0.0e+00, v14  }
0x184: {  	v4 =	vld [tilespmem:s16+$0x20];
	v13 =	vsub.f32 $0.0e+00, v1;
	v56 =	vperm.xlane v45, v7;
	v57 =	vperm.xlane v33, v7  }
0x185: {  	v50 =	vld [tilespmem:s12+$0x30];
	(erf) = vpow2.f32 v0;
	v37 =	vsub.f32 $0.0e+00, v17;
	v35 =	vadd.f32 v36, v51  }
0x186: {  	v58 =	vld [tilespmem:s16+$0x30];
	v47 =	vmul.f32 $1.442695020e+00, v47;
	v45 =	vadd.f32 v56, v45;
	v46 =	vadd.f32 v33, v57  }
0x187: {  	v38 =	vmovc v60;
	v60 =	vld [tilespmem:s12+$0x80];
	v48 =	vmul.f32 $1.442695020e+00, v37;
	v36 =	vadd.f32 v52, v55;
	v37 =	vadd.f32 v42, v39  }
0x188: {  	v52 =	vld [tilespmem:s12+$0x90];
	v28 =	vadd.f32 v49, v34;
	v33 =	vperm.xlane v45, v6;
	v34 =	vperm.xlane v46, v6  }
0x189: {  	(erf) = vpow2.f32 v53;
	v42 =	vld [tilespmem:s16+$0x50];
	v63 =	vsub.f32 $0.0e+00, v15;
	v49 =	vsub.f32 $0.0e+00, v37  }
0x18a: {  	v1 =	vld [tilespmem:s12+$0xB0];
	v39 =	vmul.f32 $1.442695020e+00, v13;
	v45 =	vadd.f32 v33, v45;
	v46 =	vadd.f32 v46, v34  }
0x18b: {  	v61 =	vld [tilespmem:s12+$0xA0];
	(erf) = vpow2.f32 v48;
	v59 =	vmul.f32 $1.442695020e+00, v63;
	v0 =	vsub.f32 $0.0e+00, v28  }
0x18c: {  	v53 =	vld [tilespmem:s12+$0xFFFFFE00];
	v33 =	vadd.f32 v4, v43;
	v43 =	vperm.xlane v45, v38;
	v13 =	vperm.xlane v46, v38  }
0x18d: {  	v51 =	vld [tilespmem:s16+$0x40];
	v63 =	vsub.f32 $0.0e+00, v36;
	v57 =	vsub.f32 $0.0e+00, v35;
	v55 =	vmul.f32 $1.442695020e+00, v0  }
0x18e: {  	v56 =	vmovc v62;
	v62 =	vld [tilespmem:s16+$0x70];
	(erf) = vpow2.f32 v59;
	v42 =	vadd.f32 v42, v52;
	v48 =	vsel vm1, v43, v13  }
0x18f: {  	v52 =	vld [tilespmem:s12+$0x120];
	(erf) = vpow2.f32 v47;
	v47 =	vsub.f32 $0.0e+00, v33;
	v13 =	vmul.f32 $1.442695020e+00, v48  }
0x190: {  	v59 =	vmul.f32 $1.442695020e+00, v49;
	v34 =	vadd.f32 v40, v54;
	v54 =	vld [tilespmem:s16+$0x60];
	v46 =	vmul.f32 $1.442695020e+00, v57  }
0x191: {  	v49 =	vadd.f32 v9, v53;
	v9 =	vmul.f32 $1.442695020e+00, v47;
	v47 =	vld [tilespmem:s28+$0xFFFFFE40];
	(erf) = vpow2.f32 v13  }
0x192: {  	v45 =	vld [tilespmem:s12+$0x100];
	v57 =	vmul.f32 $1.442695020e+00, v63;
	v63 =	vsub.f32 $0.0e+00, v34;
	(erf) = vpow2.f32 v39  }
0x193: {  	v40 =	vadd.f32 v58, v50;
	v50 =	vld [tilespmem:s16+$0x80];
	(erf) = vpow2.f32 v55  }
0x194: {  	v58 =	vmul.f32 $1.442695020e+00, v63;
	v63 =	vld [tilespmem:s12+$0x110];
	v39 =	vadd.f32 v51, v60;
	v51 =	vpop (erf);
	(erf) = vpow2.f32 v46  }
0x195: {  	v43 =	vadd.f32 v54, v61;
	v13 =	vsub.f32 $0.0e+00, v40;
	v55 =	vld [tilespmem:s28+$0xFFFFFEC0];
	v11 =	vpop (erf);
	(erf) = vpow2.f32 v57  }
0x196: {  	v48 =	vld [tilespmem:s16+$0x90];
	v47 =	vmul.f32 v44, v47;
	v60 =	vsub.f32 $0.0e+00, v49;
	v57 =	vpop (erf);
	(erf) = vpow2.f32 v59  }
0x197: {  	v54 =	vld [tilespmem:s28+$0xFFFFFF40];
	v44 =	vsub.f32 $0.0e+00, v43;
	v53 =	vmul.f32 $1.442695020e+00, v13;
	v13 =	vsub.f32 $0.0e+00, v39;
	v59 =	vpop (erf)  }
0x198: {  	v60 =	vmul.f32 $1.442695020e+00, v60;
	(erf) = vpow2.f32 v58;
	v58 =	vld [tilespmem:s28+$0xFFFFFFC0]  }
0x199: {  	v3 =	vimm.s32 $0x0;
	v61 =	vmul.f32 $1.442695020e+00, v13;
	v13 =	vld [tilespmem:s28+$0x40]  }
0x19a: {  	v21 =	vadd.f32 v62, v1;
	v30 =	vmul.f32 v30, v55;
	v55 =	vpop (erf);
	v0 =	vld [tilespmem:s28+$0xC0];
	(erf) = vpow2.f32 v60  }
0x19b: {  	v62 =	vmul.f32 $1.442695020e+00, v44;
	v46 =	vsub.f32 $0.0e+00, v42;
	v44 =	vpop (erf);
	(erf) = vpow2.f32 v9;
	v9 =	vld [tilespmem:s16+$0xA0]  }
0x19c: {  	v45 =	vadd.f32 v50, v45;
	v26 =	vmul.f32 v26, v54;
	v50 =	vld [tilespmem:s28+$0x140];
	v54 =	vpop (erf);
	(erf) = vpow2.f32 v53  }
0x19d: {  	v46 =	vmul.f32 $1.442695020e+00, v46;
	[tilespmem:s11+$0xFFFFFEC0] =	vst v47;
	v53 =	vadd.f32 v48, v63;
	v48 =	vld [tilespmem:s12+$0x130];
	v63 =	vpop (erf);
	(erf) = vpow2.f32 v61  }
0x19e: {  	s13 =	sadd.s32 $0x280, s11;
	v61 =	vsub.f32 $0.0e+00, v21;
	v60 =	vpop (erf);
	v25 =	vmul.f32 v25, v58;
	v58 =	vld [tilespmem:s16+$0xB0];
	v24 =	vmul.f32 v24, v13;
	[tilespmem:$0x1FEE0] =	vst v22  }
0x19f: {  	(erf) = vpow2.f32 v46;
	v1 =	vmul.f32 v23, v0;
	v23 =	vsub.f32 $0.0e+00, v45;
	[tilespmem:s13+$0x130] =	vst v60;
	v47 =	vld [tilespmem:s28+$0xFFFFFE50]  }
0x1a0: {  	v13 =	vperm.xlane v22, v3;
	v52 =	vadd.f32 v9, v52;
	v9 =	vmul.f32 $1.442695020e+00, v61;
	v61 =	vld [tilespmem:s12+$0x1C0]  }
0x1a1: {  	(erf) = vpow2.f32 v62;
	[tilespmem:s11+$0xFFFFFF10] =	vst v30;
	v30 =	vsub.f32 $0.0e+00, v53;
	v23 =	vmul.f32 $1.442695020e+00, v23  }
0x1a2: {  	[tilespmem:s11+$0xFFFFFF60] =	vst v26;
	v46 =	vmul.f32 v13, v50;
	v50 =	vpop (erf);
	(erf) = vpow2.f32 v9;
	v9 =	vsub.f32 $0.0e+00, v52  }
0x1a3: {  	[tilespmem:s11+$0xFFFFFFB0] =	vst v25;
	v62 =	vpop (erf);
	v48 =	vadd.f32 v58, v48;
	(erf) = vpow2.f32 v23;
	v23 =	vld [tilespmem:s28+$0xFFFFFED0];
	v58 =	vperm.xlane v60, v3  }
0x1a4: {  	[tilespmem:s11+$0x0] =	vst v24;
	v26 =	vmul.f32 $1.442695020e+00, v30;
	v3 =	vimm.s32 $0x1;
	v9 =	vmul.f32 $1.442695020e+00, v9  }
0x1a5: {  	v12 =	vmul.f32 v12, v47;
	v25 =	vsub.f32 $0.0e+00, v48;
	v47 =	vmul.f32 v58, v61;
	v58 =	vld [tilespmem:s28+$0xFFFFFF50];
	[tilespmem:$0x1FE00] =	vst v2  }
0x1a6: {  	v30 =	vpop (erf);
	v24 =	vperm.xlane v2, v3;
	(erf) = vpow2.f32 v26;
	v26 =	vld [tilespmem:s28+$0xFFFFFFD0]  }
0x1a7: {  	v61 =	vpop (erf);
	(erf) = vpow2.f32 v9;
	v0 =	vld [tilespmem:s28+$0x50];
	[tilespmem:$0x1FE10] =	vst v10;
	v9 =	vmul.f32 $1.442695020e+00, v25  }
0x1a8: {  	[tilespmem:s11+$0x50] =	vst v1;
	v24 =	vmul.f32 v24, v23;
	v23 =	vperm.xlane v10, v3  }
0x1a9: {  	v1 =	vadd.f32 $1.000000000e+00, v41;
	[tilespmem:$0x1FE20] =	vst v16;
	v25 =	vpop (erf);
	(erf) = vpow2.f32 v9;
	v9 =	vperm.xlane v16, v3  }
0x1aa: {  	[tilespmem:s11+$0xA0] =	vst v46;
	v13 =	vpop (erf);
	v46 =	vmul.f32 v23, v58;
	v23 =	vperm.xlane v20, v3  }
0x1ab: {  	v41 =	vmov v16;
	v16 =	vpop (erf);
	(erf) = vrcp.f32 v1;
	v1 =	vmul.f32 v9, v26  }
0x1ac: {  	v58 =	vld [tilespmem:s28+$0xD0]  }
0x1ad: {  	v0 =	vmul.f32 v23, v0;
	[tilespmem:$0x1FDC0] =	vst v1;
	v1 =	vld [tilespmem:$0x1FD60]  }
0x1ae: {  	v26 =	vld [tilespmem:s28+$0x150];
	[tilespmem:s13+$0xF0] =	vst v47  }
0x1af: {  	[tilespmem:$0x1FDD0] =	vst v0;
	v0 =	vld [tilespmem:$0x1FD70];
	_ =	sdelay $0x2  }
0x1b0: {  	v16 =	vadd.f32 $1.000000000e+00, v16  }
0x1b1: {  	v1 =	vadd.f32 $1.000000000e+00, v1  }
0x1b2: {  	v4 =	vimm.s32 $0x1;
	v9 =	vpop (erf);
	(erf) = vrcp.f32 v16;
	[tilespmem:s11+$0xFFFFFED0] =	vst v12;
	v0 =	vadd.f32 $1.000000000e+00, v0  }
0x1b3: {  	v23 =	vpop (erf);
	[tilespmem:$0x1FED0] =	vst v8;
	(erf) = vrcp.f32 v1;
	v1 =	vperm.xlane v8, v4  }
0x1b4: {  	v16 =	vld [tilespmem:s12+$0x1D0];
	(erf) = vrcp.f32 v0;
	v0 =	vperm.xlane v22, v4  }
0x1b5: {  	v47 =	vmov v8;
	v12 =	vadd.f32 $1.000000000e+00, v51;
	v3 =	vld [tilespmem:s28+$0xFFFFFE60]  }
0x1b6: {  	v51 =	vpop (erf);
	v58 =	vmul.f32 v1, v58;
	v1 =	vadd.f32 $1.000000000e+00, v11;
	v0 =	vmul.f32 v0, v26  }
0x1b7: {  	[tilespmem:s11+$0xFFFFFF20] =	vst v24;
	v8 =	vpop (erf);
	v22 =	vimm.s32 $0x2;
	(erf) = vrcp.f32 v12;
	v12 =	vperm.xlane v60, v4  }
0x1b8: {  	v11 =	vpop (erf);
	v18 =	vperm.xlane v18, v22;
	[tilespmem:$0x1FDE0] =	vst v0;
	v0 =	vadd.f32 $1.000000000e+00, v57  }
0x1b9: {  	(erf) = vrcp.f32 v1;
	v1 =	vadd.f32 $1.000000000e+00, v59;
	v26 =	vmul.f32 v12, v16;
	v57 =	vpop (erf);
	v59 =	vld [tilespmem:s28+$0xFFFFFEE0]  }
0x1ba: {  	[tilespmem:s11+$0xFFFFFF70] =	vst v46;
	v4 =	vpop (erf);
	v46 =	vmul.f32 v18, v3;
	(erf) = vrcp.f32 v0;
	v0 =	vadd.f32 $1.000000000e+00, v55  }
0x1bb: {  	v3 =	vperm.xlane v2, v22;
	v55 =	vld [tilespmem:s28+$0xFFFFFF60];
	v12 =	vpop (erf);
	(erf) = vrcp.f32 v1;
	v1 =	vadd.f32 $1.000000000e+00, v44  }
0x1bc: {  	v63 =	vadd.f32 $1.000000000e+00, v63;
	v44 =	vpop (erf);
	(erf) = vrcp.f32 v0;
	v0 =	vadd.f32 $1.000000000e+00, v54  }
0x1bd: {  	v25 =	vadd.f32 $1.000000000e+00, v25;
	v2 =	vld [tilespmem:$0x1FD80];
	v54 =	vpop (erf);
	(erf) = vrcp.f32 v1;
	v1 =	vperm.xlane v10, v22  }
0x1be: {  	v16 =	vpop (erf);
	v59 =	vmul.f32 v3, v59;
	(erf) = vrcp.f32 v0;
	v0 =	vadd.f32 $1.000000000e+00, v50  }
0x1bf: {  	v3 =	vpop (erf);
	v16 =	vmul.f32 v16, v29;
	(erf) = vrcp.f32 v63;
	v63 =	vadd.f32 $1.000000000e+00, v62  }
0x1c0: {  	v9 =	vadd.f32 $1.000000000e+00, v9;
	v1 =	vmul.f32 v1, v55;
	v62 =	vpop (erf);
	(erf) = vrcp.f32 v0  }
0x1c1: {  	v0 =	vadd.f32 $1.000000000e+00, v30;
	v30 =	vmul.f32 v3, v49;
	v3 =	vadd.f32 $1.000000000e+00, v61  }
0x1c2: {  	v29 =	vpop (erf);
	v22 =	vmul.f32 v62, v2;
	v62 =	vadd.f32 $1.000000000e+00, v57;
	v57 =	vld [tilespmem:$0x1FEB0];
	(erf) = vrcp.f32 v63  }
0x1c3: {  	v24 =	vimm.s32 $0x2;
	v2 =	vld [tilespmem:$0x1FD90];
	v10 =	vmul.f32 v29, v27;
	(erf) = vrcp.f32 v0;
	v63 =	vpop (erf)  }
0x1c4: {  	v0 =	vadd.f32 $1.000000000e+00, v13;
	v18 =	vpop (erf);
	(erf) = vrcp.f32 v3;
	v3 =	vperm.xlane v41, v24  }
0x1c5: {  	v29 =	vmul.f32 v63, v31;
	v27 =	vpop (erf);
	(erf) = vrcp.f32 v25  }
0x1c6: {  	v23 =	vadd.f32 $1.000000000e+00, v23;
	v19 =	vmul.f32 v18, v19;
	v25 =	vpop (erf);
	(erf) = vrcp.f32 v0  }
0x1c7: {  	v63 =	vmov v20;
	v0 =	vperm.xlane v20, v24;
	v20 =	vmul.f32 v22, v57;
	v31 =	vpop (erf)  }
0x1c8: {  	v55 =	vadd.f32 $1.000000000e+00, v51;
	(erf) = vrcp.f32 v9;
	v18 =	vmul.f32 v25, v2;
	v2 =	vld [tilespmem:$0x1FDA0];
	v9 =	vpop (erf)  }
0x1c9: {  	v8 =	vadd.f32 $1.000000000e+00, v8;
	v61 =	vpop (erf);
	(erf) = vrcp.f32 v23;
	v23 =	vmul.f32 v27, v32  }
0x1ca: {  	v9 =	vmul.f32 v9, v17;
	v27 =	vpop (erf);
	(erf) = vrcp.f32 v55  }
0x1cb: {  	v11 =	vadd.f32 $1.000000000e+00, v11;
	v15 =	vmul.f32 v61, v15;
	v25 =	vpop (erf);
	(erf) = vrcp.f32 v8  }
0x1cc: {  	v61 =	vld [tilespmem:$0x1FEA0];
	v14 =	vmul.f32 v27, v14;
	v23 =	vmul.f32 v23, v57  }
0x1cd: {  	v4 =	vadd.f32 $1.000000000e+00, v4;
	v8 =	vmul.f32 v31, v2;
	v31 =	vpop (erf);
	(erf) = vrcp.f32 v11  }
0x1ce: {  	v11 =	vadd.f32 $1.000000000e+00, v12;
	v2 =	vld [tilespmem:$0x1FDB0];
	v15 =	vmul.f32 v15, v57;
	v41 =	vpop (erf);
	(erf) = vrcp.f32 v62  }
0x1cf: {  	v50 =	vmul.f32 v31, v28;
	v49 =	vpop (erf);
	(erf) = vrcp.f32 v4  }
0x1d0: {  	v27 =	vpop (erf);
	(erf) = vrcp.f32 v11;
	v51 =	vmul.f32 v49, v36  }
0x1d1: {  	v62 =	vld [tilespmem:$0x1FE90];
	v16 =	vmul.f32 v16, v61;
	v19 =	vmul.f32 v19, v61  }
0x1d2: {  	v44 =	vadd.f32 $1.000000000e+00, v44;
	v9 =	vmul.f32 v9, v61;
	v17 =	vmul.f32 v50, v61  }
0x1d3: {  	v4 =	vadd.f32 $1.000000000e+00, v54;
	v27 =	vmul.f32 v27, v37;
	v11 =	vmul.f32 v25, v2  }
0x1d4: {  	v25 =	vpop (erf);
	(erf) = vrcp.f32 v44;
	v50 =	vperm.xlane v16, v5  }
0x1d5: {  	v28 =	vpop (erf);
	(erf) = vrcp.f32 v4;
	v4 =	vmul.f32 v41, v35  }
0x1d6: {  	v25 =	vmul.f32 v25, v34;
	v30 =	vmul.f32 v30, v62  }
0x1d7: {  	v29 =	vmul.f32 v29, v62;
	v8 =	vmul.f32 v8, v62  }
0x1d8: {  	v27 =	vmul.f32 v27, v62;
	v55 =	vmul.f32 v28, v33  }
0x1d9: {  	v31 =	vpop (erf);
	v11 =	vmul.f32 v11, v62;
	v16 =	vadd.f32 v16, v50;
	v50 =	vperm.xlane v17, v5  }
0x1da: {  	v28 =	vmul.f32 v31, v40;
	v4 =	vmul.f32 v4, v57  }
0x1db: {  	v54 =	vpop (erf);
	v25 =	vmul.f32 v25, v61;
	v49 =	vperm.xlane v30, v5  }
0x1dc: {  	v40 =	vperm.xlane v27, v5;
	v32 =	vmul.f32 v54, v39  }
0x1dd: {  	v31 =	vpop (erf);
	v13 =	vmul.f32 v55, v57;
	v54 =	vperm.xlane v19, v5  }
0x1de: {  	v55 =	vperm.xlane v23, v5;
	v39 =	vperm.xlane v11, v5;
	v41 =	vpop (erf)  }
0x1df: {  	v31 =	vmul.f32 v31, v42;
	v33 =	vmul.f32 v41, v43;
	v42 =	vpop (erf)  }
0x1e0: {  	v32 =	vmul.f32 v32, v62;
	v34 =	vmul.f32 v42, v21  }
0x1e1: {  	v43 =	vpop (erf);
	v31 =	vmul.f32 v31, v61;
	v42 =	vperm.xlane v8, v5  }
0x1e2: {  	v41 =	vld [tilespmem:$0x1FEC0];
	v35 =	vmul.f32 v43, v45;
	v44 =	vpop (erf);
	v33 =	vmul.f32 v33, v57  }
0x1e3: {  	v43 =	vperm.xlane v15, v5;
	v36 =	vmul.f32 v44, v53  }
0x1e4: {  	v19 =	vadd.f32 v19, v54;
	v53 =	vperm.xlane v29, v5;
	v44 =	vperm.xlane v4, v5  }
0x1e5: {  	v45 =	vpop (erf);
	v8 =	vadd.f32 v8, v42;
	v42 =	vperm.xlane v32, v5;
	v54 =	vperm.xlane v31, v5  }
0x1e6: {  	v17 =	vadd.f32 v17, v50;
	v37 =	vmul.f32 v45, v52;
	v2 =	vpop (erf);
	v35 =	vmul.f32 v35, v62  }
0x1e7: {  	v30 =	vadd.f32 v30, v49;
	v10 =	vmul.f32 v10, v41;
	v2 =	vmul.f32 v2, v48  }
0x1e8: {  	v23 =	vadd.f32 v23, v55;
	v18 =	vmul.f32 v18, v41;
	v14 =	vmul.f32 v14, v41  }
0x1e9: {  	v11 =	vadd.f32 v11, v39;
	v12 =	vmul.f32 v51, v41;
	v28 =	vmul.f32 v28, v41  }
0x1ea: {  	v16 =	vsel vm0, v30, v16;
	v34 =	vmul.f32 v34, v41;
	v36 =	vmul.f32 v36, v61  }
0x1eb: {  	v11 =	vsel vm0, v11, v17;
	v51 =	vperm.xlane v20, v5;
	v48 =	vperm.xlane v9, v5  }
0x1ec: {  	v15 =	vadd.f32 v15, v43;
	v37 =	vmul.f32 v37, v57;
	v43 =	vperm.xlane v35, v5  }
0x1ed: {  	v29 =	vadd.f32 v29, v53;
	v2 =	vmul.f32 v2, v41;
	v52 =	vperm.xlane v10, v5  }
0x1ee: {  	v4 =	vadd.f32 v4, v44;
	v45 =	vperm.xlane v18, v5;
	v49 =	vperm.xlane v14, v5  }
0x1ef: {  	v20 =	vadd.f32 v20, v51;
	v51 =	vperm.xlane v12, v5;
	v53 =	vperm.xlane v28, v5  }
0x1f0: {  	v9 =	vadd.f32 v9, v48;
	v48 =	vperm.xlane v33, v5;
	v55 =	vperm.xlane v34, v5  }
0x1f1: {  	v19 =	vsel vm0, v29, v19;
	v30 =	vperm.xlane v37, v5;
	v10 =	vadd.f32 v10, v52  }
0x1f2: {  	v52 =	vperm.xlane v25, v5;
	v18 =	vadd.f32 v18, v45;
	v45 =	vperm.xlane v13, v5  }
0x1f3: {  	v14 =	vadd.f32 v14, v49;
	v49 =	vperm.xlane v36, v5;
	v12 =	vadd.f32 v12, v51  }
0x1f4: {  	v8 =	vsel vm0, v8, v9;
	v9 =	vadd.f32 v32, v42;
	v50 =	vadd.f32 v37, v30  }
0x1f5: {  	v10 =	vsel vm0, v20, v10;
	v20 =	vadd.f32 v27, v40;
	v25 =	vadd.f32 v25, v52  }
0x1f6: {  	v18 =	vsel vm0, v23, v18;
	v13 =	vadd.f32 v13, v45;
	v23 =	vadd.f32 v28, v53  }
0x1f7: {  	v39 =	vperm.xlane v2, v5;
	v27 =	vadd.f32 v31, v54;
	v45 =	vadd.f32 v33, v48  }
0x1f8: {  	v14 =	vsel vm0, v15, v14;
	v28 =	vadd.f32 v34, v55;
	v48 =	vadd.f32 v35, v43  }
0x1f9: {  	v29 =	vadd.f32 v36, v49;
	v4 =	vsel vm0, v4, v12;
	v30 =	vadd.f32 v2, v39  }
0x1fa: {  	v20 =	vsel vm0, v20, v25;
	v13 =	vsel vm0, v13, v23;
	v9 =	vsel vm0, v9, v27  }
0x1fb: {  	v15 =	vsel vm0, v45, v28;
	v23 =	vperm.xlane v16, v56;
	v25 =	vperm.xlane v10, v56  }
0x1fc: {  	v17 =	vsel vm0, v48, v29;
	v27 =	vperm.xlane v19, v56;
	v28 =	vperm.xlane v18, v56  }
0x1fd: {  	v12 =	vsel vm0, v50, v30;
	v29 =	vperm.xlane v14, v56;
	v30 =	vperm.xlane v4, v56  }
0x1fe: {  	v31 =	vperm.xlane v13, v56;
	v51 =	vperm.xlane v15, v56  }
0x1ff: {  	v52 =	vperm.xlane v12, v56;
	v16 =	vadd.f32 v16, v23;
	v10 =	vadd.f32 v10, v25  }
0x200: {  	v23 =	vperm.xlane v8, v56;
	v19 =	vadd.f32 v19, v27;
	v18 =	vadd.f32 v18, v28  }
0x201: {  	v25 =	vperm.xlane v11, v56;
	v14 =	vadd.f32 v14, v29;
	v4 =	vadd.f32 v4, v30  }
0x202: {  	v27 =	vperm.xlane v20, v56;
	v13 =	vadd.f32 v13, v31;
	v15 =	vadd.f32 v15, v51  }
0x203: {  	v28 =	vperm.xlane v9, v56;
	v12 =	vadd.f32 v12, v52;
	v8 =	vadd.f32 v8, v23  }
0x204: {  	v23 =	vperm.xlane v17, v56;
	v53 =	vperm.xlane v16, v7;
	v11 =	vadd.f32 v11, v25  }
0x205: {  	v25 =	vperm.xlane v10, v7;
	v20 =	vadd.f32 v20, v27;
	v27 =	vperm.xlane v19, v7  }
0x206: {  	v9 =	vadd.f32 v9, v28;
	v28 =	vperm.xlane v18, v7;
	v29 =	vperm.xlane v14, v7  }
0x207: {  	v31 =	vperm.xlane v4, v7;
	v54 =	vperm.xlane v13, v7  }
0x208: {  	v55 =	vperm.xlane v15, v7;
	v36 =	vperm.xlane v12, v7  }
0x209: {  	v17 =	vadd.f32 v17, v23;
	v23 =	vperm.xlane v8, v7;
	v16 =	vadd.f32 v53, v16  }
0x20a: {  	v30 =	vperm.xlane v11, v7;
	v10 =	vadd.f32 v10, v25;
	v19 =	vadd.f32 v27, v19  }
0x20b: {  	v25 =	vperm.xlane v20, v7;
	v18 =	vadd.f32 v18, v28;
	v14 =	vadd.f32 v14, v29  }
0x20c: {  	v27 =	vperm.xlane v9, v7;
	v4 =	vadd.f32 v4, v31;
	v13 =	vadd.f32 v13, v54  }
0x20d: {  	v15 =	vadd.f32 v15, v55;
	v12 =	vadd.f32 v12, v36;
	v28 =	vperm.xlane v17, v7  }
0x20e: {  	v37 =	vperm.xlane v16, v6;
	v8 =	vadd.f32 v23, v8;
	v23 =	vperm.xlane v10, v6  }
0x20f: {  	v11 =	vadd.f32 v30, v11;
	v29 =	vperm.xlane v19, v6;
	v20 =	vadd.f32 v25, v20  }
0x210: {  	v25 =	vperm.xlane v18, v6;
	v9 =	vadd.f32 v27, v9;
	v27 =	vperm.xlane v8, v6  }
0x211: {  	v17 =	vadd.f32 v28, v17;
	v16 =	vadd.f32 v37, v16;
	v28 =	vperm.xlane v14, v6  }
0x212: {  	v30 =	vperm.xlane v11, v6;
	v10 =	vadd.f32 v10, v23;
	v23 =	vperm.xlane v4, v6  }
0x213: {  	v2 =	vld [tilespmem:$0x1FDC0];
	v31 =	vperm.xlane v20, v6;
	v19 =	vadd.f32 v29, v19;
	v29 =	vperm.xlane v13, v6  }
0x214: {  	s14 =	sadd.s32 $0x400, s12;
	v39 =	vperm.xlane v9, v6;
	v18 =	vadd.f32 v18, v25;
	v25 =	vperm.xlane v15, v6  }
0x215: {  	v42 =	vld [tilespmem:s14+$0x190];
	v40 =	vperm.xlane v17, v6;
	v8 =	vadd.f32 v27, v8;
	v14 =	vadd.f32 v14, v28  }
0x216: {  	v49 =	vld [tilespmem:s14+$0x1B0];
	v27 =	vperm.xlane v12, v6;
	v16 =	vperm.xlane v16, v38;
	v11 =	vadd.f32 v30, v11  }
0x217: {  	s29 =	sadd.s32 $0x200, s16;
	v45 =	vld [tilespmem:s14+$0x1A0];
	v4 =	vadd.f32 v4, v23;
	v10 =	vperm.xlane v10, v38;
	v20 =	vadd.f32 v31, v20  }
0x218: {  	v48 =	vld [tilespmem:s29+$0xE0];
	[tilespmem:s11+$0xFFFFFFC0] =	vst v2;
	v13 =	vadd.f32 v13, v29;
	v19 =	vperm.xlane v19, v38;
	v9 =	vadd.f32 v39, v9  }
0x219: {  	v2 =	vld [tilespmem:$0x1FDD0];
	v15 =	vadd.f32 v15, v25;
	v18 =	vperm.xlane v18, v38;
	v17 =	vadd.f32 v40, v17  }
0x21a: {  	v50 =	vld [tilespmem:s29+$0xF0];
	v12 =	vadd.f32 v12, v27;
	v8 =	vperm.xlane v8, v38;
	v14 =	vperm.xlane v14, v38  }
0x21b: {  	v53 =	vld [tilespmem:s14+$0xFFFFFE20];
	v10 =	vsel vm1, v16, v10;
	v11 =	vperm.xlane v11, v38;
	v4 =	vperm.xlane v4, v38  }
0x21c: {  	[tilespmem:s13+$0x100] =	vst v26;
	v23 =	vld [tilespmem:s14+$0x180];
	v18 =	vsel vm1, v19, v18;
	v43 =	vperm.xlane v20, v38;
	v13 =	vperm.xlane v13, v38  }
0x21d: {  	[tilespmem:s11+$0x60] =	vst v58;
	v25 =	vld [tilespmem:s29+$0xC0];
	v9 =	vperm.xlane v9, v38;
	v44 =	vperm.xlane v15, v38;
	v15 =	vadd.f32 v48, v45  }
0x21e: {  	[tilespmem:s11+$0x10] =	vst v2;
	v20 =	vld [tilespmem:s29+$0xD0];
	v10 =	vmul.f32 $1.442695020e+00, v10;
	v18 =	vmul.f32 $1.442695020e+00, v18;
	v8 =	vsel vm1, v8, v14  }
0x21f: {  	v2 =	vld [tilespmem:$0x1FDE0];
	v4 =	vsel vm1, v11, v4;
	v11 =	vperm.xlane v17, v38;
	v12 =	vperm.xlane v12, v38  }
0x220: {  	v28 =	vld [tilespmem:s28+$0xFFFFFFE0];
	v13 =	vsel vm1, v43, v13;
	v8 =	vmul.f32 $1.442695020e+00, v8;
	(erf) = vpow2.f32 v10  }
0x221: {  	v27 =	vld [tilespmem:s28+$0x60];
	v9 =	vsel vm1, v9, v44;
	v4 =	vmul.f32 $1.442695020e+00, v4;
	(erf) = vpow2.f32 v18  }
0x222: {  	v51 =	vmul.f32 $1.442695020e+00, v13;
	v13 =	vadd.f32 v25, v23;
	(erf) = vpow2.f32 v8;
	v8 =	vld [tilespmem:s14+$0xFFFFFE10]  }
0x223: {  	v9 =	vmul.f32 $1.442695020e+00, v9;
	v16 =	vadd.f32 v20, v42;
	(erf) = vpow2.f32 v4;
	v4 =	vld [tilespmem:s29+$0xFFFFFF10]  }
0x224: {  	v10 =	vld [tilespmem:s12+$0x1E0];
	v11 =	vsel vm1, v11, v12;
	v52 =	vsub.f32 $0.0e+00, v13;
	(erf) = vpow2.f32 v51  }
0x225: {  	v11 =	vmul.f32 $1.442695020e+00, v11;
	v54 =	vsub.f32 $0.0e+00, v16;
	(erf) = vpow2.f32 v9;
	v9 =	vld [tilespmem:s29+$0xFFFFFF20]  }
0x226: {  	v55 =	vsub.f32 $0.0e+00, v15;
	v25 =	vld [tilespmem:s29+$0xFFFFFF30];
	v18 =	vmul.f32 $1.442695020e+00, v52  }
0x227: {  	[tilespmem:s11+$0xFFFFFEE0] =	vst v46;
	(erf) = vpow2.f32 v11;
	v11 =	vld [tilespmem:s14+$0xFFFFFE30];
	v17 =	vmul.f32 $1.442695020e+00, v54  }
0x228: {  	[tilespmem:s11+$0xB0] =	vst v2;
	v19 =	vmul.f32 $1.442695020e+00, v55;
	(erf) = vpow2.f32 v18;
	v18 =	vld [tilespmem:s28+$0xE0];
	v8 =	vadd.f32 v4, v8  }
0x229: {  	[tilespmem:s11+$0xFFFFFF30] =	vst v59;
	(erf) = vpow2.f32 v17;
	v17 =	vld [tilespmem:s28+$0x160]  }
0x22a: {  	v14 =	vadd.f32 v50, v49;
	(erf) = vpow2.f32 v19;
	v19 =	vld [tilespmem:s28+$0xFFFFFE70];
	[tilespmem:$0x1FE60] =	vst v8;
	v2 =	vadd.f32 v9, v53  }
0x22b: {  	v26 =	vperm.xlane v60, v24;
	v3 =	vmul.f32 v3, v28;
	[tilespmem:s11+$0xFFFFFF80] =	vst v1  }
0x22c: {  	v20 =	vsub.f32 $0.0e+00, v14;
	v4 =	vld [tilespmem:s28+$0xFFFFFEF0];
	[tilespmem:$0x1FE70] =	vst v2  }
0x22d: {  	v33 =	vpop (erf);
	[tilespmem:s11+$0xFFFFFFD0] =	vst v3;
	v3 =	vsub.f32 $0.0e+00, v8;
	v8 =	vadd.f32 v25, v11  }
0x22e: {  	v0 =	vmul.f32 v0, v27;
	v20 =	vmul.f32 $1.442695020e+00, v20;
	v32 =	vpop (erf)  }
0x22f: {  	v1 =	vmul.f32 v26, v10;
	v26 =	vpop (erf);
	v9 =	vld [tilespmem:s28+$0xFFFFFF70];
	[tilespmem:$0x1FE80] =	vst v8  }
0x230: {  	(erf) = vpow2.f32 v20;
	v29 =	vpop (erf);
	[tilespmem:s11+$0x20] =	vst v0;
	v0 =	vmul.f32 $1.442695020e+00, v3;
	v3 =	vsub.f32 $0.0e+00, v8  }
0x231: {  	v22 =	vpop (erf);
	[tilespmem:s13+$0x110] =	vst v1;
	v1 =	vsub.f32 $0.0e+00, v2  }
0x232: {  	v2 =	vpop (erf)  }
0x233: {  	v37 =	vpop (erf);
	v1 =	vmul.f32 $1.442695020e+00, v1  }
0x234: {  	(erf) = vpow2.f32 v0;
	v0 =	vmul.f32 $1.442695020e+00, v3;
	v3 =	vpop (erf)  }
0x235: {  	(erf) = vpow2.f32 v1;
	v1 =	vadd.f32 $1.000000000e+00, v3;
	_ =	sdelay $0x1  }
0x236: {  	v3 =	vpop (erf)  }
0x237: {  	(erf) = vpow2.f32 v0;
	v3 =	vadd.f32 $1.000000000e+00, v3;
	v0 =	vpop (erf)  }
0x238: {  	v0 =	vadd.f32 $1.000000000e+00, v0;
	(erf) = vrcp.f32 v1;
	v1 =	vpop (erf)  }
0x239: {  	(erf) = vrcp.f32 v3;
	v1 =	vadd.f32 $1.000000000e+00, v1  }
0x23a: {  	(erf) = vrcp.f32 v0  }
0x23b: {  	(erf) = vrcp.f32 v1;
	v1 =	vld [tilespmem:$0x1FEE0]  }
0x23c: {  	v10 =	vld [tilespmem:s28+$0xFFFFFFF0]  }
0x23d: {  	v12 =	vld [tilespmem:s29+$0xFFFFFF00]  }
0x23e: {  	v28 =	vld [tilespmem:s14+$0xFFFFFE80]  }
0x23f: {  	v58 =	vld [tilespmem:s29+$0xFFFFFF40];
	v0 =	vimm.s32 $0x2  }
0x240: {  	v31 =	vperm.xlane v1, v0;
	v1 =	vld [tilespmem:$0x1FDF0]  }
0x241: {  	v39 =	vld [tilespmem:s14+$0xFFFFFE90]  }
0x242: {  	v40 =	vld [tilespmem:s29+$0xFFFFFF50]  }
0x243: {  	v42 =	vld [tilespmem:s14+$0xFFFFFEA0]  }
0x244: {  	v43 =	vld [tilespmem:s29+$0xFFFFFF60];
	v30 =	vperm.xlane v47, v0;
	v0 =	vimm.s32 $0x3  }
0x245: {  	v59 =	vperm.xlane v1, v0;
	v1 =	vld [tilespmem:$0x1FE00]  }
0x246: {  	v44 =	vld [tilespmem:s14+$0xFFFFFEB0]  }
0x247: {  	v3 =	vld [tilespmem:$0x1FE10]  }
0x248: {  	v46 =	vld [tilespmem:s29+$0xFFFFFF70]  }
0x249: {  	v11 =	vld [tilespmem:s12+$0x1F0];
	v0 =	vimm.s32 $0x3  }
0x24a: {  	v48 =	vld [tilespmem:s14+$0xFFFFFF00];
	v34 =	vperm.xlane v1, v0;
	v1 =	vpop (erf)  }
0x24b: {  	v20 =	vld [tilespmem:s28+$0x70];
	v0 =	vimm.s32 $0x3;
	[tilespmem:$0x1FE30] =	vst v1;
	v1 =	vimm.s32 $0x3  }
0x24c: {  	v0 =	vperm.xlane v60, v0;
	v36 =	vperm.xlane v3, v1;
	v3 =	vld [tilespmem:$0x1FE20];
	_ =	sdelay $0x1  }
0x24d: {  	v1 =	vimm.s32 $0x3;
	v0 =	vmul.f32 v0, v11;
	_ =	sdelay $0x2  }
0x24e: {  	v50 =	vld [tilespmem:s29+$0xFFFFFF80];
	[tilespmem:$0x1FF10] =	vst v0;
	v21 =	vperm.xlane v3, v1;
	v1 =	vpop (erf)  }
0x24f: {  	[tilespmem:$0x1FE40] =	vst v1;
	v0 =	vpop (erf)  }
0x250: {  	v52 =	vld [tilespmem:s14+$0xFFFFFF10];
	[tilespmem:$0x1FE50] =	vst v0;
	v0 =	vmul.f32 v30, v18;
	_ =	sdelay $0x1  }
0x251: {  	[tilespmem:$0x1FF20] =	vst v0;
	v0 =	vmul.f32 v31, v17;
	_ =	sdelay $0x1  }
0x252: {  	[tilespmem:$0x1FF30] =	vst v0;
	v0 =	vmul.f32 v59, v19;
	_ =	sdelay $0x1  }
0x253: {  	v17 =	vld [tilespmem:s29+$0xFFFFFF90];
	[tilespmem:$0x1FF40] =	vst v0;
	v0 =	vmul.f32 v34, v4;
	_ =	sdelay $0x1  }
0x254: {  	[tilespmem:$0x1FF50] =	vst v0;
	v0 =	vmul.f32 v36, v9;
	_ =	sdelay $0x1  }
0x255: {  	v11 =	vpop (erf);
	v4 =	vld [tilespmem:s14+$0xFFFFFF20];
	[tilespmem:$0x1FF60] =	vst v0;
	v0 =	vmul.f32 v21, v10  }
0x256: {  	v54 =	vpop (erf);
	v34 =	vadd.f32 v40, v39  }
0x257: {  	v35 =	vadd.f32 v43, v42;
	v1 =	vimm.s32 $0x3;
	v9 =	vpop (erf);
	[tilespmem:$0x1FF70] =	vst v0  }
0x258: {  	v51 =	vperm.xlane v63, v1;
	v19 =	vsub.f32 $0.0e+00, v34;
	v9 =	vmul.f32 v9, v15;
	v45 =	vld [tilespmem:s29+$0xFFFFFFA0]  }
0x259: {  	v36 =	vadd.f32 v58, v28;
	v55 =	vpop (erf);
	v10 =	vmul.f32 v11, v13;
	v11 =	vmul.f32 v54, v16;
	v47 =	vld [tilespmem:s14+$0xFFFFFF30]  }
0x25a: {  	v27 =	vadd.f32 v50, v48;
	v13 =	vmul.f32 v55, v14;
	v48 =	vmul.f32 $1.442695020e+00, v19;
	v16 =	vld [tilespmem:s29+$0xFFFFFFB0]  }
0x25b: {  	v58 =	vsub.f32 $0.0e+00, v36;
	v59 =	vmul.f32 v9, v57;
	v15 =	vmul.f32 v10, v62;
	v14 =	vld [tilespmem:s14+$0xFFFFFF80]  }
0x25c: {  	v30 =	vadd.f32 v46, v44;
	v11 =	vmul.f32 v11, v61;
	v0 =	vmul.f32 v51, v20;
	v28 =	vld [tilespmem:s29+$0xFFFFFFC0]  }
0x25d: {  	v31 =	vadd.f32 v17, v52;
	v13 =	vmul.f32 v13, v41;
	v42 =	vmul.f32 $1.442695020e+00, v58;
	v39 =	vld [tilespmem:s14+$0xFFFFFF90]  }
0x25e: {  	v19 =	vsub.f32 $0.0e+00, v27;
	v54 =	vld [tilespmem:s29+$0xFFFFFFD0];
	v62 =	vperm.xlane v59, v5;
	v60 =	vperm.xlane v15, v5;
	[tilespmem:$0x1FF80] =	vst v0  }
0x25f: {  	v57 =	vsub.f32 $0.0e+00, v31;
	v61 =	vperm.xlane v11, v5;
	v63 =	vperm.xlane v13, v5;
	v51 =	vld [tilespmem:s14+$0xFFFFFFA0]  }
0x260: {  	v0 =	vimm.s32 $0x0;
	v53 =	vld [tilespmem:s29+$0xFFFFFFE0];
	v20 =	vadd.f32 v59, v62;
	v15 =	vadd.f32 v15, v60  }
0x261: {  	(erf) = vpow2.f32 v42;
	v44 =	vld [tilespmem:s14+$0xFFFFFFB0];
	v11 =	vadd.f32 v11, v61;
	v13 =	vadd.f32 v13, v63  }
0x262: {  	v40 =	vperm.xlane v33, v0;
	v49 =	vld [tilespmem:s29+$0xFFFFFFF0];
	(erf) = vpow2.f32 v48;
	v60 =	vsub.f32 $0.0e+00, v35  }
0x263: {  	v0 =	vld [tilespmem:s14+$0x0];
	v61 =	vsub.f32 $0.0e+00, v30;
	v15 =	vsel vm0, v15, v11;
	v13 =	vsel vm0, v20, v13  }
0x264: {  	v10 =	vimm.s32 $0x0;
	v17 =	vld [tilespmem:s29+$0x0];
	v62 =	vperm.xlane v15, v56;
	v63 =	vperm.xlane v13, v56  }
0x265: {  	v50 =	vld [tilespmem:s14+$0x10];
	v46 =	vmul.f32 $1.442695020e+00, v60;
	v52 =	vmul.f32 $1.442695020e+00, v61;
	v43 =	vadd.f32 v45, v4  }
0x266: {  	v55 =	vld [tilespmem:s29+$0x10];
	v61 =	vmul.f32 $1.442695020e+00, v19;
	v15 =	vadd.f32 v15, v62;
	v13 =	vadd.f32 v13, v63  }
0x267: {  	v58 =	vld [tilespmem:s14+$0x20];
	v42 =	vadd.f32 v16, v47;
	v47 =	vmul.f32 $1.442695020e+00, v57;
	v25 =	vadd.f32 v28, v14  }
0x268: {  	v1 =	vld [tilespmem:s29+$0x20];
	v18 =	vsub.f32 $0.0e+00, v43;
	v59 =	vperm.xlane v15, v7;
	v60 =	vperm.xlane v13, v7  }
0x269: {  	v48 =	vld [tilespmem:s29+$0x30];
	(erf) = vpow2.f32 v46;
	v19 =	vsub.f32 $0.0e+00, v42;
	v23 =	vadd.f32 v49, v44  }
0x26a: {  	v8 =	vld [tilespmem:s29+$0x80];
	(erf) = vpow2.f32 v52;
	v15 =	vadd.f32 v59, v15;
	v41 =	vadd.f32 v13, v60  }
0x26b: {  	[tilespmem:s13+$0xFFFFFF00] =	vst v33;
	v44 =	vadd.f32 v17, v0;
	v17 =	vld [tilespmem:s29+$0x70];
	v62 =	vmul.f32 $1.442695020e+00, v18;
	(erf) = vpow2.f32 v61  }
0x26c: {  	v28 =	vadd.f32 v54, v39;
	v0 =	vld [tilespmem:s12+$0xFFFFFE40];
	v59 =	vperm.xlane v15, v6;
	v60 =	vperm.xlane v41, v6  }
0x26d: {  	v18 =	vsub.f32 $0.0e+00, v25;
	v46 =	vmul.f32 $1.442695020e+00, v19;
	v61 =	vld [tilespmem:s14+$0xB0];
	(erf) = vpow2.f32 v47  }
0x26e: {  	[tilespmem:s13+$0x40] =	vst v22;
	v47 =	vld [tilespmem:s14+$0xFFFFFE00];
	(erf) = vpow2.f32 v62;
	v15 =	vadd.f32 v59, v15;
	v14 =	vadd.f32 v41, v60  }
0x26f: {  	[tilespmem:s13+$0x90] =	vst v2;
	v19 =	vsub.f32 $0.0e+00, v28;
	(erf) = vpow2.f32 v46;
	v46 =	vadd.f32 v1, v58;
	v1 =	vld [tilespmem:s12+$0x40]  }
0x270: {  	v3 =	vld [tilespmem:s12+$0xC0];
	v24 =	vadd.f32 v53, v51;
	v13 =	vperm.xlane v15, v38;
	v39 =	vperm.xlane v14, v38  }
0x271: {  	v16 =	vld [tilespmem:s14+$0x30];
	v45 =	vadd.f32 v55, v50;
	v11 =	vmovc v22;
	v49 =	vmul.f32 $1.442695020e+00, v18;
	v53 =	vmul.f32 $1.442695020e+00, v19  }
0x272: {  	v57 =	vld [tilespmem:s14+$0x80];
	v22 =	vadd.f32 v17, v61;
	v61 =	vperm.xlane v11, v10;
	v39 =	vsel vm1, v13, v39  }
0x273: {  	v54 =	vld [tilespmem:s29+$0x40];
	v4 =	vmul.f32 v40, v0;
	v14 =	vsub.f32 $0.0e+00, v24;
	v39 =	vmul.f32 $1.442695020e+00, v39  }
0x274: {  	v51 =	vld [tilespmem:s29+$0x50];
	v41 =	vadd.f32 v12, v47;
	v61 =	vmul.f32 v61, v1;
	v13 =	vsub.f32 $0.0e+00, v23  }
0x275: {  	v55 =	vld [tilespmem:s14+$0x100];
	v15 =	vsub.f32 $0.0e+00, v44;
	v14 =	vmul.f32 $1.442695020e+00, v14;
	(erf) = vpow2.f32 v39  }
0x276: {  	v52 =	vld [tilespmem:s14+$0x90];
	v12 =	vsub.f32 $0.0e+00, v46;
	v19 =	vmul.f32 $1.442695020e+00, v13;
	(erf) = vpow2.f32 v49  }
0x277: {  	[tilespmem:s13+$0xFFFFFF50] =	vst v32;
	v63 =	vld [tilespmem:s29+$0x60];
	v18 =	vsub.f32 $0.0e+00, v45;
	v13 =	vmul.f32 $1.442695020e+00, v15;
	(erf) = vpow2.f32 v53  }
0x278: {  	v62 =	vld [tilespmem:s12+$0xFFFFFEC0];
	v58 =	vsub.f32 $0.0e+00, v41;
	v15 =	vmul.f32 $1.442695020e+00, v12;
	v39 =	vpop (erf);
	(erf) = vpow2.f32 v14  }
0x279: {  	[tilespmem:s13+$0xFFFFFFA0] =	vst v26;
	v59 =	vld [tilespmem:s14+$0xA0];
	v47 =	vadd.f32 v48, v16;
	v14 =	vmul.f32 $1.442695020e+00, v18;
	(erf) = vpow2.f32 v19  }
0x27a: {  	[tilespmem:s13+$0xFFFFFFF0] =	vst v29;
	v48 =	vadd.f32 v54, v57;
	v54 =	vld [tilespmem:s12+$0xFFFFFF40];
	v21 =	vpop (erf);
	(erf) = vpow2.f32 v13;
	v13 =	vmul.f32 $1.442695020e+00, v58  }
0x27b: {  	v57 =	vld [tilespmem:s12+$0xFFFFFFC0];
	v18 =	vsub.f32 $0.0e+00, v47;
	v19 =	vpop (erf);
	(erf) = vpow2.f32 v14;
	v14 =	vperm.xlane v32, v10  }
0x27c: {  	v60 =	vld [tilespmem:s14+$0x110];
	v12 =	vperm.xlane v26, v10;
	v49 =	vadd.f32 v51, v52;
	v58 =	vpop (erf);
	(erf) = vpow2.f32 v13  }
0x27d: {  	v16 =	vld [tilespmem:s29+$0x90];
	v13 =	vmul.f32 $1.442695020e+00, v18;
	v62 =	vmul.f32 v14, v62;
	v14 =	vsub.f32 $0.0e+00, v48  }
0x27e: {  	v40 =	vld [tilespmem:s14+$0x120];
	v50 =	vadd.f32 v63, v59;
	v59 =	vpop (erf);
	(erf) = vpow2.f32 v15;
	v15 =	vperm.xlane v29, v10  }
0x27f: {  	[tilespmem:s13+$0xE0] =	vst v37;
	v63 =	vld [tilespmem:s14+$0x130];
	v9 =	vmul.f32 v12, v54;
	v0 =	vsub.f32 $0.0e+00, v49;
	v53 =	vmul.f32 $1.442695020e+00, v14  }
0x280: {  	v51 =	vld [tilespmem:s29+$0xA0];
	[tilespmem:$0x1FEF0] =	vst v11;
	v18 =	vpop (erf);
	(erf) = vpow2.f32 v13;
	v13 =	vimm.s32 $0x0;
	v12 =	vmul.f32 v15, v57  }
0x281: {  	v17 =	vpop (erf);
	v15 =	vsub.f32 $0.0e+00, v50;
	v14 =	vperm.xlane v2, v13;
	(erf) = vpow2.f32 v53;
	v53 =	vld [tilespmem:s12+$0x140]  }
0x282: {  	v20 =	vadd.f32 v16, v60;
	v52 =	vadd.f32 v8, v55;
	v0 =	vmul.f32 $1.442695020e+00, v0;
	v60 =	vpop (erf)  }
0x283: {  	s15 =	sadd.s32 $0x280, s13;
	v55 =	vld [tilespmem:s29+$0xB0];
	[tilespmem:s13+$0xFFFFFEC0] =	vst v4;
	v4 =	vsub.f32 $0.0e+00, v22;
	v57 =	vpop (erf);
	v1 =	vmul.f32 $1.442695020e+00, v15;
	v10 =	vmul.f32 v14, v3  }
0x284: {  	v8 =	vld [tilespmem:s12+$0xFFFFFE50];
	[tilespmem:s15+$0x130] =	vst v57;
	v15 =	vperm.xlane v37, v13;
	(erf) = vpow2.f32 v0;
	v0 =	vsub.f32 $0.0e+00, v52  }
0x285: {  	[tilespmem:s13+$0x0] =	vst v61;
	v51 =	vadd.f32 v51, v40;
	(erf) = vpow2.f32 v1;
	v1 =	vmul.f32 $1.442695020e+00, v4;
	v4 =	vld [tilespmem:s14+$0x1C0]  }
0x286: {  	v7 =	vmovc v2;
	[tilespmem:s13+$0xFFFFFF60] =	vst v9;
	v2 =	vimm.s32 $0x1;
	v0 =	vmul.f32 $1.442695020e+00, v0;
	v40 =	vmul.f32 v15, v53  }
0x287: {  	v16 =	vsub.f32 $0.0e+00, v20;
	[tilespmem:s13+$0xFFFFFF10] =	vst v62;
	v53 =	vpop (erf);
	(erf) = vpow2.f32 v1;
	v1 =	vperm.xlane v33, v2  }
0x288: {  	[tilespmem:s13+$0xFFFFFFB0] =	vst v12;
	v62 =	vpop (erf);
	(erf) = vpow2.f32 v0;
	v0 =	vperm.xlane v57, v13  }
0x289: {  	v55 =	vadd.f32 v55, v63;
	v63 =	vld [tilespmem:s12+$0xFFFFFED0];
	v3 =	vsub.f32 $0.0e+00, v51;
	[tilespmem:s13+$0x50] =	vst v10;
	v6 =	vmul.f32 v1, v8  }
0x28a: {  	v8 =	vmul.f32 $1.442695020e+00, v16;
	v9 =	vmul.f32 v0, v4;
	v0 =	vld [tilespmem:$0x1FE30]  }
0x28b: {  	v61 =	vld [tilespmem:s12+$0xFFFFFFD0];
	v3 =	vmul.f32 $1.442695020e+00, v3;
	v16 =	vpop (erf);
	v4 =	vsub.f32 $0.0e+00, v55  }
0x28c: {  	v54 =	vld [tilespmem:s12+$0xFFFFFF50];
	v14 =	vpop (erf);
	(erf) = vpow2.f32 v8;
	v8 =	vperm.xlane v32, v2  }
0x28d: {  	v1 =	vld [tilespmem:s12+$0x50];
	v13 =	vpop (erf);
	(erf) = vpow2.f32 v3;
	v3 =	vmul.f32 $1.442695020e+00, v4  }
0x28e: {  	v10 =	vperm.xlane v29, v2;
	v15 =	vpop (erf);
	v8 =	vmul.f32 v8, v63  }
0x28f: {  	v63 =	vperm.xlane v26, v2;
	(erf) = vpow2.f32 v3;
	v3 =	vadd.f32 $1.000000000e+00, v0;
	v0 =	vpop (erf)  }
0x290: {  	v12 =	vperm.xlane v11, v2;
	[tilespmem:s13+$0xA0] =	vst v40;
	v4 =	vmul.f32 v10, v61;
	v0 =	vadd.f32 $1.000000000e+00, v0  }
0x291: {  	v61 =	vld [tilespmem:s12+$0x150];
	v54 =	vmul.f32 v63, v54;
	(erf) = vrcp.f32 v3  }
0x292: {  	v63 =	vld [tilespmem:s12+$0xD0];
	(erf) = vrcp.f32 v0;
	v0 =	vmul.f32 v12, v1  }
0x293: {  	v3 =	vld [tilespmem:$0x1FE40];
	[tilespmem:s15+$0xF0] =	vst v9  }
0x294: {  	[tilespmem:$0x1FF00] =	vst v0;
	v0 =	vld [tilespmem:$0x1FE50];
	_ =	sdelay $0x3  }
0x295: {  	v10 =	vadd.f32 $1.000000000e+00, v3  }
0x296: {  	v0 =	vadd.f32 $1.000000000e+00, v0  }
0x297: {  	v12 =	vpop (erf);
	v1 =	vadd.f32 $1.000000000e+00, v39;
	[tilespmem:s13+$0xFFFFFED0] =	vst v6;
	(erf) = vrcp.f32 v10;
	v10 =	vperm.xlane v7, v2  }
0x298: {  	v39 =	vpop (erf);
	v3 =	vld [tilespmem:s12+$0xFFFFFE60];
	(erf) = vrcp.f32 v0;
	v0 =	vperm.xlane v37, v2  }
0x299: {  	v9 =	vpop (erf);
	v11 =	vld [tilespmem:s14+$0x1D0];
	v2 =	vimm.s32 $0x1;
	(erf) = vrcp.f32 v1;
	v1 =	vadd.f32 $1.000000000e+00, v21  }
0x29a: {  	v21 =	vperm.xlane v57, v2;
	v2 =	vimm.s32 $0x2  }
0x29b: {  	[tilespmem:s13+$0xFFFFFF20] =	vst v8;
	v8 =	vadd.f32 $1.000000000e+00, v19;
	v19 =	vpop (erf);
	(erf) = vrcp.f32 v1;
	v1 =	vperm.xlane v33, v2  }
0x29c: {  	[tilespmem:s13+$0xFFFFFF70] =	vst v54;
	v63 =	vmul.f32 v10, v63;
	v10 =	vld [tilespmem:s12+$0xFFFFFEE0]  }
0x29d: {  	v40 =	vmov v7;
	[tilespmem:s13+$0xFFFFFFC0] =	vst v4;
	v4 =	vld [tilespmem:s12+$0xFFFFFF60];
	v7 =	vmul.f32 v0, v61;
	v0 =	vmul.f32 v1, v3  }
0x29e: {  	v54 =	vpop (erf);
	v11 =	vmul.f32 v21, v11;
	(erf) = vrcp.f32 v8;
	v8 =	vadd.f32 $1.000000000e+00, v58;
	v58 =	vld [tilespmem:s12+$0xFFFFFFE0]  }
0x29f: {  	v21 =	vpop (erf);
	v3 =	vperm.xlane v32, v2;
	[tilespmem:$0x1FF90] =	vst v0  }
0x2a0: {  	v61 =	vpop (erf);
	(erf) = vrcp.f32 v8;
	v8 =	vadd.f32 $1.000000000e+00, v59;
	v0 =	vperm.xlane v26, v2;
	[tilespmem:s15+$0x100] =	vst v11  }
0x2a1: {  	v59 =	vpop (erf);
	v3 =	vmul.f32 v3, v10;
	v10 =	vadd.f32 $1.000000000e+00, v18;
	v11 =	vperm.xlane v29, v2;
	v2 =	vld [tilespmem:$0x1FE60]  }
0x2a2: {  	v18 =	vpop (erf);
	(erf) = vrcp.f32 v8;
	v8 =	vmul.f32 v0, v4;
	v0 =	vadd.f32 $1.000000000e+00, v17  }
0x2a3: {  	(erf) = vrcp.f32 v10;
	v10 =	vmul.f32 v11, v58;
	v11 =	vadd.f32 $1.000000000e+00, v60  }
0x2a4: {  	v4 =	vld [tilespmem:s14+$0x1E0];
	v17 =	vpop (erf);
	(erf) = vrcp.f32 v0  }
0x2a5: {  	v1 =	vimm.s32 $0x2;
	v60 =	vpop (erf);
	v0 =	vadd.f32 $1.000000000e+00, v53;
	(erf) = vrcp.f32 v11  }
0x2a6: {  	v53 =	vpop (erf);
	v11 =	vadd.f32 $1.000000000e+00, v62;
	v58 =	vmul.f32 v60, v2;
	v60 =	vperm.xlane v57, v1;
	v2 =	vld [tilespmem:$0x1FE70]  }
0x2a7: {  	v62 =	vpop (erf);
	(erf) = vrcp.f32 v0  }
0x2a8: {  	v6 =	vld [tilespmem:$0x1FE80];
	v0 =	vadd.f32 $1.000000000e+00, v16;
	(erf) = vrcp.f32 v11;
	v11 =	vadd.f32 $1.000000000e+00, v14  }
0x2a9: {  	v53 =	vmul.f32 v53, v41;
	v41 =	vpop (erf);
	v4 =	vmul.f32 v60, v4  }
0x2aa: {  	(erf) = vrcp.f32 v0;
	v0 =	vadd.f32 $1.000000000e+00, v13;
	v60 =	vpop (erf)  }
0x2ab: {  	(erf) = vrcp.f32 v11;
	[tilespmem:s15+$0x110] =	vst v4;
	v4 =	vadd.f32 $1.000000000e+00, v15;
	v2 =	vmul.f32 v62, v2;
	v62 =	vpop (erf)  }
0x2ac: {  	(erf) = vrcp.f32 v0;
	v0 =	vadd.f32 $1.000000000e+00, v12;
	v11 =	vpop (erf)  }
0x2ad: {  	v16 =	vmul.f32 v41, v6;
	v41 =	vpop (erf);
	(erf) = vrcp.f32 v4;
	v4 =	vadd.f32 $1.000000000e+00, v39  }
0x2ae: {  	v14 =	vmul.f32 v60, v36;
	v60 =	vpop (erf);
	(erf) = vrcp.f32 v0;
	v0 =	vadd.f32 $1.000000000e+00, v9  }
0x2af: {  	v13 =	vmul.f32 v62, v34;
	v62 =	vpop (erf);
	(erf) = vrcp.f32 v4;
	v4 =	vadd.f32 $1.000000000e+00, v19  }
0x2b0: {  	v36 =	vpop (erf);
	(erf) = vrcp.f32 v0;
	v0 =	vadd.f32 $1.000000000e+00, v54  }
0x2b1: {  	v15 =	vmul.f32 v41, v30;
	v30 =	vpop (erf);
	(erf) = vrcp.f32 v4;
	v4 =	vadd.f32 $1.000000000e+00, v21  }
0x2b2: {  	v39 =	vpop (erf);
	(erf) = vrcp.f32 v0;
	v0 =	vadd.f32 $1.000000000e+00, v61  }
0x2b3: {  	v12 =	vld [tilespmem:s14+$0x1F0];
	v21 =	vmul.f32 v60, v27;
	v27 =	vpop (erf);
	(erf) = vrcp.f32 v4;
	v4 =	vadd.f32 $1.000000000e+00, v59  }
0x2b4: {  	v41 =	vpop (erf);
	(erf) = vrcp.f32 v0;
	v0 =	vadd.f32 $1.000000000e+00, v18  }
0x2b5: {  	v11 =	vmul.f32 v11, v35;
	v9 =	vimm.s32 $0x3  }
0x2b6: {  	v9 =	vperm.xlane v57, v9;
	v19 =	vmul.f32 v36, v43;
	v43 =	vpop (erf)  }
0x2b7: {  	v31 =	vmul.f32 v62, v31;
	(erf) = vrcp.f32 v4;
	v4 =	vpop (erf)  }
0x2b8: {  	v17 =	vadd.f32 $1.000000000e+00, v17;
	v9 =	vmul.f32 v9, v12;
	(erf) = vrcp.f32 v0;
	v0 =	vpop (erf)  }
0x2b9: {  	v30 =	vmul.f32 v30, v42;
	v12 =	vmul.f32 v39, v25;
	v54 =	vpop (erf)  }
0x2ba: {  	(erf) = vrcp.f32 v17;
	v17 =	vmul.f32 v54, v46;
	v54 =	vld [tilespmem:$0x1FE90]  }
0x2bb: {  	v25 =	vmul.f32 v27, v28;
	v18 =	vmul.f32 v43, v23;
	v23 =	vpop (erf)  }
0x2bc: {  	v24 =	vmul.f32 v41, v24;
	v4 =	vmul.f32 v4, v44;
	v27 =	vpop (erf)  }
0x2bd: {  	v0 =	vmul.f32 v0, v45;
	v23 =	vmul.f32 v23, v47;
	v28 =	vpop (erf)  }
0x2be: {  	v47 =	vld [tilespmem:$0x1FEC0];
	v27 =	vmul.f32 v27, v48;
	v28 =	vmul.f32 v28, v49;
	v57 =	vpop (erf)  }
0x2bf: {  	v34 =	vmul.f32 v57, v50;
	v59 =	vpop (erf);
	v35 =	vmul.f32 v53, v54  }
0x2c0: {  	v48 =	vld [tilespmem:$0x1FEA0];
	v22 =	vmul.f32 v59, v22;
	v14 =	vmul.f32 v14, v54  }
0x2c1: {  	v21 =	vmul.f32 v21, v54;
	v12 =	vmul.f32 v12, v54  }
0x2c2: {  	v61 =	vpop (erf);
	v4 =	vmul.f32 v4, v54;
	v27 =	vmul.f32 v27, v54  }
0x2c3: {  	v36 =	vmul.f32 v61, v52;
	v16 =	vmul.f32 v16, v47  }
0x2c4: {  	v15 =	vmul.f32 v15, v47;
	v30 =	vmul.f32 v30, v47  }
0x2c5: {  	v49 =	vld [tilespmem:$0x1FEB0];
	v50 =	vpop (erf);
	v18 =	vmul.f32 v18, v47;
	v60 =	vmul.f32 v58, v48  }
0x2c6: {  	v20 =	vmul.f32 v50, v20;
	v57 =	vperm.xlane v35, v5  }
0x2c7: {  	v13 =	vmul.f32 v13, v48;
	v61 =	vperm.xlane v14, v5  }
0x2c8: {  	v31 =	vmul.f32 v31, v48;
	v25 =	vmul.f32 v25, v48  }
0x2c9: {  	v52 =	vpop (erf);
	v0 =	vmul.f32 v0, v48;
	v22 =	vmul.f32 v22, v47  }
0x2ca: {  	v62 =	vmul.f32 v2, v49;
	v43 =	vmul.f32 v52, v51  }
0x2cb: {  	v11 =	vmul.f32 v11, v49;
	v50 =	vperm.xlane v15, v5  }
0x2cc: {  	v19 =	vmul.f32 v19, v49;
	v51 =	vperm.xlane v21, v5  }
0x2cd: {  	v53 =	vpop (erf);
	v24 =	vmul.f32 v24, v49;
	v17 =	vmul.f32 v17, v49  }
0x2ce: {  	v45 =	vmul.f32 v36, v54;
	v44 =	vmul.f32 v53, v55  }
0x2cf: {  	v58 =	vperm.xlane v60, v5;
	v52 =	vperm.xlane v31, v5  }
0x2d0: {  	v35 =	vadd.f32 v35, v57;
	v55 =	vperm.xlane v30, v5;
	v57 =	vperm.xlane v12, v5  }
0x2d1: {  	v14 =	vadd.f32 v14, v61;
	v61 =	vperm.xlane v4, v5;
	v20 =	vmul.f32 v20, v48  }
0x2d2: {  	v59 =	vperm.xlane v62, v5;
	v41 =	vperm.xlane v11, v5  }
0x2d3: {  	v15 =	vadd.f32 v15, v50;
	v21 =	vadd.f32 v21, v51;
	v53 =	vperm.xlane v19, v5  }
0x2d4: {  	v46 =	vmul.f32 v43, v49;
	v39 =	vadd.f32 v60, v58;
	v31 =	vadd.f32 v31, v52  }
0x2d5: {  	v60 =	vperm.xlane v16, v5;
	v30 =	vadd.f32 v30, v55;
	v12 =	vadd.f32 v12, v57  }
0x2d6: {  	v58 =	vperm.xlane v25, v5;
	v4 =	vadd.f32 v4, v61;
	v42 =	vadd.f32 v62, v59  }
0x2d7: {  	v62 =	vperm.xlane v13, v5;
	v11 =	vadd.f32 v11, v41;
	v19 =	vadd.f32 v19, v53  }
0x2d8: {  	v59 =	vperm.xlane v24, v5;
	v16 =	vadd.f32 v16, v60;
	v35 =	vsel vm0, v35, v39  }
0x2d9: {  	v25 =	vadd.f32 v25, v58;
	v60 =	vperm.xlane v18, v5;
	v39 =	vmul.f32 v23, v47  }
0x2da: {  	v23 =	vperm.xlane v17, v5;
	v21 =	vsel vm0, v21, v31;
	v47 =	vmul.f32 v44, v47  }
0x2db: {  	v13 =	vadd.f32 v13, v62;
	v24 =	vadd.f32 v24, v59;
	v62 =	vperm.xlane v0, v5  }
0x2dc: {  	v11 =	vsel vm0, v11, v15;
	v19 =	vsel vm0, v19, v30;
	v30 =	vperm.xlane v45, v5  }
0x2dd: {  	v16 =	vsel vm0, v42, v16;
	v18 =	vadd.f32 v18, v60;
	v41 =	vperm.xlane v39, v5  }
0x2de: {  	v17 =	vadd.f32 v17, v23;
	v23 =	vmul.f32 v28, v48;
	v28 =	vmul.f32 v34, v49  }
0x2df: {  	v2 =	vld [tilespmem:$0x1FED0];
	v42 =	vperm.xlane v27, v5;
	v12 =	vsel vm0, v12, v25;
	v25 =	vperm.xlane v47, v5  }
0x2e0: {  	v13 =	vsel vm0, v14, v13;
	v0 =	vadd.f32 v0, v62;
	v14 =	vadd.f32 v39, v41  }
0x2e1: {  	v31 =	vperm.xlane v23, v5;
	v15 =	vadd.f32 v27, v42;
	v27 =	vperm.xlane v28, v5  }
0x2e2: {  	v18 =	vsel vm0, v24, v18;
	v25 =	vadd.f32 v47, v25;
	v0 =	vsel vm0, v4, v0  }
0x2e3: {  	v4 =	vimm.s32 $0x3;
	v23 =	vadd.f32 v23, v31;
	v31 =	vperm.xlane v22, v5  }
0x2e4: {  	v27 =	vadd.f32 v28, v27;
	v28 =	vperm.xlane v20, v5;
	v39 =	vperm.xlane v2, v4  }
0x2e5: {  	v4 =	vimm.s32 $0x3;
	v22 =	vadd.f32 v22, v31;
	v31 =	vperm.xlane v46, v5;
	v5 =	vld [tilespmem:$0x1FEE0]  }
0x2e6: {  	v20 =	vadd.f32 v20, v28;
	v15 =	vsel vm0, v15, v23;
	v23 =	vperm.xlane v16, v56  }
0x2e7: {  	v28 =	vperm.xlane v21, v56;
	v24 =	vadd.f32 v46, v31;
	v49 =	vsel vm0, v27, v22  }
0x2e8: {  	v22 =	vperm.xlane v35, v56;
	v27 =	vperm.xlane v11, v56;
	v16 =	vadd.f32 v16, v23  }
0x2e9: {  	v23 =	vperm.xlane v19, v56;
	v24 =	vsel vm0, v24, v25;
	v25 =	vperm.xlane v13, v56  }
0x2ea: {  	v54 =	vld [tilespmem:$0x1FFF0];
	v21 =	vadd.f32 v21, v28;
	v22 =	vadd.f32 v35, v22;
	v36 =	vperm.xlane v5, v4  }
0x2eb: {  	v4 =	vsel vm0, v17, v14;
	v13 =	vadd.f32 v13, v25;
	v25 =	vperm.xlane v12, v56  }
0x2ec: {  	v11 =	vadd.f32 v11, v27;
	v19 =	vadd.f32 v19, v23;
	v23 =	vperm.xlane v4, v56  }
0x2ed: {  	v27 =	vperm.xlane v18, v56;
	v12 =	vadd.f32 v12, v25;
	v25 =	vperm.xlane v15, v56  }
0x2ee: {  	v28 =	vperm.xlane v0, v56;
	v4 =	vadd.f32 v4, v23;
	v23 =	vperm.xlane v24, v56  }
0x2ef: {  	v18 =	vadd.f32 v18, v27;
	v15 =	vadd.f32 v15, v25;
	v25 =	vperm.xlane v22, v54  }
0x2f0: {  	v6 =	vld [tilespmem:$0x1FEF0];
	v27 =	vperm.xlane v49, v56;
	v23 =	vadd.f32 v24, v23;
	v24 =	vperm.xlane v11, v54  }
0x2f1: {  	v0 =	vadd.f32 v0, v28;
	v22 =	vadd.f32 v25, v22;
	v25 =	vperm.xlane v21, v54  }
0x2f2: {  	v17 =	vadd.f32 v49, v27;
	v11 =	vadd.f32 v11, v24;
	v24 =	vperm.xlane v18, v54  }
0x2f3: {  	v21 =	vadd.f32 v25, v21;
	v25 =	vperm.xlane v0, v54  }
0x2f4: {  	v18 =	vadd.f32 v18, v24;
	v24 =	vperm.xlane v17, v54  }
0x2f5: {  	v48 =	vperm.xlane v6, v1;
	v0 =	vadd.f32 v25, v0  }
0x2f6: {  	v25 =	vperm.xlane v40, v1;
	v17 =	vadd.f32 v17, v24;
	v24 =	vperm.xlane v37, v1;
	v1 =	vld [tilespmem:$0x1FF00];
	_ =	sdelay $0x4  }
0x2f7: {  	v60 =	vld [tilespmem:$0x1FFE0];
	[tilespmem:s13+$0x10] =	vst v1  }
0x2f8: {  	v2 =	vld [tilespmem:$0x1FF10];
	_ =	sdelay $0x4  }
0x2f9: {  	[tilespmem:s13+$0x120] =	vst v2  }
0x2fa: {  	v2 =	vld [tilespmem:$0x1FF20];
	_ =	sdelay $0x3  }
0x2fb: {  	[tilespmem:s13+$0x60] =	vst v63  }
0x2fc: {  	[tilespmem:s11+$0x70] =	vst v2  }
0x2fd: {  	v2 =	vld [tilespmem:$0x1FF30];
	_ =	sdelay $0x4  }
0x2fe: {  	[tilespmem:s11+$0xC0] =	vst v2  }
0x2ff: {  	v2 =	vld [tilespmem:$0x1FF40]  }
0x300: {  	v30 =	vadd.f32 v45, v30;
	_ =	sdelay $0x1  }
0x301: {  	v20 =	vsel vm0, v30, v20  }
0x302: {  	v28 =	vperm.xlane v20, v56  }
0x303: {  	v27 =	vperm.xlane v16, v54;
	[tilespmem:s11+$0xFFFFFEF0] =	vst v2  }
0x304: {  	v20 =	vadd.f32 v20, v28;
	v28 =	vperm.xlane v13, v54;
	v2 =	vld [tilespmem:$0x1FF50]  }
0x305: {  	v16 =	vadd.f32 v16, v27;
	v27 =	vperm.xlane v19, v54  }
0x306: {  	v5 =	vimm.s32 $0x3;
	v13 =	vadd.f32 v28, v13;
	v28 =	vperm.xlane v12, v54  }
0x307: {  	v30 =	vperm.xlane v33, v5;
	v19 =	vadd.f32 v19, v27;
	v27 =	vperm.xlane v4, v54  }
0x308: {  	v5 =	vimm.s32 $0x3;
	v12 =	vadd.f32 v28, v12;
	v28 =	vperm.xlane v15, v54  }
0x309: {  	v33 =	vperm.xlane v32, v5;
	v4 =	vadd.f32 v4, v27;
	v27 =	vperm.xlane v20, v54;
	[tilespmem:s11+$0xFFFFFF40] =	vst v2  }
0x30a: {  	v5 =	vimm.s32 $0x3;
	v15 =	vadd.f32 v28, v15;
	v28 =	vperm.xlane v22, v60;
	v2 =	vld [tilespmem:$0x1FF60]  }
0x30b: {  	v35 =	vperm.xlane v26, v5;
	v20 =	vadd.f32 v27, v20  }
0x30c: {  	v27 =	vperm.xlane v16, v60;
	v22 =	vadd.f32 v28, v22;
	v28 =	vperm.xlane v13, v60  }
0x30d: {  	v5 =	vimm.s32 $0x3;
	v26 =	vperm.xlane v21, v60;
	v51 =	vperm.xlane v18, v60  }
0x30e: {  	v52 =	vperm.xlane v4, v60;
	v53 =	vperm.xlane v15, v60;
	v16 =	vadd.f32 v16, v27  }
0x30f: {  	v27 =	vperm.xlane v11, v60;
	v13 =	vadd.f32 v28, v13;
	v28 =	vperm.xlane v29, v5;
	[tilespmem:s11+$0xFFFFFF90] =	vst v2  }
0x310: {  	v21 =	vadd.f32 v26, v21;
	v22 =	vperm.xlane v22, v38;
	v26 =	vperm.xlane v23, v54;
	v2 =	vld [tilespmem:$0x1FF70]  }
0x311: {  	v4 =	vadd.f32 v4, v52;
	v55 =	vperm.xlane v17, v60;
	v59 =	vperm.xlane v20, v60  }
0x312: {  	v11 =	vadd.f32 v11, v27;
	v27 =	vperm.xlane v19, v60;
	v16 =	vperm.xlane v16, v38  }
0x313: {  	v13 =	vperm.xlane v13, v38;
	v21 =	vperm.xlane v21, v38  }
0x314: {  	v23 =	vadd.f32 v23, v26;
	v4 =	vperm.xlane v4, v38;
	v11 =	vperm.xlane v11, v38;
	[tilespmem:s13+$0xB0] =	vst v7  }
0x315: {  	v19 =	vadd.f32 v19, v27;
	v16 =	vsel vm1, v22, v16;
	v22 =	vperm.xlane v12, v60;
	[tilespmem:s11+$0xFFFFFFE0] =	vst v2  }
0x316: {  	v62 =	vperm.xlane v23, v60;
	v16 =	vmul.f32 $1.442695020e+00, v16;
	v11 =	vsel vm1, v13, v11;
	v2 =	vld [tilespmem:$0x1FF80]  }
0x317: {  	v19 =	vperm.xlane v19, v38;
	v11 =	vmul.f32 $1.442695020e+00, v11  }
0x318: {  	v12 =	vadd.f32 v22, v12;
	(erf) = vpow2.f32 v16;
	v16 =	vadd.f32 v18, v51  }
0x319: {  	v14 =	vadd.f32 v17, v55;
	(erf) = vpow2.f32 v11;
	v11 =	vperm.xlane v0, v60  }
0x31a: {  	v50 =	vld [tilespmem:s12+$0x60];
	v12 =	vperm.xlane v12, v38;
	v57 =	vperm.xlane v16, v38  }
0x31b: {  	v14 =	vperm.xlane v14, v38;
	v19 =	vsel vm1, v21, v19;
	v21 =	vld [tilespmem:s12+$0xE0];
	v0 =	vadd.f32 v11, v0;
	[tilespmem:s11+$0x30] =	vst v2  }
0x31c: {  	v13 =	vadd.f32 v53, v15;
	v19 =	vmul.f32 $1.442695020e+00, v19;
	v12 =	vsel vm1, v12, v57;
	v1 =	vld [tilespmem:$0x1FF90]  }
0x31d: {  	v12 =	vmul.f32 $1.442695020e+00, v12;
	v0 =	vperm.xlane v0, v38  }
0x31e: {  	v13 =	vperm.xlane v13, v38;
	(erf) = vpow2.f32 v19;
	v22 =	vld [tilespmem:s28+$0xF0];
	[tilespmem:s13+$0xFFFFFF30] =	vst v3  }
0x31f: {  	v11 =	vmul.f32 v48, v50;
	(erf) = vpow2.f32 v12;
	v0 =	vsel vm1, v0, v4;
	v61 =	vld [tilespmem:s12+$0x160];
	[tilespmem:s13+$0xFFFFFF80] =	vst v8  }
0x320: {  	v58 =	vmul.f32 v25, v21;
	v0 =	vmul.f32 $1.442695020e+00, v0;
	v25 =	vld [tilespmem:s28+$0x170];
	[tilespmem:s13+$0xFFFFFFD0] =	vst v10  }
0x321: {  	v4 =	vsel vm1, v13, v14;
	v3 =	vadd.f32 v23, v62;
	v34 =	vld [tilespmem:s12+$0xFFFFFEF0];
	[tilespmem:s13+$0xFFFFFEE0] =	vst v1;
	v1 =	vadd.f32 v59, v20  }
0x322: {  	v4 =	vmul.f32 $1.442695020e+00, v4;
	(erf) = vpow2.f32 v0;
	[tilespmem:s15+$0x120] =	vst v9;
	v31 =	vld [tilespmem:s12+$0xFFFFFF70]  }
0x323: {  	s17 =	smul.u32 $0x6400, s10;
	[tilespmem:s13+$0x20] =	vst v11;
	v32 =	vld [tilespmem:s12+$0xFFFFFFF0];
	v3 =	vperm.xlane v3, v38;
	v1 =	vperm.xlane v1, v38  }
0x324: {  	v63 =	vimm.s32 $0x3;
	(erf) = vpow2.f32 v4;
	v9 =	vmul.f32 v24, v61;
	[tilespmem:s13+$0x70] =	vst v58;
	v4 =	vld [tilespmem:s12+$0x70]  }
0x325: {  	s16 =	sshrl.u32 s17, $0x2;
	v23 =	vperm.xlane v6, v63;
	v0 =	vld [tilespmem:s12+$0xF0];
	v1 =	vsel vm1, v1, v3;
	v3 =	vperm.xlane v37, v63  }
0x326: {  	s17 =	sadd.s32 $0x400, s14;
	s28 =	sadd.s32 $0x7A20, s16;
	s16 =	simm.s32 $0x10;
	v62 =	vmov v56;
	[tilespmem:s13+$0xC0] =	vst v9;
	v5 =	vld [tilespmem:s12+$0xFFFFFE70];
	v8 =	vmul.f32 $1.442695020e+00, v1;
	v1 =	vperm.xlane v40, v63  }
.LBB2_5:
0x327: {  	v17 =	vpop (erf)  }
0x328: {  	v21 =	vimm.s32 $0x0;
	v19 =	vpop (erf)  }
0x329: {  	v6 =	vperm.xlane v19, v21;
	_ =	sdelay $0x1  }
0x32a: {  	(erf) = vpow2.f32 v8;
	v8 =	vmul.f32 v30, v5;
	v5 =	vmov v1;
	[tilespmem:$0x1FAE0] =	vst v6  }
0x32b: {  	v1 =	vmov v3;
	[tilespmem:$0x1FCC0] =	vst v5  }
0x32c: {  	v2 =	vmov v0;
	[tilespmem:$0x1FC80] =	vst v1  }
0x32d: {  	v11 =	vmul.f32 v33, v34;
	[tilespmem:$0x1FCD0] =	vst v2  }
0x32e: {  	[tilespmem:s13+$0xFFFFFEF0] =	vst v8  }
0x32f: {  	v15 =	vmul.f32 v39, v22;
	v22 =	vimm.s32 $0x1;
	v5 =	vperm.xlane v17, v21;
	[tilespmem:s13+$0xFFFFFF40] =	vst v11  }
0x330: {  	v3 =	vperm.xlane v17, v22;
	[tilespmem:s15+$0xFFFFFF00] =	vst v17  }
0x331: {  	[tilespmem:$0x1FAD0] =	vst v5  }
0x332: {  	v6 =	vperm.xlane v19, v22;
	[tilespmem:$0x1FB20] =	vst v3  }
0x333: {  	[tilespmem:s15+$0xFFFFFF50] =	vst v19  }
0x334: {  	v9 =	vld [tilespmem:s17+$0x180];
	[tilespmem:$0x1FB30] =	vst v6;
	v8 =	vpop (erf)  }
0x335: {  	s29 =	sadd.s32 $0x200, s29;
	v13 =	vld [tilespmem:s17+$0x190];
	v12 =	vmul.f32 v35, v31;
	[tilespmem:s15+$0xFFFFFFA0] =	vst v8;
	v1 =	vpop (erf)  }
0x336: {  	v10 =	vld [tilespmem:s29+$0xC0];
	v26 =	vperm.xlane v8, v22;
	[tilespmem:s15+$0xFFFFFFF0] =	vst v1  }
0x337: {  	v16 =	vld [tilespmem:s29+$0xD0];
	[tilespmem:s13+$0xFFFFFF90] =	vst v12  }
0x338: {  	v20 =	vld [tilespmem:s29+$0xE0];
	v14 =	vmul.f32 v28, v32;
	v0 =	vpop (erf);
	[tilespmem:$0x1FB40] =	vst v26  }
0x339: {  	v24 =	vld [tilespmem:s29+$0xF0];
	v3 =	vperm.xlane v1, v21;
	[tilespmem:s15+$0x40] =	vst v0  }
0x33a: {  	v4 =	vmul.f32 v23, v4;
	v23 =	vld [tilespmem:s17+$0x1B0];
	v7 =	vperm.xlane v1, v22;
	[tilespmem:s13+$0xFFFFFFE0] =	vst v14  }
0x33b: {  	v30 =	vld [tilespmem:$0x1FE90];
	[tilespmem:$0x1FB00] =	vst v3  }
0x33c: {  	v11 =	vld [tilespmem:s17+$0x1A0];
	v2 =	vpop (erf);
	[tilespmem:$0x1FB50] =	vst v7  }
0x33d: {  	v37 =	vld [tilespmem:s17+$0xFFFFFE20];
	[tilespmem:s15+$0x90] =	vst v2  }
0x33e: {  	v18 =	vmul.f32 v36, v25;
	v39 =	vld [tilespmem:s29+$0xFFFFFF20];
	[tilespmem:$0x1FD40] =	vst v2  }
0x33f: {  	v25 =	vld [tilespmem:s17+$0xFFFFFE10];
	v58 =	vperm.xlane v2, v21;
	v6 =	vperm.xlane v2, v22;
	v5 =	vmov v2;
	v2 =	vpop (erf);
	[tilespmem:s13+$0x30] =	vst v4  }
0x340: {  	v41 =	vld [tilespmem:s17+$0xFFFFFE80];
	v3 =	vperm.xlane v0, v22;
	[tilespmem:s15+$0xE0] =	vst v2  }
0x341: {  	v42 =	vld [tilespmem:s29+$0xFFFFFF40];
	[tilespmem:$0x1FB70] =	vst v6;
	v6 =	vperm.xlane v2, v21  }
0x342: {  	v40 =	vld [tilespmem:s17+$0xFFFFFE30];
	[tilespmem:$0x1FB60] =	vst v3;
	v3 =	vadd.f32 v10, v9  }
0x343: {  	v29 =	vimm.s32 $0x2;
	v44 =	vld [tilespmem:s17+$0xFFFFFE90];
	v7 =	vadd.f32 v39, v37;
	[tilespmem:$0x1FB10] =	vst v6;
	v6 =	vperm.xlane v2, v22  }
0x344: {  	v26 =	vld [tilespmem:s29+$0xFFFFFF10];
	[tilespmem:$0x1FD50] =	vst v2;
	v5 =	vperm.xlane v5, v29;
	v9 =	vadd.f32 v16, v13;
	v38 =	vsub.f32 $0.0e+00, v3  }
0x345: {  	v45 =	vld [tilespmem:s29+$0xFFFFFF50];
	v10 =	vadd.f32 v20, v11;
	v11 =	vadd.f32 v24, v23;
	[tilespmem:$0x1FB90] =	vst v6;
	v6 =	vperm.xlane v17, v29  }
0x346: {  	v47 =	vld [tilespmem:s29+$0xFFFFFF60];
	[tilespmem:$0x1FD20] =	vst v5;
	v5 =	vadd.f32 v42, v41;
	v20 =	vsub.f32 $0.0e+00, v9;
	v16 =	vmul.f32 $1.442695020e+00, v38  }
0x347: {  	v48 =	vld [tilespmem:s17+$0xFFFFFEB0];
	v23 =	vsub.f32 $0.0e+00, v10;
	v2 =	vperm.xlane v2, v29;
	[tilespmem:$0x1FBA0] =	vst v6;
	v6 =	vperm.xlane v19, v29  }
0x348: {  	v49 =	vld [tilespmem:s29+$0xFFFFFF70];
	[tilespmem:$0x1FBE0] =	vst v7;
	v24 =	vsub.f32 $0.0e+00, v11;
	v20 =	vmul.f32 $1.442695020e+00, v20;
	(erf) = vpow2.f32 v16  }
0x349: {  	v51 =	vld [tilespmem:s17+$0xFFFFFF00];
	v32 =	vadd.f32 v26, v25;
	v23 =	vmul.f32 $1.442695020e+00, v23;
	[tilespmem:$0x1FBB0] =	vst v6;
	v6 =	vperm.xlane v8, v29  }
0x34a: {  	v4 =	vld [tilespmem:s29+$0xFFFFFF30];
	[tilespmem:$0x1FC00] =	vst v5;
	v43 =	vmul.f32 $1.442695020e+00, v24;
	(erf) = vpow2.f32 v20  }
0x34b: {  	v52 =	vld [tilespmem:s29+$0xFFFFFF80];
	v20 =	vsub.f32 $0.0e+00, v32;
	(erf) = vpow2.f32 v23;
	[tilespmem:$0x1FBC0] =	vst v6;
	v6 =	vperm.xlane v1, v29  }
0x34c: {  	v59 =	vld [tilespmem:s17+$0xFFFFFF20];
	[tilespmem:$0x1FD30] =	vst v2;
	v2 =	vperm.xlane v17, v63;
	(erf) = vpow2.f32 v43  }
0x34d: {  	v36 =	vld [tilespmem:s17+$0xFFFFFF30];
	v46 =	vmul.f32 $1.442695020e+00, v20;
	v20 =	vsub.f32 $0.0e+00, v7;
	[tilespmem:$0x1FBD0] =	vst v6;
	v6 =	vperm.xlane v0, v29  }
0x34e: {  	v50 =	vsub.f32 $0.0e+00, v5;
	v5 =	vadd.f32 v45, v44;
	v24 =	vld [tilespmem:s29+$0xFFFFFFA0];
	[tilespmem:$0x1FC70] =	vst v2  }
0x34f: {  	v57 =	vperm.xlane v0, v21;
	v41 =	vld [tilespmem:s17+$0xFFFFFF90];
	v2 =	vperm.xlane v19, v63;
	[tilespmem:$0x1FD00] =	vst v6;
	v6 =	vadd.f32 v4, v40  }
0x350: {  	[tilespmem:$0x1FC10] =	vst v5;
	v7 =	vmul.f32 $1.442695020e+00, v20;
	v0 =	vperm.xlane v0, v63;
	v4 =	vld [tilespmem:s17+$0xFFFFFEA0]  }
0x351: {  	v42 =	vld [tilespmem:s17+$0xFFFFFFA0];
	[tilespmem:$0x1FCA0] =	vst v2;
	(erf) = vpow2.f32 v46;
	v20 =	vpop (erf);
	v23 =	vsub.f32 $0.0e+00, v6  }
0x352: {  	v2 =	vadd.f32 v49, v48;
	(erf) = vpow2.f32 v7;
	[tilespmem:$0x1FCE0] =	vst v0;
	v0 =	vld [tilespmem:s17+$0x0];
	v7 =	vadd.f32 $1.000000000e+00, v20  }
0x353: {  	[tilespmem:$0x1FBF0] =	vst v6;
	v20 =	vsub.f32 $0.0e+00, v5;
	v5 =	vadd.f32 v24, v59;
	v59 =	vld [tilespmem:$0x1FEC0];
	v6 =	vmul.f32 $1.442695020e+00, v23  }
0x354: {  	v35 =	vsub.f32 $0.0e+00, v2;
	v53 =	vpop (erf);
	v23 =	vld [tilespmem:s29+$0xFFFFFF90]  }
0x355: {  	v19 =	vadd.f32 $1.000000000e+00, v53;
	v55 =	vpop (erf);
	v40 =	vadd.f32 v47, v4;
	v4 =	vld [tilespmem:s17+$0xFFFFFF10];
	(erf) = vpow2.f32 v6  }
0x356: {  	[tilespmem:$0x1FC20] =	vst v2;
	v2 =	vadd.f32 v52, v51;
	v53 =	vld [tilespmem:s29+$0x30];
	v61 =	vadd.f32 $1.000000000e+00, v55;
	v33 =	vpop (erf);
	(erf) = vrcp.f32 v7  }
0x357: {  	v37 =	vmul.f32 $1.442695020e+00, v20;
	v20 =	vld [tilespmem:s29+$0xFFFFFFB0];
	v14 =	vadd.f32 $1.000000000e+00, v33;
	(erf) = vrcp.f32 v19  }
0x358: {  	v47 =	vld [tilespmem:s29+$0x0];
	(erf) = vrcp.f32 v61  }
0x359: {  	v38 =	vsub.f32 $0.0e+00, v2;
	v7 =	vld [tilespmem:s17+$0x30];
	(erf) = vrcp.f32 v14  }
0x35a: {  	[tilespmem:$0x1FC30] =	vst v2;
	v39 =	vpop (erf);
	v34 =	vsub.f32 $0.0e+00, v40;
	v2 =	vadd.f32 v23, v4;
	v4 =	vld [tilespmem:s17+$0xFFFFFF80]  }
0x35b: {  	v27 =	vperm.xlane v8, v21;
	[tilespmem:s11+$0xD0] =	vst v18;
	v18 =	vmul.f32 $1.442695020e+00, v50;
	v24 =	vpop (erf);
	v23 =	vld [tilespmem:s29+$0xFFFFFFC0]  }
0x35c: {  	v1 =	vperm.xlane v1, v63;
	v17 =	vmul.f32 $1.442695020e+00, v34;
	v34 =	vadd.f32 $1.000000000e+00, v24;
	v24 =	vld [tilespmem:s29+$0xFFFFFFD0]  }
0x35d: {  	v19 =	vmul.f32 $1.442695020e+00, v35;
	v61 =	vld [tilespmem:$0x1FEB0];
	[tilespmem:$0x1FC40] =	vst v2;
	v6 =	vsub.f32 $0.0e+00, v2;
	v2 =	vperm.xlane v8, v63  }
0x35e: {  	v31 =	vadd.f32 $1.000000000e+00, v39;
	(erf) = vpow2.f32 v18;
	v18 =	vmul.f32 $1.442695020e+00, v38;
	v38 =	vld [tilespmem:$0x1FFC0];
	v43 =	vpop (erf)  }
0x35f: {  	(erf) = vpow2.f32 v37;
	v63 =	vadd.f32 v47, v0;
	[tilespmem:$0x1FC90] =	vst v2;
	v2 =	vadd.f32 v20, v36;
	v36 =	vld [tilespmem:$0x1FEA0];
	v44 =	vpop (erf)  }
0x360: {  	v26 =	vadd.f32 v53, v7;
	v16 =	vmul.f32 $1.442695020e+00, v6;
	v52 =	vadd.f32 v23, v4;
	v4 =	vld [tilespmem:s17+$0xFFFFFFB0];
	v8 =	vpop (erf)  }
0x361: {  	v6 =	vsub.f32 $0.0e+00, v5;
	v51 =	vadd.f32 v24, v41;
	(erf) = vpow2.f32 v17;
	v23 =	vld [tilespmem:s29+$0xFFFFFFF0];
	v45 =	vpop (erf)  }
0x362: {  	[tilespmem:s11+$0x80] =	vst v15;
	v20 =	vld [tilespmem:s29+$0xFFFFFFE0];
	v17 =	vsub.f32 $0.0e+00, v63;
	v3 =	vmul.f32 v44, v3;
	v8 =	vmul.f32 v8, v9;
	v9 =	vpop (erf)  }
0x363: {  	[tilespmem:$0x1FC50] =	vst v5;
	v5 =	vadd.f32 $1.000000000e+00, v43;
	v25 =	vmul.f32 $1.442695020e+00, v6;
	v9 =	vmul.f32 v9, v11  }
0x364: {  	[tilespmem:$0x1FCB0] =	vst v1;
	v37 =	vld [tilespmem:s29+$0x40];
	v1 =	vsub.f32 $0.0e+00, v2;
	v10 =	vmul.f32 v45, v10;
	v3 =	vmul.f32 v3, v30  }
0x365: {  	v41 =	vld [tilespmem:s29+$0x20];
	v48 =	vsub.f32 $0.0e+00, v51;
	v8 =	vmul.f32 v8, v36;
	v9 =	vmul.f32 v9, v59  }
0x366: {  	[tilespmem:$0x1FC60] =	vst v2;
	v55 =	vadd.f32 v23, v4;
	v4 =	vld [tilespmem:s17+$0x20];
	v10 =	vmul.f32 v10, v61;
	v2 =	vperm.xlane v3, v38  }
0x367: {  	[tilespmem:$0x1FB80] =	vst v5;
	v50 =	vadd.f32 v20, v42;
	v20 =	vld [tilespmem:s29+$0x10];
	v24 =	vperm.xlane v8, v38;
	v5 =	vperm.xlane v9, v38  }
0x368: {  	v46 =	vsub.f32 $0.0e+00, v52;
	v11 =	vld [tilespmem:s17+$0x10];
	v49 =	vperm.xlane v10, v38;
	v3 =	vadd.f32 v3, v2  }
0x369: {  	(erf) = vpow2.f32 v19;
	v8 =	vadd.f32 v8, v24;
	v5 =	vadd.f32 v9, v5;
	v9 =	vld [tilespmem:s17+$0x80]  }
0x36a: {  	[tilespmem:$0x1FAF0] =	vst v27;
	v43 =	vld [tilespmem:s29+$0x50];
	v27 =	vmul.f32 $1.442695020e+00, v48;
	v28 =	vsub.f32 $0.0e+00, v50;
	v10 =	vadd.f32 v10, v49  }
0x36b: {  	v24 =	vmul.f32 $1.442695020e+00, v46;
	v48 =	vadd.f32 v41, v4;
	v4 =	vld [tilespmem:s17+$0x90];
	v3 =	vsel vm0, v3, v8  }
0x36c: {  	v56 =	vld [tilespmem:s29+$0xFFFFFF00];
	v46 =	vmul.f32 $1.442695020e+00, v17;
	v8 =	vperm.xlane v3, v62;
	v5 =	vsel vm0, v10, v5  }
0x36d: {  	v12 =	vld [tilespmem:s17+$0xB0];
	v35 =	vadd.f32 v20, v11;
	v11 =	vsub.f32 $0.0e+00, v55;
	v10 =	vperm.xlane v5, v62  }
0x36e: {  	v7 =	vld [tilespmem:s29+$0x60];
	v41 =	vmul.f32 $1.442695020e+00, v28;
	v45 =	vadd.f32 v3, v8;
	v47 =	vadd.f32 v37, v9  }
0x36f: {  	v19 =	vpop (erf);
	v28 =	vsub.f32 $0.0e+00, v35;
	v44 =	vmul.f32 $1.442695020e+00, v11;
	v11 =	vld [tilespmem:s17+$0xA0];
	v5 =	vadd.f32 v5, v10  }
0x370: {  	v39 =	vpop (erf);
	v33 =	vadd.f32 v43, v4;
	v4 =	vld [tilespmem:s29+$0x80];
	v9 =	vperm.xlane v45, v54;
	v53 =	vsub.f32 $0.0e+00, v47  }
0x371: {  	v23 =	vpop (erf);
	v37 =	vmul.f32 $1.442695020e+00, v28;
	v28 =	vld [tilespmem:s17+$0x100];
	v42 =	vperm.xlane v5, v54  }
0x372: {  	v2 =	vld [tilespmem:s29+$0x90];
	v20 =	vpop (erf);
	(erf) = vpow2.f32 v18;
	v43 =	vmul.f32 $1.442695020e+00, v53;
	v53 =	vsub.f32 $0.0e+00, v33  }
0x373: {  	v17 =	vld [tilespmem:s29+$0x70];
	(erf) = vpow2.f32 v16;
	v45 =	vadd.f32 v9, v45;
	v5 =	vadd.f32 v5, v42  }
0x374: {  	(erf) = vpow2.f32 v25;
	v25 =	vmul.f32 $1.442695020e+00, v53;
	v53 =	vld [tilespmem:$0x1FFD0]  }
0x375: {  	v42 =	vadd.f32 v7, v11;
	v7 =	vld [tilespmem:s17+$0x110];
	v11 =	vperm.xlane v45, v60;
	v18 =	vperm.xlane v5, v60  }
0x376: {  	v6 =	vmul.f32 $1.442695020e+00, v1;
	v14 =	vadd.f32 v4, v28;
	v4 =	vld [tilespmem:s17+$0x130]  }
0x377: {  	v28 =	vld [tilespmem:s29+$0xB0];
	v45 =	vadd.f32 v11, v45;
	v5 =	vadd.f32 v5, v18  }
0x378: {  	v16 =	vld [tilespmem:s17+$0x120];
	v13 =	vadd.f32 v17, v12;
	(erf) = vpow2.f32 v6  }
0x379: {  	v6 =	vld [tilespmem:s17+$0xFFFFFE00];
	v0 =	vsub.f32 $0.0e+00, v14;
	v17 =	vperm.xlane v45, v53;
	v5 =	vperm.xlane v5, v53  }
0x37a: {  	v18 =	vld [tilespmem:s29+$0xA0];
	v12 =	vadd.f32 v2, v7  }
0x37b: {  	v8 =	vmul.f32 $1.442695020e+00, v0;
	v5 =	vsel vm1, v17, v5  }
0x37c: {  	v28 =	vadd.f32 v28, v4;
	v0 =	vsub.f32 $0.0e+00, v12;
	v5 =	vmul.f32 $1.442695020e+00, v5  }
0x37d: {  	v17 =	vadd.f32 $1.000000000e+00, v19;
	v19 =	vpop (erf)  }
0x37e: {  	v7 =	vmul.f32 $1.442695020e+00, v0;
	v0 =	vsub.f32 $0.0e+00, v28;
	v4 =	vpop (erf);
	(erf) = vpow2.f32 v5  }
0x37f: {  	v11 =	vadd.f32 v18, v16;
	v16 =	vadd.f32 v56, v6;
	v56 =	vpop (erf);
	(erf) = vpow2.f32 v24  }
0x380: {  	(erf) = vpow2.f32 v27  }
0x381: {  	(erf) = vpow2.f32 v41  }
0x382: {  	v3 =	vld [tilespmem:s14+$0xFFFFFE40];
	v24 =	vadd.f32 $1.000000000e+00, v4;
	v4 =	vmul.f32 $1.442695020e+00, v0;
	v0 =	vpop (erf);
	(erf) = vpow2.f32 v44  }
0x383: {  	(erf) = vpow2.f32 v46;
	v46 =	vadd.f32 $1.000000000e+00, v0;
	v0 =	vld [tilespmem:$0x1FAD0]  }
0x384: {  	v44 =	vld [tilespmem:s12+$0x170];
	_ =	sdelay $0x1  }
0x385: {  	v2 =	vld [tilespmem:s14+$0xFFFFFEC0]  }
0x386: {  	v10 =	vsub.f32 $0.0e+00, v48;
	v6 =	vld [tilespmem:s14+$0x40];
	v1 =	vsub.f32 $0.0e+00, v16  }
0x387: {  	v0 =	vmul.f32 v0, v3;
	v3 =	vld [tilespmem:$0x1FAE0]  }
0x388: {  	s11 =	smov.u32 s13;
	s13 =	smov.u32 s15;
	v49 =	vmul.f32 $1.442695020e+00, v10;
	v10 =	vsub.f32 $0.0e+00, v26;
	v5 =	vld [tilespmem:s14+$0xFFFFFF40];
	[tilespmem:$0x1FCF0] =	vst v44;
	v44 =	vmul.f32 $1.442695020e+00, v1  }
0x389: {  	(erf) = vpow2.f32 v37;
	[tilespmem:s13+$0xFFFFFEC0] =	vst v0;
	v0 =	vld [tilespmem:$0x1FAF0]  }
0x38a: {  	v9 =	vmul.f32 $1.442695020e+00, v10;
	(erf) = vpow2.f32 v44  }
0x38b: {  	v15 =	vsub.f32 $0.0e+00, v42;
	v27 =	vld [tilespmem:s14+$0xC0];
	(erf) = vpow2.f32 v49  }
0x38c: {  	v1 =	vadd.f32 $1.000000000e+00, v56;
	v56 =	vpop (erf);
	(erf) = vpow2.f32 v9;
	v2 =	vmul.f32 v3, v2  }
0x38d: {  	v45 =	vmul.f32 $1.442695020e+00, v15;
	v15 =	vsub.f32 $0.0e+00, v13;
	v49 =	vpop (erf);
	(erf) = vpow2.f32 v43  }
0x38e: {  	v0 =	vmul.f32 v0, v5;
	[tilespmem:s13+$0xFFFFFF10] =	vst v2;
	v2 =	vmul.f32 v57, v6  }
0x38f: {  	v15 =	vmul.f32 $1.442695020e+00, v15;
	v6 =	vpop (erf);
	(erf) = vpow2.f32 v25  }
0x390: {  	s12 =	smov.u32 s14;
	[tilespmem:s13+$0xFFFFFF60] =	vst v0;
	v0 =	vmul.f32 v58, v27;
	v58 =	vadd.f32 $1.000000000e+00, v6;
	v6 =	vpop (erf);
	(erf) = vpow2.f32 v45  }
0x391: {  	v3 =	vld [tilespmem:s12+$0xFFFFFE50];
	v45 =	vpop (erf);
	(erf) = vpow2.f32 v15  }
0x392: {  	[tilespmem:s13+$0x0] =	vst v2;
	v2 =	vpop (erf);
	(erf) = vpow2.f32 v8;
	v8 =	vld [tilespmem:$0x1FB20];
	_ =	sdelay $0x3  }
0x393: {  	v10 =	vadd.f32 $1.000000000e+00, v39;
	v39 =	vld [tilespmem:s14+$0xFFFFFFC0]  }
0x394: {  	v5 =	vld [tilespmem:$0x1FB00];
	v3 =	vmul.f32 v8, v3  }
0x395: {  	v25 =	vld [tilespmem:s12+$0xFFFFFED0]  }
0x396: {  	[tilespmem:s13+$0xFFFFFED0] =	vst v3;
	v3 =	vld [tilespmem:$0x1FB30];
	_ =	sdelay $0x1  }
0x397: {  	s15 =	sadd.s32 $0x280, s15  }
0x398: {  	[tilespmem:s15+$0x130] =	vst v56;
	v5 =	vmul.f32 v5, v39  }
0x399: {  	v9 =	vld [tilespmem:s17+$0x1C0]  }
0x39a: {  	v41 =	vld [tilespmem:s14+$0x140];
	[tilespmem:s13+$0xFFFFFFB0] =	vst v5;
	v3 =	vmul.f32 v3, v25  }
0x39b: {  	v57 =	vadd.f32 $1.000000000e+00, v49;
	v49 =	vld [tilespmem:s12+$0xFFFFFFD0]  }
0x39c: {  	v44 =	vperm.xlane v56, v21;
	[tilespmem:s13+$0xFFFFFF20] =	vst v3;
	v3 =	vld [tilespmem:$0x1FB50]  }
0x39d: {  	v5 =	vld [tilespmem:$0x1FB10]  }
0x39e: {  	v21 =	vmul.f32 v44, v9  }
0x39f: {  	v27 =	vld [tilespmem:s12+$0xFFFFFF50]  }
0x3a0: {  	[tilespmem:s15+$0xF0] =	vst v21;
	v21 =	vld [tilespmem:$0x1FB40]  }
0x3a1: {  	v18 =	vadd.f32 $1.000000000e+00, v23;
	v23 =	vsub.f32 $0.0e+00, v11;
	[tilespmem:s13+$0x50] =	vst v0;
	v3 =	vmul.f32 v3, v49  }
0x3a2: {  	v5 =	vmul.f32 v5, v41;
	v41 =	vadd.f32 $1.000000000e+00, v2;
	v2 =	vpop (erf);
	(erf) = vpow2.f32 v7;
	v7 =	vld [tilespmem:s12+$0xD0]  }
0x3a3: {  	v23 =	vmul.f32 $1.442695020e+00, v23;
	v9 =	vadd.f32 $1.000000000e+00, v2;
	v2 =	vpop (erf);
	[tilespmem:s13+$0xFFFFFFC0] =	vst v3;
	v3 =	vld [tilespmem:$0x1FB70]  }
0x3a4: {  	v0 =	vpop (erf)  }
0x3a5: {  	v8 =	vld [tilespmem:s12+$0x50];
	(erf) = vpow2.f32 v23;
	v23 =	vmul.f32 v21, v27;
	v27 =	vpop (erf)  }
0x3a6: {  	v21 =	vld [tilespmem:$0x1FB60];
	v44 =	vadd.f32 $1.000000000e+00, v2;
	v2 =	vpop (erf)  }
0x3a7: {  	[tilespmem:s13+$0xFFFFFF70] =	vst v23;
	v23 =	vadd.f32 $1.000000000e+00, v2;
	v2 =	vpop (erf)  }
0x3a8: {  	v3 =	vmul.f32 v3, v7;
	v7 =	vadd.f32 $1.000000000e+00, v2;
	v2 =	vld [tilespmem:$0x1FB80]  }
0x3a9: {  	(erf) = vpow2.f32 v4  }
0x3aa: {  	(erf) = vrcp.f32 v31  }
0x3ab: {  	(erf) = vrcp.f32 v44;
	v8 =	vmul.f32 v21, v8  }
0x3ac: {  	(erf) = vrcp.f32 v34  }
0x3ad: {  	[tilespmem:s13+$0x10] =	vst v8;
	(erf) = vrcp.f32 v2;
	v2 =	vpop (erf)  }
0x3ae: {  	v8 =	vadd.f32 $1.000000000e+00, v2;
	v2 =	vld [tilespmem:s12+$0x60];
	_ =	sdelay $0x2  }
0x3af: {  	[tilespmem:s13+$0xA0] =	vst v5  }
0x3b0: {  	v5 =	vld [tilespmem:s12+$0x150]  }
0x3b1: {  	[tilespmem:$0x1FD10] =	vst v2;
	v2 =	vld [tilespmem:$0x1FB90];
	_ =	sdelay $0x3  }
0x3b2: {  	v4 =	vld [tilespmem:s12+$0xFFFFFE60]  }
0x3b3: {  	[tilespmem:s13+$0x60] =	vst v3;
	v3 =	vmul.f32 v2, v5;
	v2 =	vld [tilespmem:$0x1FBA0];
	_ =	sdelay $0x3  }
0x3b4: {  	v15 =	vadd.f32 $1.000000000e+00, v27;
	v27 =	vld [tilespmem:s12+$0xFFFFFEE0]  }
0x3b5: {  	v4 =	vmul.f32 v2, v4;
	v2 =	vld [tilespmem:$0x1FBB0]  }
0x3b6: {  	v25 =	vadd.f32 $1.000000000e+00, v0;
	v0 =	vld [tilespmem:s17+$0x1D0]  }
0x3b7: {  	(erf) = vrcp.f32 v17  }
0x3b8: {  	v20 =	vadd.f32 $1.000000000e+00, v20;
	v49 =	vpop (erf);
	(erf) = vrcp.f32 v10  }
0x3b9: {  	v39 =	vadd.f32 $1.000000000e+00, v45;
	v45 =	vperm.xlane v56, v22;
	v31 =	vld [tilespmem:s12+$0xFFFFFF60];
	v10 =	vpop (erf);
	(erf) = vrcp.f32 v18  }
0x3ba: {  	v43 =	vpop (erf);
	(erf) = vrcp.f32 v20;
	[tilespmem:s13+$0xFFFFFEE0] =	vst v4;
	v4 =	vld [tilespmem:$0x1FBC0];
	v20 =	vmul.f32 v2, v27  }
0x3bb: {  	v37 =	vld [tilespmem:s12+$0xFFFFFFE0];
	v5 =	vmul.f32 v45, v0  }
0x3bc: {  	v19 =	vadd.f32 $1.000000000e+00, v19;
	[tilespmem:s13+$0xFFFFFF30] =	vst v20;
	v20 =	vld [tilespmem:$0x1FBD0]  }
0x3bd: {  	v44 =	vpop (erf);
	[tilespmem:s15+$0x100] =	vst v5  }
0x3be: {  	(erf) = vrcp.f32 v19;
	v45 =	vpop (erf);
	v27 =	vld [tilespmem:s17+$0x1E0]  }
0x3bf: {  	v21 =	vmul.f32 v4, v31;
	v31 =	vpop (erf);
	(erf) = vrcp.f32 v24  }
0x3c0: {  	v17 =	vadd.f32 $1.000000000e+00, v49;
	v49 =	vpop (erf);
	(erf) = vrcp.f32 v1;
	v1 =	vperm.xlane v56, v29  }
0x3c1: {  	v4 =	vpop (erf);
	(erf) = vrcp.f32 v46;
	v22 =	vmul.f32 v20, v37  }
0x3c2: {  	v6 =	vadd.f32 $1.000000000e+00, v6;
	v20 =	vpop (erf);
	(erf) = vrcp.f32 v57  }
0x3c3: {  	[tilespmem:s13+$0xFFFFFFD0] =	vst v22;
	v22 =	vmul.f32 v1, v27;
	v27 =	vpop (erf);
	(erf) = vrcp.f32 v58  }
0x3c4: {  	v57 =	vpop (erf);
	(erf) = vrcp.f32 v6;
	v6 =	vld [tilespmem:$0x1FBF0];
	_ =	sdelay $0x2  }
0x3c5: {  	[tilespmem:s13+$0xFFFFFF80] =	vst v21;
	v21 =	vld [tilespmem:$0x1FBE0];
	_ =	sdelay $0x1  }
0x3c6: {  	v6 =	vmul.f32 v20, v6;
	v20 =	vld [tilespmem:$0x1FC00]  }
0x3c7: {  	v24 =	vmul.f32 v31, v32;
	v1 =	vpop (erf);
	(erf) = vrcp.f32 v39  }
0x3c8: {  	v16 =	vmul.f32 v49, v16;
	v58 =	vpop (erf);
	(erf) = vrcp.f32 v41  }
0x3c9: {  	v18 =	vadd.f32 $1.000000000e+00, v44;
	v4 =	vmul.f32 v4, v21;
	v21 =	vld [tilespmem:$0x1FC10];
	v44 =	vpop (erf);
	(erf) = vrcp.f32 v9  }
0x3ca: {  	v24 =	vmul.f32 v24, v36;
	[tilespmem:s15+$0x110] =	vst v22;
	v9 =	vpop (erf);
	(erf) = vrcp.f32 v25  }
0x3cb: {  	v19 =	vadd.f32 $1.000000000e+00, v45;
	v45 =	vpop (erf);
	(erf) = vrcp.f32 v15;
	v20 =	vmul.f32 v27, v20;
	v27 =	vld [tilespmem:s17+$0x1F0]  }
0x3cc: {  	v46 =	vld [tilespmem:$0x1FC20];
	v16 =	vmul.f32 v16, v30;
	v49 =	vpop (erf);
	(erf) = vrcp.f32 v23  }
0x3cd: {  	v22 =	vimm.s32 $0x3;
	v1 =	vmul.f32 v1, v40;
	v25 =	vpop (erf);
	(erf) = vrcp.f32 v7;
	v7 =	vld [tilespmem:$0x1FC30]  }
0x3ce: {  	v37 =	vmul.f32 v57, v21;
	v21 =	vperm.xlane v56, v22  }
0x3cf: {  	v4 =	vmul.f32 v4, v61;
	v1 =	vmul.f32 v1, v61  }
0x3d0: {  	v21 =	vmul.f32 v21, v27;
	v27 =	vpop (erf);
	(erf) = vrcp.f32 v8;
	v8 =	vld [tilespmem:$0x1FC40]  }
0x3d1: {  	v56 =	vld [tilespmem:$0x1FC50];
	v15 =	vmul.f32 v58, v46;
	v46 =	vperm.xlane v24, v38  }
0x3d2: {  	v6 =	vmul.f32 v6, v59;
	v7 =	vmul.f32 v44, v7  }
0x3d3: {  	v15 =	vmul.f32 v15, v59;
	v20 =	vmul.f32 v20, v30  }
0x3d4: {  	v7 =	vmul.f32 v7, v30;
	v58 =	vmul.f32 v27, v51  }
0x3d5: {  	v10 =	vadd.f32 $1.000000000e+00, v10;
	v51 =	vperm.xlane v1, v38;
	v8 =	vmul.f32 v9, v8  }
0x3d6: {  	[tilespmem:s13+$0xB0] =	vst v3;
	v3 =	vadd.f32 $1.000000000e+00, v43;
	v9 =	vpop (erf);
	(erf) = vrcp.f32 v17;
	v17 =	vmul.f32 v45, v56  }
0x3d7: {  	v45 =	vperm.xlane v16, v38;
	v23 =	vpop (erf);
	(erf) = vrcp.f32 v10  }
0x3d8: {  	v9 =	vmul.f32 v9, v50;
	v57 =	vpop (erf);
	(erf) = vrcp.f32 v3  }
0x3d9: {  	v3 =	vmul.f32 v25, v52;
	v43 =	vmul.f32 v23, v55  }
0x3da: {  	v8 =	vmul.f32 v8, v36;
	v17 =	vmul.f32 v17, v61  }
0x3db: {  	v52 =	vperm.xlane v15, v38;
	v55 =	vperm.xlane v7, v38  }
0x3dc: {  	v25 =	vpop (erf);
	(erf) = vrcp.f32 v18;
	v39 =	vmul.f32 v57, v63  }
0x3dd: {  	v18 =	vmul.f32 v58, v36;
	v9 =	vmul.f32 v9, v61  }
0x3de: {  	v10 =	vld [tilespmem:$0x1FC60];
	v27 =	vpop (erf);
	(erf) = vrcp.f32 v19;
	v25 =	vmul.f32 v25, v35  }
0x3df: {  	v24 =	vadd.f32 v24, v46;
	v3 =	vmul.f32 v3, v30;
	v19 =	vmul.f32 v43, v59  }
0x3e0: {  	v1 =	vadd.f32 v1, v51;
	v56 =	vperm.xlane v8, v38;
	v57 =	vperm.xlane v17, v38  }
0x3e1: {  	v16 =	vadd.f32 v16, v45;
	v27 =	vmul.f32 v27, v48;
	v48 =	vperm.xlane v6, v38  }
0x3e2: {  	v15 =	vadd.f32 v15, v52;
	v23 =	vpop (erf);
	v45 =	vperm.xlane v18, v38;
	v41 =	vperm.xlane v9, v38  }
0x3e3: {  	v7 =	vadd.f32 v7, v55;
	v10 =	vmul.f32 v49, v10;
	v23 =	vmul.f32 v23, v26  }
0x3e4: {  	v16 =	vsel vm0, v16, v24;
	v25 =	vmul.f32 v25, v36;
	v49 =	vperm.xlane v20, v38  }
0x3e5: {  	v44 =	vpop (erf);
	v35 =	vperm.xlane v3, v38;
	v8 =	vadd.f32 v8, v56;
	v17 =	vadd.f32 v17, v57  }
0x3e6: {  	v1 =	vsel vm0, v1, v15;
	v26 =	vpop (erf);
	v29 =	vmul.f32 v44, v47;
	v27 =	vmul.f32 v27, v61  }
0x3e7: {  	[tilespmem:s15+$0x120] =	vst v21;
	v47 =	vperm.xlane v4, v38;
	v6 =	vadd.f32 v6, v48;
	v21 =	vmul.f32 v26, v33  }
0x3e8: {  	v18 =	vadd.f32 v18, v45;
	v26 =	vpop (erf);
	v33 =	vmul.f32 v37, v36;
	v10 =	vmul.f32 v10, v59  }
0x3e9: {  	v23 =	vmul.f32 v23, v59;
	v20 =	vadd.f32 v20, v49;
	v22 =	vmul.f32 v26, v42  }
0x3ea: {  	v26 =	vpop (erf);
	v29 =	vmul.f32 v29, v30;
	v4 =	vadd.f32 v4, v47;
	v47 =	vperm.xlane v25, v38  }
0x3eb: {  	v3 =	vadd.f32 v3, v35;
	v13 =	vmul.f32 v26, v13;
	v21 =	vmul.f32 v21, v36  }
0x3ec: {  	v7 =	vsel vm0, v7, v8;
	v26 =	vpop (erf);
	v50 =	vperm.xlane v33, v38;
	v58 =	vperm.xlane v10, v38  }
0x3ed: {  	v48 =	vperm.xlane v23, v38;
	v3 =	vsel vm0, v3, v18;
	v14 =	vmul.f32 v26, v14  }
0x3ee: {  	v26 =	vpop (erf);
	v22 =	vmul.f32 v22, v61;
	v4 =	vsel vm0, v4, v6;
	v44 =	vperm.xlane v3, v62  }
0x3ef: {  	v6 =	vadd.f32 v9, v41;
	v12 =	vmul.f32 v26, v12;
	v13 =	vmul.f32 v13, v59  }
0x3f0: {  	v24 =	vadd.f32 v25, v47;
	v26 =	vpop (erf);
	v49 =	vperm.xlane v21, v38;
	v41 =	vperm.xlane v4, v62  }
0x3f1: {  	v33 =	vadd.f32 v33, v50;
	v11 =	vmul.f32 v26, v11;
	v26 =	vpop (erf);
	v14 =	vmul.f32 v14, v30  }
0x3f2: {  	v10 =	vadd.f32 v10, v58;
	v43 =	vperm.xlane v22, v38;
	v26 =	vmul.f32 v26, v28  }
0x3f3: {  	v23 =	vadd.f32 v23, v48;
	v28 =	vmul.f32 v39, v30;
	v12 =	vmul.f32 v12, v36  }
0x3f4: {  	v3 =	vadd.f32 v3, v44;
	v39 =	vperm.xlane v29, v38;
	v50 =	vperm.xlane v13, v38  }
0x3f5: {  	v21 =	vadd.f32 v21, v49;
	v11 =	vmul.f32 v11, v61;
	v61 =	vperm.xlane v27, v38  }
0x3f6: {  	v10 =	vsel vm0, v17, v10;
	v40 =	vperm.xlane v14, v38;
	v26 =	vmul.f32 v26, v59  }
0x3f7: {  	v4 =	vadd.f32 v4, v41;
	v59 =	vperm.xlane v19, v38;
	v37 =	vperm.xlane v28, v38  }
0x3f8: {  	v56 =	vperm.xlane v12, v38;
	v8 =	vadd.f32 v29, v39;
	v13 =	vadd.f32 v13, v50  }
0x3f9: {  	v47 =	vperm.xlane v4, v54;
	v57 =	vperm.xlane v11, v38;
	v61 =	vadd.f32 v27, v61  }
0x3fa: {  	v14 =	vadd.f32 v14, v40;
	v58 =	vperm.xlane v26, v38;
	v9 =	vadd.f32 v19, v59  }
0x3fb: {  	v59 =	vsel vm0, v20, v33;
	v20 =	vadd.f32 v28, v37;
	v38 =	vadd.f32 v22, v43  }
0x3fc: {  	v12 =	vadd.f32 v12, v56;
	v8 =	vsel vm0, v8, v21;
	v43 =	vperm.xlane v7, v62  }
0x3fd: {  	v21 =	vperm.xlane v10, v62;
	v4 =	vadd.f32 v4, v47;
	v15 =	vsel vm0, v61, v23  }
0x3fe: {  	v42 =	vperm.xlane v59, v62;
	v6 =	vsel vm0, v6, v9;
	v9 =	vadd.f32 v11, v57  }
0x3ff: {  	v11 =	vadd.f32 v26, v58;
	v40 =	vsel vm0, v20, v24;
	v13 =	vsel vm0, v38, v13  }
0x400: {  	v12 =	vsel vm0, v14, v12;
	v20 =	vperm.xlane v1, v62;
	v23 =	vperm.xlane v15, v62  }
0x401: {  	v7 =	vadd.f32 v7, v43;
	v10 =	vadd.f32 v10, v21;
	v52 =	vperm.xlane v4, v60  }
0x402: {  	v22 =	vperm.xlane v6, v62;
	v17 =	vadd.f32 v59, v42;
	v45 =	vperm.xlane v40, v62  }
0x403: {  	v24 =	vperm.xlane v13, v62;
	v9 =	vsel vm0, v9, v11;
	v11 =	vperm.xlane v16, v62  }
0x404: {  	v46 =	vperm.xlane v12, v62;
	v1 =	vadd.f32 v1, v20;
	v20 =	vperm.xlane v8, v62  }
0x405: {  	v15 =	vadd.f32 v15, v23;
	v49 =	vperm.xlane v7, v54;
	v11 =	vadd.f32 v16, v11  }
0x406: {  	v21 =	vperm.xlane v10, v54;
	v4 =	vadd.f32 v4, v52;
	v6 =	vadd.f32 v6, v22  }
0x407: {  	v18 =	vadd.f32 v40, v45;
	v48 =	vperm.xlane v17, v54;
	v26 =	vperm.xlane v11, v54  }
0x408: {  	v13 =	vadd.f32 v13, v24;
	v8 =	vadd.f32 v8, v20;
	v20 =	vperm.xlane v1, v54  }
0x409: {  	v25 =	vperm.xlane v9, v62;
	v12 =	vadd.f32 v12, v46;
	v11 =	vadd.f32 v26, v11  }
0x40a: {  	v22 =	vperm.xlane v3, v54;
	v17 =	vadd.f32 v48, v17;
	v1 =	vadd.f32 v1, v20  }
0x40b: {  	v24 =	vperm.xlane v15, v54;
	v7 =	vadd.f32 v49, v7;
	v27 =	vperm.xlane v11, v60  }
0x40c: {  	v10 =	vadd.f32 v10, v21;
	v21 =	vperm.xlane v17, v60;
	v55 =	vperm.xlane v1, v60  }
0x40d: {  	v4 =	vperm.xlane v4, v53;
	v23 =	vperm.xlane v6, v54;
	v11 =	vadd.f32 v27, v11  }
0x40e: {  	v50 =	vperm.xlane v18, v54;
	v17 =	vadd.f32 v21, v17;
	v1 =	vadd.f32 v1, v55  }
0x40f: {  	v9 =	vadd.f32 v9, v25;
	v25 =	vperm.xlane v13, v54;
	v11 =	vperm.xlane v11, v53  }
0x410: {  	v3 =	vadd.f32 v22, v3;
	v61 =	vperm.xlane v17, v53;
	v1 =	vperm.xlane v1, v53  }
0x411: {  	v51 =	vperm.xlane v8, v54;
	v20 =	vperm.xlane v12, v54;
	v4 =	vsel vm1, v11, v4  }
0x412: {  	v0 =	vld [tilespmem:s12+$0xE0];
	v15 =	vadd.f32 v15, v24;
	v1 =	vsel vm1, v61, v1;
	v4 =	vmul.f32 $1.442695020e+00, v4  }
0x413: {  	v5 =	vld [tilespmem:s12+$0xFFFFFE70];
	v56 =	vperm.xlane v7, v60;
	v6 =	vadd.f32 v6, v23;
	v1 =	vmul.f32 $1.442695020e+00, v1  }
0x414: {  	v14 =	vadd.f32 v50, v18;
	v22 =	vperm.xlane v3, v60;
	(erf) = vpow2.f32 v4;
	v4 =	vld [tilespmem:$0x1FD10]  }
0x415: {  	v13 =	vadd.f32 v13, v25;
	v26 =	vperm.xlane v9, v54;
	(erf) = vpow2.f32 v1;
	v1 =	vld [tilespmem:$0x1FD00]  }
0x416: {  	v2 =	vld [tilespmem:s12+$0x160];
	v8 =	vadd.f32 v51, v8;
	v12 =	vadd.f32 v20, v12;
	v20 =	vperm.xlane v10, v60  }
0x417: {  	v34 =	vld [tilespmem:s12+$0xFFFFFEF0];
	v7 =	vadd.f32 v56, v7;
	v57 =	vperm.xlane v6, v60;
	v23 =	vperm.xlane v14, v60  }
0x418: {  	v31 =	vld [tilespmem:s12+$0xFFFFFF70];
	v21 =	vperm.xlane v15, v60;
	v58 =	vperm.xlane v13, v60;
	v3 =	vadd.f32 v22, v3  }
0x419: {  	v32 =	vld [tilespmem:s12+$0xFFFFFFF0];
	v9 =	vadd.f32 v9, v26;
	v24 =	vperm.xlane v8, v60;
	v25 =	vperm.xlane v12, v60  }
0x41a: {  	v35 =	vld [tilespmem:$0x1FC90];
	v10 =	vadd.f32 v10, v20;
	v6 =	vadd.f32 v6, v57;
	v1 =	vmul.f32 v1, v4  }
0x41b: {  	v7 =	vperm.xlane v7, v53;
	v14 =	vadd.f32 v23, v14;
	v15 =	vadd.f32 v15, v21;
	v4 =	vld [tilespmem:$0x1FD20]  }
0x41c: {  	v13 =	vadd.f32 v13, v58;
	v3 =	vperm.xlane v3, v53;
	v10 =	vperm.xlane v10, v53;
	[tilespmem:s13+$0x20] =	vst v1;
	v1 =	vld [tilespmem:$0x1FD30]  }
0x41d: {  	v30 =	vld [tilespmem:$0x1FC70];
	v59 =	vperm.xlane v9, v60;
	v8 =	vadd.f32 v24, v8;
	v6 =	vperm.xlane v6, v53  }
0x41e: {  	v36 =	vld [tilespmem:$0x1FC80];
	v12 =	vadd.f32 v25, v12;
	v7 =	vsel vm1, v7, v10;
	v10 =	vperm.xlane v14, v53  }
0x41f: {  	v39 =	vld [tilespmem:$0x1FCC0];
	v3 =	vsel vm1, v3, v6;
	v6 =	vperm.xlane v8, v53;
	v8 =	vperm.xlane v13, v53  }
0x420: {  	v33 =	vld [tilespmem:$0x1FCA0];
	v9 =	vadd.f32 v9, v59;
	v11 =	vperm.xlane v15, v53;
	v0 =	vmul.f32 v4, v0  }
0x421: {  	v28 =	vld [tilespmem:$0x1FCB0];
	v7 =	vmul.f32 $1.442695020e+00, v7;
	v2 =	vmul.f32 v1, v2  }
0x422: {  	s16 =	sadd.s32 $0x8, s16;
	v9 =	vperm.xlane v9, v53;
	v10 =	vsel vm1, v10, v11;
	v11 =	vperm.xlane v12, v53;
	[tilespmem:s13+$0x70] =	vst v0;
	v0 =	vld [tilespmem:$0x1FD40]  }
0x423: {  	p2 =	slt.u32 s16, $0x48;
	v3 =	vmul.f32 $1.442695020e+00, v3;
	v6 =	vsel vm1, v6, v8;
	[tilespmem:s13+$0xC0] =	vst v2;
	v2 =	vld [tilespmem:$0x1FD50]  }
.Ltmp1:
0x424: {  	v22 =	vld [tilespmem:$0x1FCD0];
	v8 =	vsel vm1, v11, v9;
	v9 =	vmul.f32 $1.442695020e+00, v10;
	(erf) = vpow2.f32 v7;
	(pc) =	sbr.rel @p2 .LBB2_5-.Ltmp1, $4  }
0x425: {  	v23 =	vld [tilespmem:$0x1FCE0];
	v6 =	vmul.f32 $1.442695020e+00, v6;
	(erf) = vpow2.f32 v3  }
0x426: {  	v25 =	vld [tilespmem:$0x1FCF0];
	(erf) = vpow2.f32 v9  }
0x427: {  	v63 =	vimm.s32 $0x3;
	v8 =	vmul.f32 $1.442695020e+00, v8;
	(erf) = vpow2.f32 v6;
	v4 =	vld [tilespmem:s12+$0x70]  }
0x428: {  	s14 =	smov.u32 s17;
	s17 =	sadd.s32 $0x400, s17;
	v1 =	vperm.xlane v0, v63;
	v0 =	vld [tilespmem:s12+$0xF0];
	v3 =	vperm.xlane v2, v63  }
0x429: {  	v2 =	vmul.f32 v30, v5  }
0x42a: {  	v5 =	vmul.f32 v33, v34  }
0x42b: {  	(erf) = vpow2.f32 v8;
	v13 =	vmul.f32 v35, v31;
	[tilespmem:s13+$0xFFFFFEF0] =	vst v2  }
0x42c: {  	[tilespmem:s13+$0xFFFFFF40] =	vst v5  }
0x42d: {  	[tilespmem:s13+$0xFFFFFF90] =	vst v13;
	v2 =	vpop (erf)  }
0x42e: {  	v17 =	vmul.f32 v28, v32;
	[tilespmem:s15+$0xFFFFFF00] =	vst v2;
	v5 =	vpop (erf)  }
0x42f: {  	[tilespmem:s15+$0xFFFFFF50] =	vst v5;
	v8 =	vld [tilespmem:s14+$0xFFFFFE40]  }
0x430: {  	[tilespmem:s13+$0xFFFFFFE0] =	vst v17;
	v6 =	vpop (erf);
	v10 =	vld [tilespmem:s14+$0xFFFFFEC0]  }
0x431: {  	v21 =	vimm.s32 $0x0;
	[tilespmem:s15+$0xFFFFFFA0] =	vst v6;
	v7 =	vpop (erf)  }
0x432: {  	v14 =	vperm.xlane v2, v21;
	[tilespmem:s15+$0xFFFFFFF0] =	vst v7;
	v9 =	vpop (erf);
	v12 =	vld [tilespmem:s14+$0xFFFFFF40]  }
0x433: {  	v18 =	vperm.xlane v5, v21;
	[tilespmem:s15+$0x40] =	vst v9;
	v11 =	vpop (erf);
	v16 =	vld [tilespmem:s14+$0xFFFFFFC0]  }
0x434: {  	[tilespmem:s15+$0x90] =	vst v11;
	v15 =	vpop (erf);
	v19 =	vld [tilespmem:s14+$0x40];
	v8 =	vmul.f32 v14, v8  }
0x435: {  	v20 =	vperm.xlane v6, v21;
	[tilespmem:s15+$0xE0] =	vst v15;
	v51 =	vld [tilespmem:s14+$0xC0];
	v10 =	vmul.f32 v18, v10  }
0x436: {  	v4 =	vmul.f32 v23, v4;
	v50 =	vperm.xlane v7, v21;
	v53 =	vld [tilespmem:s14+$0x140];
	[tilespmem:s15+$0xFFFFFEC0] =	vst v8  }
0x437: {  	v52 =	vperm.xlane v9, v21;
	v8 =	vmul.f32 v20, v12;
	v55 =	vld [tilespmem:s14+$0xFFFFFE50];
	[tilespmem:s15+$0xFFFFFF10] =	vst v10  }
0x438: {  	[tilespmem:s13+$0x30] =	vst v4;
	v56 =	vperm.xlane v11, v21;
	v13 =	vmul.f32 v50, v16;
	v58 =	vld [tilespmem:s14+$0xFFFFFED0]  }
0x439: {  	v61 =	vimm.s32 $0x1;
	v57 =	vmul.f32 v52, v19;
	[tilespmem:s15+$0xFFFFFF60] =	vst v8;
	v8 =	vperm.xlane v15, v21  }
0x43a: {  	v21 =	vperm.xlane v2, v61;
	v59 =	vld [tilespmem:s14+$0xFFFFFF50];
	[tilespmem:s15+$0xFFFFFFB0] =	vst v13;
	v10 =	vmul.f32 v56, v51  }
0x43b: {  	v24 =	vperm.xlane v5, v61;
	v23 =	vld [tilespmem:s14+$0xFFFFFFD0];
	[tilespmem:s15+$0x0] =	vst v57;
	v4 =	vmul.f32 v8, v53  }
0x43c: {  	v8 =	vld [tilespmem:s14+$0x50];
	[tilespmem:s15+$0x50] =	vst v10;
	v12 =	vmul.f32 v21, v55  }
0x43d: {  	v26 =	vperm.xlane v6, v61;
	v28 =	vld [tilespmem:s14+$0xD0];
	[tilespmem:s15+$0xA0] =	vst v4;
	v4 =	vmul.f32 v24, v58  }
0x43e: {  	v35 =	vmul.f32 v39, v22;
	v27 =	vperm.xlane v7, v61;
	v30 =	vld [tilespmem:s14+$0x150];
	[tilespmem:s15+$0xFFFFFED0] =	vst v12  }
0x43f: {  	v29 =	vperm.xlane v9, v61;
	v31 =	vmul.f32 v26, v59;
	v32 =	vld [tilespmem:s14+$0xFFFFFE60];
	[tilespmem:s15+$0xFFFFFF20] =	vst v4  }
0x440: {  	[tilespmem:s11+$0x80] =	vst v35;
	v33 =	vperm.xlane v11, v61;
	v4 =	vmul.f32 v27, v23;
	v34 =	vld [tilespmem:s14+$0xFFFFFEE0]  }
0x441: {  	v39 =	vimm.s32 $0x2;
	v37 =	vperm.xlane v15, v61;
	[tilespmem:s15+$0xFFFFFF70] =	vst v31;
	v8 =	vmul.f32 v29, v8  }
0x442: {  	v38 =	vld [tilespmem:s14+$0xFFFFFF60];
	[tilespmem:s15+$0xFFFFFFC0] =	vst v4;
	v4 =	vperm.xlane v2, v39;
	v10 =	vmul.f32 v33, v28  }
0x443: {  	v40 =	vld [tilespmem:s14+$0xFFFFFFE0];
	[tilespmem:s15+$0x10] =	vst v8;
	v8 =	vperm.xlane v5, v39;
	v12 =	vmul.f32 v37, v30  }
0x444: {  	v41 =	vld [tilespmem:s14+$0x60];
	[tilespmem:s15+$0x60] =	vst v10;
	v4 =	vmul.f32 v4, v32  }
0x445: {  	v42 =	vperm.xlane v6, v39;
	[tilespmem:s15+$0xB0] =	vst v12;
	v8 =	vmul.f32 v8, v34  }
0x446: {  	v0 =	vmul.f32 v1, v0;
	v43 =	vperm.xlane v7, v39;
	v44 =	vld [tilespmem:s14+$0xE0];
	[tilespmem:s15+$0xFFFFFEE0] =	vst v4  }
0x447: {  	v45 =	vperm.xlane v9, v39;
	v46 =	vld [tilespmem:s14+$0x160];
	v4 =	vmul.f32 v42, v38;
	[tilespmem:s15+$0xFFFFFF30] =	vst v8  }
0x448: {  	[tilespmem:s13+$0x80] =	vst v0;
	v8 =	vmul.f32 v43, v40;
	v49 =	vld [tilespmem:s14+$0xFFFFFEF0]  }
0x449: {  	v48 =	vperm.xlane v11, v39;
	v55 =	vld [tilespmem:s12+$0x170];
	[tilespmem:s15+$0xFFFFFF80] =	vst v4;
	v4 =	vmul.f32 v45, v41  }
0x44a: {  	v50 =	vmul.f32 v36, v25;
	v51 =	vperm.xlane v15, v39;
	v52 =	vld [tilespmem:s14+$0xFFFFFF70];
	[tilespmem:s15+$0xFFFFFFD0] =	vst v8  }
0x44b: {  	v47 =	vld [tilespmem:s14+$0xFFFFFE70];
	v10 =	vmul.f32 v48, v44;
	[tilespmem:s15+$0x20] =	vst v4;
	v4 =	vperm.xlane v5, v63  }
0x44c: {  	[tilespmem:s11+$0xD0] =	vst v50;
	v8 =	vld [tilespmem:s14+$0xFFFFFFF0];
	v5 =	vmul.f32 v51, v46  }
0x44d: {  	v6 =	vperm.xlane v6, v63;
	v53 =	vld [tilespmem:s14+$0x70];
	[tilespmem:s15+$0x70] =	vst v10;
	v4 =	vmul.f32 v4, v49  }
0x44e: {  	v2 =	vperm.xlane v2, v63;
	v59 =	vmul.f32 v3, v55;
	[tilespmem:s15+$0xC0] =	vst v5;
	v56 =	vld [tilespmem:s14+$0xF0]  }
0x44f: {  	v7 =	vperm.xlane v7, v63;
	v6 =	vmul.f32 v6, v52;
	[tilespmem:s15+$0xFFFFFF40] =	vst v4;
	v4 =	vld [tilespmem:s14+$0x170]  }
0x450: {  	[tilespmem:s13+$0xD0] =	vst v59;
	v2 =	vmul.f32 v2, v47;
	v5 =	vperm.xlane v9, v63  }
0x451: {  	v57 =	vmul.f32 v7, v8;
	[tilespmem:s15+$0xFFFFFF90] =	vst v6;
	v6 =	vperm.xlane v11, v63  }
0x452: {  	v58 =	vperm.xlane v15, v63;
	[tilespmem:s15+$0xFFFFFEF0] =	vst v2;
	v5 =	vmul.f32 v5, v53  }
0x453: {  	s10 =	smul.u32 $0x140, s10;
	p2 =	sne.s32 s3, $0xFA;
	[tilespmem:s15+$0xFFFFFFE0] =	vst v57;
	v61 =	vmul.f32 v6, v56  }
.Ltmp2:
0x454: {  	[tilespmem:s15+$0x30] =	vst v5;
	v1 =	vmul.f32 v58, v4;
	(pc) =	sbr.rel @p2 .LBB2_4-.Ltmp2, $4  }
0x455: {  	[tilespmem:s15+$0x80] =	vst v61  }
0x456: {  	s10 =	sshrl.u32 s10, $0x2;
	[tilespmem:s15+$0xD0] =	vst v1  }
0x457: {  	p1 =	por !p1, !p1;
	s10 =	sadd.s32 $0x40, s10;
	v36 =	vld [tilespmem:$0x1FFC0]  }
0x458: {  	v6 =	vmov v60;
	[spmem:s2] =	stream.indirect.scatter.add.f32 [tilespmem:s28], [sflag:s9], $0x50, s10, s30, $0xb8;
	v60 =	vld [tilespmem:$0x1FFD0]  }
0x459: {  	_ =	swait.ge [sflag:s31], $0x1900  }
0x45a: {  	[sflag:s31] =	ssyncset.done $0x0  }
0x45b: {  	[sflag:s31] =	ssyncadd.s32 $0xFFFFE700  }
0x45c: {  	_ =	swait.ge [sflag:s0], $0x1900  }
0x45d: {  	[sflag:s0] =	ssyncset.done $0x0  }
0x45e: {  	s3 =	stileid.u32;
	[sflag:s0] =	ssyncadd.s32 $0xFFFFE700  }
0x45f: {  	s3 =	sshll.u32 s3, $0x6;
	[bflag:$0x0] =	sbarrier.arrive $0xFFFF  }
0x460: {  	s3 =	sor.u32 $0x1C03, s3;
	s9 =	rddreg [dreg:$0xb]  }
0x461: {  	[hbm:s9], [sflag:s3] =	dma.local [spmem:s22], $0x7D0  }
0x462: {  	_ =	swait.ge [sflag:s26], $0x7D0  }
0x463: {  	[sflag:s26] =	ssyncset.done $0x0  }
0x464: {  	s29 =	rddreg [dreg:$0xc];
	[sflag:s26] =	ssyncadd.s32 $0xFFFFF830  }
0x465: {  	[hbm:s29], [sflag:s3] =	dma.local [spmem:s23], $0x7D0  }
0x466: {  	_ =	swait.ge [sflag:s26], $0x7D0  }
0x467: {  	[sflag:s26] =	ssyncset.done $0x0  }
0x468: {  	[sflag:s26] =	ssyncadd.s32 $0xFFFFF830  }
0x469: {  	[hbm:s18], [sflag:s3] =	dma.local [spmem:s24], $0x7D0  }
0x46a: {  	_ =	swait.ge [sflag:s26], $0x7D0  }
0x46b: {  	s4 =	sadd.s32 $0x1, s4;
	[sflag:s26] =	ssyncset.done $0x0  }
0x46c: {  	p1 =	sne.s32 s4, s20;
	[sflag:s26] =	ssyncadd.s32 $0xFFFFF830  }
0x46d: {  	[hbm:s19], [sflag:s3] =	dma.local @!p0 [spmem:s25], $0x7D0  }
.Ltmp3:
0x46e: {  	_ = 	snop;
	(pc) =	sbr.rel @p1 .LBB2_1-.Ltmp3, $4  }
0x46f: {  	s3 =	simm.s32 @!p0 $0x3  }
0x470: {  	_ =	swait.ge @!p0 [sflag:s3], $0x7D0  }
0x471: {  	[sflag:s3] =	ssyncset.done @!p0 $0x0  }
0x472: {  	v2 =	vimm.f32 $0.0e+00;
	[sflag:s3] =	ssyncadd.s32 @!p0 $0xFFFFF830  }
0x473: {  	_ =	sfence.sel $0x180000  }
0x474: {  	[bflag:$0x0] =	sbarrier.arrive $0xFFFF  }
0x475: {  	_ =	strace $0x90000047  }
0x476: {  	s0 =	stileid.u32;
	[bflag:$0x2] =	sbarrier.arrive $0xFFFF  }
0x477: {  	p0 =	sne.s32 s0, $0x0;
	s0 =	rddreg [dreg:$0x3]  }
0x478: {  	s0 =	sadd.s32 @!p0 $0x100000, s0  }
0x479: {  	[sflag:s0] =	ssyncadd.tile.s32 @!p0 $0x1;
	_ =	shalt  }
.Lfunc_end2:
_tile_overlayer_lowered:
.L_overlay_start_2:
0x47a: {  	(tag) =	ssettag $0x2  }
0x47b: {  	s0 =	rddreg [dreg:$0x0];
	s2 =	stileid.u32  }
0x47c: {  	s1 =	rddreg [dreg:$0x1];
	p0 =	sne.s32 s2, $0x0  }
0x47d: {  	s3 =	rddreg [dreg:$0x2];
	[bflag:$0x3] =	sbarrier.arrive $0xFFFF;
	s2 =	simm.s32 @!p0 $0x1C03  }
0x47e: {  	[timem:s3], [sflag:s2] =	dma.local @!p0 [hbm:s0], s1  }
0x47f: {  	s0 =	simm.s32 @!p0 $0x3  }
0x480: {  	_ =	swait.ge @!p0 [sflag:s0], s1  }
0x481: {  	s1 =	ssub.s32 @!p0 $0x0, s1;
	[sflag:s0] =	ssyncset.done @!p0 $0x0  }
0x482: {  	[sflag:s0] =	ssyncadd.s32 @!p0 s1  }
0x483: {  	[bflag:$0x3] =	sbarrier.arrive $0xFFFF  }
0x484: {  	_ =	shalt  }

</sc_bundles>
